<compile_context>
chip_gen: v7x
topology: tpu7x:2x2x1
jax: 0.10.2.dev20260603
libtpu: 0.0.44.dev20260713+nightly
codegen_flags: <defaults>
</compile_context>

<pallas_src>
import functools

import jax
import jax.numpy as jnp
from jax import lax
from jax.experimental import pallas as pl
from jax.experimental.pallas import tpu as pltpu
from jax.experimental.pallas import tpu_sc as plsc

CLS = 100000
D = 128
B = 16384
NC = 2
NS = 16
NW = NC * NS
SPT = B // NW
ZPT = ((CLS + NS * 16 - 1) // (NS * 16)) * 16
HBINS = ZPT * NS
CHUNK = 128
NCHUNK = SPT // CHUNK
GRP = CHUNK // 16


def _rsqrt(x):
    i = plsc.bitcast(x, jnp.int32)
    i = 0x5F3759DF - lax.shift_right_arithmetic(i, 1)
    y = plsc.bitcast(i, jnp.float32)
    for _ in range(2):
        y = y * (1.5 - 0.5 * x * y * y)
    return y


@functools.partial(
    pl.kernel,
    out_type=jax.ShapeDtypeStruct((NW, 16), jnp.float32),
    mesh=plsc.VectorSubcoreMesh(
        core_axis_name="c", subcore_axis_name="s", num_cores=NC, num_subcores=NS
    ),
    compiler_params=pltpu.CompilerParams(needs_layout_passes=False),
    scratch_types=[
        pltpu.VMEM_SHARED((HBINS,), jnp.int32),
        pltpu.VMEM((8, 128), jnp.int32),
        pltpu.VMEM((NCHUNK, 128), jnp.int32),
        pltpu.VMEM((SPT,), jnp.int32),
        pltpu.VMEM((128,), jnp.int32),
        pltpu.VMEM((ZPT,), jnp.int32),
        pltpu.VMEM((CHUNK, D), jnp.float32),
        pltpu.VMEM((CHUNK, D), jnp.float32),
        pltpu.VMEM((SPT, D), jnp.float32),
        pltpu.VMEM((SPT,), jnp.float32),
        pltpu.VMEM((SPT,), jnp.float32),
        pltpu.VMEM((SPT,), jnp.float32),
        pltpu.VMEM((16,), jnp.float32),
        pltpu.SemaphoreType.DMA,
        pltpu.SemaphoreType.DMA,
        pltpu.SemaphoreType.DMA,
        pltpu.SemaphoreType.DMA,
        pltpu.SemaphoreType.DMA,
        pltpu.SemaphoreType.DMA,
    ],
)
def _center_loss_sc(f_hbm, t2_hbm, c_hbm, out_hbm,
                    hist, tscat, tmine, cnt, ones, zbuf, fb0, fb1, cbuf,
                    sffb, sfcb, sccb, part,
                    sem_t, sem_s, sem_c, sem_n, sem_f0, sem_f1):
    cc = lax.axis_index("c")
    ss = lax.axis_index("s")
    wid = ss * NC + cc
    fb = (fb0, fb1)
    sem_f = (sem_f0, sem_f1)

    df = [None] * NCHUNK
    for k in range(2):
        df[k] = pltpu.async_copy(
            f_hbm.at[pl.ds(wid * SPT + k * CHUNK, CHUNK)], fb[k], sem_f[k]
        )
    dts = pltpu.async_copy(t2_hbm.at[pl.ds(ss * 8, 8)], tscat, sem_t)
    dtm = pltpu.async_copy(t2_hbm.at[pl.ds(wid * NCHUNK, NCHUNK)], tmine, sem_t)

    zero16 = jnp.zeros((16,), jnp.int32)
    one16 = jnp.full((16,), 1, jnp.int32)
    for k in range(128 // 16):
        ones[pl.ds(k * 16, 16)] = one16

    def zfill(i, carry):
        zbuf[pl.ds(i * 16, 16)] = zero16
        return carry
    lax.fori_loop(0, ZPT // 16, zfill, 0)

    dtm.wait()
    dts.wait()

    dc = [
        pltpu.async_copy(c_hbm.at[tmine.at[k]], cbuf.at[pl.ds(k * 128, 128)], sem_c)
        for k in range(NCHUNK)
    ]

    pltpu.sync_copy(zbuf, hist.at[pl.ds(ss * ZPT, ZPT)])
    plsc.subcore_barrier()
    dscat = [
        pltpu.async_copy(ones, hist.at[tscat.at[k]], sem_s, add=True)
        for k in range(8)
    ]
    for d in dscat:
        d.wait()
    plsc.subcore_barrier()
    dcnt = [
        pltpu.async_copy(hist.at[tmine.at[k]], cnt.at[pl.ds(k * 128, 128)], sem_n)
        for k in range(NCHUNK)
    ]

    iot = lax.iota(jnp.int32, 16)
    m15 = iot == 15
    zf = jnp.zeros((16,), jnp.float32)
    total = zf
    for ci in range(NCHUNK):
        df[ci].wait()
        dc[ci].wait()
        fbuf = fb[ci % 2]

        @plsc.parallel_loop(0, CHUNK, unroll=4)
        def csum(s, fbuf=fbuf, ci=ci):
            rf = jnp.full((16,), s, jnp.int32)
            rc = jnp.full((16,), ci * CHUNK + s, jnp.int32)
            aff = afc = acc2 = zf
            for jj in range(8):
                col = iot + jj * 16
                fv = plsc.load_gather(fbuf, [rf, col])
                cv = plsc.load_gather(cbuf, [rc, col])
                aff = aff + fv * fv
                afc = afc + fv * cv
                acc2 = acc2 + cv * cv
            plsc.store_scatter(sffb, [rc], jnp.cumsum(aff), mask=m15)
            plsc.store_scatter(sfcb, [rc], jnp.cumsum(afc), mask=m15)
            plsc.store_scatter(sccb, [rc], jnp.cumsum(acc2), mask=m15)

        if ci + 2 < NCHUNK:
            df[ci + 2] = pltpu.async_copy(
                f_hbm.at[pl.ds(wid * SPT + (ci + 2) * CHUNK, CHUNK)],
                fb[ci % 2],
                sem_f[ci % 2],
            )
    for d in dcnt:
        d.wait()

    @plsc.parallel_loop(0, SPT // 16, unroll=2, carry=zf)
    def totacc(g, tot):
        sff = sffb[pl.ds(g * 16, 16)]
        sfc = sfcb[pl.ds(g * 16, 16)]
        scc = sccb[pl.ds(g * 16, 16)]
        r = _rsqrt(jnp.maximum(sff, 1e-24))
        dsq = sff * r * r - 2.0 * sfc * r + scc
        cv = cnt[pl.ds(g * 16, 16)].astype(jnp.float32)
        return tot + dsq / cv

    part[...] = totacc * 0.5
    pltpu.sync_copy(part, out_hbm.at[wid])


def kernel(feature, _target, center):
    idx = _target.astype(jnp.int32).reshape(B // 128, 128)
    out = _center_loss_sc(feature, idx, center)
    return jnp.sum(out)

# --- scband reference (transcript-rebuilt; emitter-appended) ---
"""Pipeline reference for scband-center-loss-4879082848540 (READ-ONLY COPY).

The authoritative reference and input builder live on the scoring server;
editing this copy changes nothing except your own understanding.
"""

import jax, jax.numpy as jnp
import numpy as np

CLS_NUM = 100000
FEATURE_NUM = 128
BATCH = 16384


def setup_inputs(seed: int = 0) -> dict:
    key = jax.random.key(seed)
    k1, k2, k3 = jax.random.split(key, 3)
    feature = jax.random.normal(k1, (BATCH, FEATURE_NUM), dtype=jnp.float32)
    _target = jax.random.randint(k2, (BATCH,), 0, CLS_NUM, dtype=jnp.int64)
    center = jax.random.normal(k3, (CLS_NUM, FEATURE_NUM), dtype=jnp.float32)
    return {"feature": feature, "_target": _target, "center": center}


def reference(feature, _target, center):
    # F.normalize(feature): L2 normalize along dim=1 with eps=1e-12
    norm = jnp.linalg.norm(feature, axis=1, keepdims=True)
    feat = feature / jnp.maximum(norm, 1e-12)
    # index_select center rows by target (gather)
    idx = _target.astype(jnp.int32)
    centre = jnp.take(center, idx, axis=0)
    # histc over [0, cls_num-1] with cls_num bins == bincount for integer targets
    counter = jnp.bincount(idx, length=CLS_NUM)
    count = jnp.take(counter, idx, axis=0)
    centre_dis = feat - centre
    pow_ = centre_dis ** 2
    sum_1 = jnp.sum(pow_, axis=1)
    dis_ = sum_1 / count.astype(jnp.float32)
    sum_2 = jnp.sum(dis_)
    res = sum_2 / 2.0
    return res

if __name__ == "__main__":
    import jax
    _d = setup_inputs()
    print(jax.jit(kernel)(*tuple(_d.values())))

</pallas_src>

<mosaic_0001>
#map = affine_map<(d0, d1) -> (0, 0)>
module attributes {stable_mosaic.version = 14 : i64} {
  func.func @_center_loss_sc(%arg0: i32, %arg1: i32, %arg2: memref<16384x128xf32, #tpu.memory_space<hbm>>, %arg3: memref<128x128xi32, #tpu.memory_space<hbm>>, %arg4: memref<100000x128xf32, #tpu.memory_space<hbm>>, %arg5: memref<32x16xf32, #tpu.memory_space<hbm>>, %arg6: memref<100096xi32, #tpu.memory_space<vmem_shared>>, %arg7: memref<8x128xi32, #tpu.memory_space<vmem>>, %arg8: memref<4x128xi32, #tpu.memory_space<vmem>>, %arg9: memref<512xi32, #tpu.memory_space<vmem>>, %arg10: memref<128xi32, #tpu.memory_space<vmem>>, %arg11: memref<6256xi32, #tpu.memory_space<vmem>>, %arg12: memref<128x128xf32, #tpu.memory_space<vmem>>, %arg13: memref<128x128xf32, #tpu.memory_space<vmem>>, %arg14: memref<512x128xf32, #tpu.memory_space<vmem>>, %arg15: memref<512xf32, #tpu.memory_space<vmem>>, %arg16: memref<512xf32, #tpu.memory_space<vmem>>, %arg17: memref<512xf32, #tpu.memory_space<vmem>>, %arg18: memref<16xf32, #tpu.memory_space<vmem>>, %arg19: memref<!tpu.dma_semaphore, #tpu.memory_space<semaphore_mem>>, %arg20: memref<!tpu.dma_semaphore, #tpu.memory_space<semaphore_mem>>, %arg21: memref<!tpu.dma_semaphore, #tpu.memory_space<semaphore_mem>>, %arg22: memref<!tpu.dma_semaphore, #tpu.memory_space<semaphore_mem>>, %arg23: memref<!tpu.dma_semaphore, #tpu.memory_space<semaphore_mem>>, %arg24: memref<!tpu.dma_semaphore, #tpu.memory_space<semaphore_mem>>) attributes {dimension_semantics = [#tpu.dimension_semantics<core_parallel>, #tpu.dimension_semantics<subcore_parallel>], iteration_bounds = array<i64: 2, 16>, scalar_prefetch = 0 : i64, scratch_operands = 19 : i64, tpu.core_type = #tpu.core_type<sc_vector_subcore>, window_params = [{transform_indices = #map}, {transform_indices = #map}, {transform_indices = #map}, {transform_indices = #map}]} {
    %mul3A = arith.constant 2 : i32
    %mul3A_0 = arith.muli %arg1, %mul3A : i32
    %add3A = arith.addi %mul3A_0, %arg0 : i32
    %mul3A_1 = arith.constant 512 : i32
    %mul3A_2 = arith.muli %add3A, %mul3A_1 : i32
    %add3A_3 = arith.constant 0 : i32
    %add3A_4 = arith.addi %mul3A_2, %add3A_3 : i32
    %dma_start3A = arith.constant 0 : i32
    %dma_start3A_5 = tpu.memref_slice %arg2[%add3A_4, %dma_start3A] : memref<16384x128xf32, #tpu.memory_space<hbm>> -> memref<128x128xf32, #tpu.memory_space<hbm>>
    %dma_start3A_6 = arith.constant 0 : i32
    %dma_start3A_7 = tpu.memref_slice %arg2[%add3A_4, %dma_start3A_6] : memref<16384x128xf32, #tpu.memory_space<hbm>> -> memref<128x128xf32, #tpu.memory_space<hbm>>
    tpu.enqueue_dma source(%dma_start3A_7 : memref<128x128xf32, #tpu.memory_space<hbm>>) target(%arg12 : memref<128x128xf32, #tpu.memory_space<vmem>>) target_semaphore(%arg23 : memref<!tpu.dma_semaphore, #tpu.memory_space<semaphore_mem>>)
    %mul3A_8 = arith.constant 512 : i32
    %mul3A_9 = arith.muli %add3A, %mul3A_8 : i32
    %add3A_10 = arith.constant 128 : i32
    %add3A_11 = arith.addi %mul3A_9, %add3A_10 : i32
    %dma_start3A_12 = arith.constant 0 : i32
    %dma_start3A_13 = tpu.memref_slice %arg2[%add3A_11, %dma_start3A_12] : memref<16384x128xf32, #tpu.memory_space<hbm>> -> memref<128x128xf32, #tpu.memory_space<hbm>>
    %dma_start3A_14 = arith.constant 0 : i32
    %dma_start3A_15 = tpu.memref_slice %arg2[%add3A_11, %dma_start3A_14] : memref<16384x128xf32, #tpu.memory_space<hbm>> -> memref<128x128xf32, #tpu.memory_space<hbm>>
    tpu.enqueue_dma source(%dma_start3A_15 : memref<128x128xf32, #tpu.memory_space<hbm>>) target(%arg13 : memref<128x128xf32, #tpu.memory_space<vmem>>) target_semaphore(%arg24 : memref<!tpu.dma_semaphore, #tpu.memory_space<semaphore_mem>>)
    %mul3A_16 = arith.constant 8 : i32
    %mul3A_17 = arith.muli %arg1, %mul3A_16 : i32
    %dma_start3A_18 = arith.constant 0 : i32
    %dma_start3A_19 = tpu.memref_slice %arg3[%mul3A_17, %dma_start3A_18] : memref<128x128xi32, #tpu.memory_space<hbm>> -> memref<8x128xi32, #tpu.memory_space<hbm>>
    %dma_start3A_20 = arith.constant 0 : i32
    %dma_start3A_21 = tpu.memref_slice %arg3[%mul3A_17, %dma_start3A_20] : memref<128x128xi32, #tpu.memory_space<hbm>> -> memref<8x128xi32, #tpu.memory_space<hbm>>
    tpu.enqueue_dma source(%dma_start3A_21 : memref<8x128xi32, #tpu.memory_space<hbm>>) target(%arg7 : memref<8x128xi32, #tpu.memory_space<vmem>>) target_semaphore(%arg19 : memref<!tpu.dma_semaphore, #tpu.memory_space<semaphore_mem>>)
    %mul3A_22 = arith.constant 4 : i32
    %mul3A_23 = arith.muli %add3A, %mul3A_22 : i32
    %dma_start3A_24 = arith.constant 0 : i32
    %dma_start3A_25 = tpu.memref_slice %arg3[%mul3A_23, %dma_start3A_24] : memref<128x128xi32, #tpu.memory_space<hbm>> -> memref<4x128xi32, #tpu.memory_space<hbm>>
    %dma_start3A_26 = arith.constant 0 : i32
    %dma_start3A_27 = tpu.memref_slice %arg3[%mul3A_23, %dma_start3A_26] : memref<128x128xi32, #tpu.memory_space<hbm>> -> memref<4x128xi32, #tpu.memory_space<hbm>>
    tpu.enqueue_dma source(%dma_start3A_27 : memref<4x128xi32, #tpu.memory_space<hbm>>) target(%arg8 : memref<4x128xi32, #tpu.memory_space<vmem>>) target_semaphore(%arg19 : memref<!tpu.dma_semaphore, #tpu.memory_space<semaphore_mem>>)
    %broadcast_in_dim3A = arith.constant 0 : i32
    %broadcast_in_dim3A_28 = vector.broadcast %broadcast_in_dim3A : i32 to vector<16xi32>
    %broadcast_in_dim3A_29 = arith.constant 1 : i32
    %broadcast_in_dim3A_30 = vector.broadcast %broadcast_in_dim3A_29 : i32 to vector<16xi32>
    %swap3A = arith.constant 0 : index
    %swap3A_31 = tpu.vector_load %arg10[%swap3A] {strides = array<i32>} : memref<128xi32, #tpu.memory_space<vmem>>, vector<16xi32>,
    tpu.vector_store %arg10[%swap3A], %broadcast_in_dim3A_30 {strides = array<i32>} : memref<128xi32, #tpu.memory_space<vmem>>, vector<16xi32>,
    %swap3A_32 = arith.constant 16 : index
    %swap3A_33 = tpu.vector_load %arg10[%swap3A_32] {strides = array<i32>} : memref<128xi32, #tpu.memory_space<vmem>>, vector<16xi32>,
    tpu.vector_store %arg10[%swap3A_32], %broadcast_in_dim3A_30 {strides = array<i32>} : memref<128xi32, #tpu.memory_space<vmem>>, vector<16xi32>,
    %swap3A_34 = arith.constant 32 : index
    %swap3A_35 = tpu.vector_load %arg10[%swap3A_34] {strides = array<i32>} : memref<128xi32, #tpu.memory_space<vmem>>, vector<16xi32>,
    tpu.vector_store %arg10[%swap3A_34], %broadcast_in_dim3A_30 {strides = array<i32>} : memref<128xi32, #tpu.memory_space<vmem>>, vector<16xi32>,
    %swap3A_36 = arith.constant 48 : index
    %swap3A_37 = tpu.vector_load %arg10[%swap3A_36] {strides = array<i32>} : memref<128xi32, #tpu.memory_space<vmem>>, vector<16xi32>,
    tpu.vector_store %arg10[%swap3A_36], %broadcast_in_dim3A_30 {strides = array<i32>} : memref<128xi32, #tpu.memory_space<vmem>>, vector<16xi32>,
    %swap3A_38 = arith.constant 64 : index
    %swap3A_39 = tpu.vector_load %arg10[%swap3A_38] {strides = array<i32>} : memref<128xi32, #tpu.memory_space<vmem>>, vector<16xi32>,
    tpu.vector_store %arg10[%swap3A_38], %broadcast_in_dim3A_30 {strides = array<i32>} : memref<128xi32, #tpu.memory_space<vmem>>, vector<16xi32>,
    %swap3A_40 = arith.constant 80 : index
    %swap3A_41 = tpu.vector_load %arg10[%swap3A_40] {strides = array<i32>} : memref<128xi32, #tpu.memory_space<vmem>>, vector<16xi32>,
    tpu.vector_store %arg10[%swap3A_40], %broadcast_in_dim3A_30 {strides = array<i32>} : memref<128xi32, #tpu.memory_space<vmem>>, vector<16xi32>,
    %swap3A_42 = arith.constant 96 : index
    %swap3A_43 = tpu.vector_load %arg10[%swap3A_42] {strides = array<i32>} : memref<128xi32, #tpu.memory_space<vmem>>, vector<16xi32>,
    tpu.vector_store %arg10[%swap3A_42], %broadcast_in_dim3A_30 {strides = array<i32>} : memref<128xi32, #tpu.memory_space<vmem>>, vector<16xi32>,
    %swap3A_44 = arith.constant 112 : index
    %swap3A_45 = tpu.vector_load %arg10[%swap3A_44] {strides = array<i32>} : memref<128xi32, #tpu.memory_space<vmem>>, vector<16xi32>,
    tpu.vector_store %arg10[%swap3A_44], %broadcast_in_dim3A_30 {strides = array<i32>} : memref<128xi32, #tpu.memory_space<vmem>>, vector<16xi32>,
    %scan3A = arith.constant 0 : i32
    %scan3A_46 = arith.constant 0 : i32
    %scan3A_47 = arith.constant 391 : i32
    %scan3A_48 = arith.addi %scan3A_46, %scan3A_47 : i32
    %scan3A_49 = arith.constant 1 : i32
    scf.for %scan3A_357 = %scan3A_46 to %scan3A_48 step %scan3A_49  : i32 {
      %mul3A_358 = arith.constant 16 : i32
      %mul3A_359 = arith.muli %scan3A_357, %mul3A_358 : i32
      %swap3A_360 = arith.index_cast %mul3A_359 : i32 to index
      %swap3A_361 = tpu.vector_load %arg11[%swap3A_360] {strides = array<i32>} : memref<6256xi32, #tpu.memory_space<vmem>>, vector<16xi32>,
      tpu.vector_store %arg11[%swap3A_360], %broadcast_in_dim3A_28 {strides = array<i32>} : memref<6256xi32, #tpu.memory_space<vmem>>, vector<16xi32>,
    }
    %scan3A_50 = arith.constant 391 : i32
    %dma_wait3A = arith.constant 0 : i32
    %dma_wait3A_51 = tpu.memref_slice %arg3[%mul3A_23, %dma_wait3A] : memref<128x128xi32, #tpu.memory_space<hbm>> -> memref<4x128xi32, #tpu.memory_space<hbm>>
    %dma_wait3A_52 = arith.constant 0 : i32
    %dma_wait3A_53 = tpu.memref_slice %arg3[%mul3A_23, %dma_wait3A_52] : memref<128x128xi32, #tpu.memory_space<hbm>> -> memref<4x128xi32, #tpu.memory_space<hbm>>
    tpu.wait_dma2 semaphore(%arg19 : memref<!tpu.dma_semaphore, #tpu.memory_space<semaphore_mem>>) src(%dma_wait3A_53 : memref<4x128xi32, #tpu.memory_space<hbm>>) dst(%arg8 : memref<4x128xi32, #tpu.memory_space<vmem>>)
    %dma_wait3A_54 = arith.constant 0 : i32
    %dma_wait3A_55 = tpu.memref_slice %arg3[%mul3A_17, %dma_wait3A_54] : memref<128x128xi32, #tpu.memory_space<hbm>> -> memref<8x128xi32, #tpu.memory_space<hbm>>
    %dma_wait3A_56 = arith.constant 0 : i32
    %dma_wait3A_57 = tpu.memref_slice %arg3[%mul3A_17, %dma_wait3A_56] : memref<128x128xi32, #tpu.memory_space<hbm>> -> memref<8x128xi32, #tpu.memory_space<hbm>>
    tpu.wait_dma2 semaphore(%arg19 : memref<!tpu.dma_semaphore, #tpu.memory_space<semaphore_mem>>) src(%dma_wait3A_57 : memref<8x128xi32, #tpu.memory_space<hbm>>) dst(%arg7 : memref<8x128xi32, #tpu.memory_space<vmem>>)
    %dma_start3A_58 = arith.constant 0 : i32
    %dma_start3A_59 = arith.constant 0 : i32
    %dma_start3A_60 = arith.constant 0 : i32
    %dma_start3A_61 = tpu.memref_slice %arg14[%dma_start3A_59, %dma_start3A_60] : memref<512x128xf32, #tpu.memory_space<vmem>> -> memref<128x128xf32, #tpu.memory_space<vmem>>
    %dma_start3A_62 = arith.constant 0 : i32
    %dma_start3A_63 = tpu.memref_slice %arg8[%dma_start3A_58, %dma_start3A_62] : memref<4x128xi32, #tpu.memory_space<vmem>> -> memref<1x128xi32, #tpu.memory_space<vmem>>
    %dma_start3A_64 = tpu.memref_squeeze %dma_start3A_63 : memref<1x128xi32, #tpu.memory_space<vmem>> -> memref<128xi32, #tpu.memory_space<vmem>>
    %dma_start3A_65 = arith.constant 0 : i32
    %dma_start3A_66 = arith.constant 0 : i32
    %dma_start3A_67 = tpu.memref_slice %arg4[%dma_start3A_65, %dma_start3A_66] : memref<100000x128xf32, #tpu.memory_space<hbm>> -> memref<100000x128xf32, #tpu.memory_space<hbm>>
    tpu.enqueue_indirect_dma source(%dma_start3A_67 : memref<100000x128xf32, #tpu.memory_space<hbm>>) target(%dma_start3A_61 : memref<128x128xf32, #tpu.memory_space<vmem>>) offsets(%dma_start3A_64 : memref<128xi32, #tpu.memory_space<vmem>>) semaphore(%arg21 : memref<!tpu.dma_semaphore, #tpu.memory_space<semaphore_mem>>)
    %dma_start3A_68 = arith.constant 1 : i32
    %dma_start3A_69 = arith.constant 128 : i32
    %dma_start3A_70 = arith.constant 0 : i32
    %dma_start3A_71 = tpu.memref_slice %arg14[%dma_start3A_69, %dma_start3A_70] : memref<512x128xf32, #tpu.memory_space<vmem>> -> memref<128x128xf32, #tpu.memory_space<vmem>>
    %dma_start3A_72 = arith.constant 0 : i32
    %dma_start3A_73 = tpu.memref_slice %arg8[%dma_start3A_68, %dma_start3A_72] : memref<4x128xi32, #tpu.memory_space<vmem>> -> memref<1x128xi32, #tpu.memory_space<vmem>>
    %dma_start3A_74 = tpu.memref_squeeze %dma_start3A_73 : memref<1x128xi32, #tpu.memory_space<vmem>> -> memref<128xi32, #tpu.memory_space<vmem>>
    %dma_start3A_75 = arith.constant 0 : i32
    %dma_start3A_76 = arith.constant 0 : i32
    %dma_start3A_77 = tpu.memref_slice %arg4[%dma_start3A_75, %dma_start3A_76] : memref<100000x128xf32, #tpu.memory_space<hbm>> -> memref<100000x128xf32, #tpu.memory_space<hbm>>
    tpu.enqueue_indirect_dma source(%dma_start3A_77 : memref<100000x128xf32, #tpu.memory_space<hbm>>) target(%dma_start3A_71 : memref<128x128xf32, #tpu.memory_space<vmem>>) offsets(%dma_start3A_74 : memref<128xi32, #tpu.memory_space<vmem>>) semaphore(%arg21 : memref<!tpu.dma_semaphore, #tpu.memory_space<semaphore_mem>>)
    %dma_start3A_78 = arith.constant 2 : i32
    %dma_start3A_79 = arith.constant 256 : i32
    %dma_start3A_80 = arith.constant 0 : i32
    %dma_start3A_81 = tpu.memref_slice %arg14[%dma_start3A_79, %dma_start3A_80] : memref<512x128xf32, #tpu.memory_space<vmem>> -> memref<128x128xf32, #tpu.memory_space<vmem>>
    %dma_start3A_82 = arith.constant 0 : i32
    %dma_start3A_83 = tpu.memref_slice %arg8[%dma_start3A_78, %dma_start3A_82] : memref<4x128xi32, #tpu.memory_space<vmem>> -> memref<1x128xi32, #tpu.memory_space<vmem>>
    %dma_start3A_84 = tpu.memref_squeeze %dma_start3A_83 : memref<1x128xi32, #tpu.memory_space<vmem>> -> memref<128xi32, #tpu.memory_space<vmem>>
    %dma_start3A_85 = arith.constant 0 : i32
    %dma_start3A_86 = arith.constant 0 : i32
    %dma_start3A_87 = tpu.memref_slice %arg4[%dma_start3A_85, %dma_start3A_86] : memref<100000x128xf32, #tpu.memory_space<hbm>> -> memref<100000x128xf32, #tpu.memory_space<hbm>>
    tpu.enqueue_indirect_dma source(%dma_start3A_87 : memref<100000x128xf32, #tpu.memory_space<hbm>>) target(%dma_start3A_81 : memref<128x128xf32, #tpu.memory_space<vmem>>) offsets(%dma_start3A_84 : memref<128xi32, #tpu.memory_space<vmem>>) semaphore(%arg21 : memref<!tpu.dma_semaphore, #tpu.memory_space<semaphore_mem>>)
    %dma_start3A_88 = arith.constant 3 : i32
    %dma_start3A_89 = arith.constant 384 : i32
    %dma_start3A_90 = arith.constant 0 : i32
    %dma_start3A_91 = tpu.memref_slice %arg14[%dma_start3A_89, %dma_start3A_90] : memref<512x128xf32, #tpu.memory_space<vmem>> -> memref<128x128xf32, #tpu.memory_space<vmem>>
    %dma_start3A_92 = arith.constant 0 : i32
    %dma_start3A_93 = tpu.memref_slice %arg8[%dma_start3A_88, %dma_start3A_92] : memref<4x128xi32, #tpu.memory_space<vmem>> -> memref<1x128xi32, #tpu.memory_space<vmem>>
    %dma_start3A_94 = tpu.memref_squeeze %dma_start3A_93 : memref<1x128xi32, #tpu.memory_space<vmem>> -> memref<128xi32, #tpu.memory_space<vmem>>
    %dma_start3A_95 = arith.constant 0 : i32
    %dma_start3A_96 = arith.constant 0 : i32
    %dma_start3A_97 = tpu.memref_slice %arg4[%dma_start3A_95, %dma_start3A_96] : memref<100000x128xf32, #tpu.memory_space<hbm>> -> memref<100000x128xf32, #tpu.memory_space<hbm>>
    tpu.enqueue_indirect_dma source(%dma_start3A_97 : memref<100000x128xf32, #tpu.memory_space<hbm>>) target(%dma_start3A_91 : memref<128x128xf32, #tpu.memory_space<vmem>>) offsets(%dma_start3A_94 : memref<128xi32, #tpu.memory_space<vmem>>) semaphore(%arg21 : memref<!tpu.dma_semaphore, #tpu.memory_space<semaphore_mem>>)
    %mul3A_98 = arith.constant 6256 : i32
    %mul3A_99 = arith.muli %arg1, %mul3A_98 : i32
    "tpu.region"() ({
      %run_scoped3A = tpu.sem_alloc : memref<!tpu.dma_semaphore, #tpu.memory_space<semaphore_mem>>
      %dma_start3A_357 = tpu.memref_slice %arg6[%mul3A_99] : memref<100096xi32, #tpu.memory_space<vmem_shared>> -> memref<6256xi32, #tpu.memory_space<vmem_shared>>
      %dma_start3A_358 = tpu.memref_slice %arg6[%mul3A_99] : memref<100096xi32, #tpu.memory_space<vmem_shared>> -> memref<6256xi32, #tpu.memory_space<vmem_shared>>
      tpu.enqueue_dma source(%arg11 : memref<6256xi32, #tpu.memory_space<vmem>>) target(%dma_start3A_358 : memref<6256xi32, #tpu.memory_space<vmem_shared>>) target_semaphore(%run_scoped3A : memref<!tpu.dma_semaphore, #tpu.memory_space<semaphore_mem>>)
      %dma_wait3A_359 = tpu.memref_slice %arg6[%mul3A_99] : memref<100096xi32, #tpu.memory_space<vmem_shared>> -> memref<6256xi32, #tpu.memory_space<vmem_shared>>
      %dma_wait3A_360 = tpu.memref_slice %arg6[%mul3A_99] : memref<100096xi32, #tpu.memory_space<vmem_shared>> -> memref<6256xi32, #tpu.memory_space<vmem_shared>>
      tpu.wait_dma2 semaphore(%run_scoped3A : memref<!tpu.dma_semaphore, #tpu.memory_space<semaphore_mem>>) src(%arg11 : memref<6256xi32, #tpu.memory_space<vmem>>) dst(%dma_wait3A_360 : memref<6256xi32, #tpu.memory_space<vmem_shared>>)
      tpu.yield
    }) : () -> ()
    %barrier3A = arith.constant 0 : index
    tpu.barrier barrier_id(%barrier3A)
    %dma_start3A_100 = arith.constant 0 : i32
    %dma_start3A_101 = arith.constant 0 : i32
    %dma_start3A_102 = tpu.memref_slice %arg7[%dma_start3A_100, %dma_start3A_101] : memref<8x128xi32, #tpu.memory_space<vmem>> -> memref<1x128xi32, #tpu.memory_space<vmem>>
    %dma_start3A_103 = tpu.memref_squeeze %dma_start3A_102 : memref<1x128xi32, #tpu.memory_space<vmem>> -> memref<128xi32, #tpu.memory_space<vmem>>
    %dma_start3A_104 = arith.constant 0 : i32
    %dma_start3A_105 = tpu.memref_slice %arg6[%dma_start3A_104] : memref<100096xi32, #tpu.memory_space<vmem_shared>> -> memref<100096xi32, #tpu.memory_space<vmem_shared>>
    tpu.enqueue_indirect_dma source(%arg10 : memref<128xi32, #tpu.memory_space<vmem>>) target(%dma_start3A_105 : memref<100096xi32, #tpu.memory_space<vmem_shared>>) offsets(%dma_start3A_103 : memref<128xi32, #tpu.memory_space<vmem>>) semaphore(%arg20 : memref<!tpu.dma_semaphore, #tpu.memory_space<semaphore_mem>>) {add = true}
    %dma_start3A_106 = arith.constant 1 : i32
    %dma_start3A_107 = arith.constant 0 : i32
    %dma_start3A_108 = tpu.memref_slice %arg7[%dma_start3A_106, %dma_start3A_107] : memref<8x128xi32, #tpu.memory_space<vmem>> -> memref<1x128xi32, #tpu.memory_space<vmem>>
    %dma_start3A_109 = tpu.memref_squeeze %dma_start3A_108 : memref<1x128xi32, #tpu.memory_space<vmem>> -> memref<128xi32, #tpu.memory_space<vmem>>
    %dma_start3A_110 = arith.constant 0 : i32
    %dma_start3A_111 = tpu.memref_slice %arg6[%dma_start3A_110] : memref<100096xi32, #tpu.memory_space<vmem_shared>> -> memref<100096xi32, #tpu.memory_space<vmem_shared>>
    tpu.enqueue_indirect_dma source(%arg10 : memref<128xi32, #tpu.memory_space<vmem>>) target(%dma_start3A_111 : memref<100096xi32, #tpu.memory_space<vmem_shared>>) offsets(%dma_start3A_109 : memref<128xi32, #tpu.memory_space<vmem>>) semaphore(%arg20 : memref<!tpu.dma_semaphore, #tpu.memory_space<semaphore_mem>>) {add = true}
    %dma_start3A_112 = arith.constant 2 : i32
    %dma_start3A_113 = arith.constant 0 : i32
    %dma_start3A_114 = tpu.memref_slice %arg7[%dma_start3A_112, %dma_start3A_113] : memref<8x128xi32, #tpu.memory_space<vmem>> -> memref<1x128xi32, #tpu.memory_space<vmem>>
    %dma_start3A_115 = tpu.memref_squeeze %dma_start3A_114 : memref<1x128xi32, #tpu.memory_space<vmem>> -> memref<128xi32, #tpu.memory_space<vmem>>
    %dma_start3A_116 = arith.constant 0 : i32
    %dma_start3A_117 = tpu.memref_slice %arg6[%dma_start3A_116] : memref<100096xi32, #tpu.memory_space<vmem_shared>> -> memref<100096xi32, #tpu.memory_space<vmem_shared>>
    tpu.enqueue_indirect_dma source(%arg10 : memref<128xi32, #tpu.memory_space<vmem>>) target(%dma_start3A_117 : memref<100096xi32, #tpu.memory_space<vmem_shared>>) offsets(%dma_start3A_115 : memref<128xi32, #tpu.memory_space<vmem>>) semaphore(%arg20 : memref<!tpu.dma_semaphore, #tpu.memory_space<semaphore_mem>>) {add = true}
    %dma_start3A_118 = arith.constant 3 : i32
    %dma_start3A_119 = arith.constant 0 : i32
    %dma_start3A_120 = tpu.memref_slice %arg7[%dma_start3A_118, %dma_start3A_119] : memref<8x128xi32, #tpu.memory_space<vmem>> -> memref<1x128xi32, #tpu.memory_space<vmem>>
    %dma_start3A_121 = tpu.memref_squeeze %dma_start3A_120 : memref<1x128xi32, #tpu.memory_space<vmem>> -> memref<128xi32, #tpu.memory_space<vmem>>
    %dma_start3A_122 = arith.constant 0 : i32
    %dma_start3A_123 = tpu.memref_slice %arg6[%dma_start3A_122] : memref<100096xi32, #tpu.memory_space<vmem_shared>> -> memref<100096xi32, #tpu.memory_space<vmem_shared>>
    tpu.enqueue_indirect_dma source(%arg10 : memref<128xi32, #tpu.memory_space<vmem>>) target(%dma_start3A_123 : memref<100096xi32, #tpu.memory_space<vmem_shared>>) offsets(%dma_start3A_121 : memref<128xi32, #tpu.memory_space<vmem>>) semaphore(%arg20 : memref<!tpu.dma_semaphore, #tpu.memory_space<semaphore_mem>>) {add = true}
    %dma_start3A_124 = arith.constant 4 : i32
    %dma_start3A_125 = arith.constant 0 : i32
    %dma_start3A_126 = tpu.memref_slice %arg7[%dma_start3A_124, %dma_start3A_125] : memref<8x128xi32, #tpu.memory_space<vmem>> -> memref<1x128xi32, #tpu.memory_space<vmem>>
    %dma_start3A_127 = tpu.memref_squeeze %dma_start3A_126 : memref<1x128xi32, #tpu.memory_space<vmem>> -> memref<128xi32, #tpu.memory_space<vmem>>
    %dma_start3A_128 = arith.constant 0 : i32
    %dma_start3A_129 = tpu.memref_slice %arg6[%dma_start3A_128] : memref<100096xi32, #tpu.memory_space<vmem_shared>> -> memref<100096xi32, #tpu.memory_space<vmem_shared>>
    tpu.enqueue_indirect_dma source(%arg10 : memref<128xi32, #tpu.memory_space<vmem>>) target(%dma_start3A_129 : memref<100096xi32, #tpu.memory_space<vmem_shared>>) offsets(%dma_start3A_127 : memref<128xi32, #tpu.memory_space<vmem>>) semaphore(%arg20 : memref<!tpu.dma_semaphore, #tpu.memory_space<semaphore_mem>>) {add = true}
    %dma_start3A_130 = arith.constant 5 : i32
    %dma_start3A_131 = arith.constant 0 : i32
    %dma_start3A_132 = tpu.memref_slice %arg7[%dma_start3A_130, %dma_start3A_131] : memref<8x128xi32, #tpu.memory_space<vmem>> -> memref<1x128xi32, #tpu.memory_space<vmem>>
    %dma_start3A_133 = tpu.memref_squeeze %dma_start3A_132 : memref<1x128xi32, #tpu.memory_space<vmem>> -> memref<128xi32, #tpu.memory_space<vmem>>
    %dma_start3A_134 = arith.constant 0 : i32
    %dma_start3A_135 = tpu.memref_slice %arg6[%dma_start3A_134] : memref<100096xi32, #tpu.memory_space<vmem_shared>> -> memref<100096xi32, #tpu.memory_space<vmem_shared>>
    tpu.enqueue_indirect_dma source(%arg10 : memref<128xi32, #tpu.memory_space<vmem>>) target(%dma_start3A_135 : memref<100096xi32, #tpu.memory_space<vmem_shared>>) offsets(%dma_start3A_133 : memref<128xi32, #tpu.memory_space<vmem>>) semaphore(%arg20 : memref<!tpu.dma_semaphore, #tpu.memory_space<semaphore_mem>>) {add = true}
    %dma_start3A_136 = arith.constant 6 : i32
    %dma_start3A_137 = arith.constant 0 : i32
    %dma_start3A_138 = tpu.memref_slice %arg7[%dma_start3A_136, %dma_start3A_137] : memref<8x128xi32, #tpu.memory_space<vmem>> -> memref<1x128xi32, #tpu.memory_space<vmem>>
    %dma_start3A_139 = tpu.memref_squeeze %dma_start3A_138 : memref<1x128xi32, #tpu.memory_space<vmem>> -> memref<128xi32, #tpu.memory_space<vmem>>
    %dma_start3A_140 = arith.constant 0 : i32
    %dma_start3A_141 = tpu.memref_slice %arg6[%dma_start3A_140] : memref<100096xi32, #tpu.memory_space<vmem_shared>> -> memref<100096xi32, #tpu.memory_space<vmem_shared>>
    tpu.enqueue_indirect_dma source(%arg10 : memref<128xi32, #tpu.memory_space<vmem>>) target(%dma_start3A_141 : memref<100096xi32, #tpu.memory_space<vmem_shared>>) offsets(%dma_start3A_139 : memref<128xi32, #tpu.memory_space<vmem>>) semaphore(%arg20 : memref<!tpu.dma_semaphore, #tpu.memory_space<semaphore_mem>>) {add = true}
    %dma_start3A_142 = arith.constant 7 : i32
    %dma_start3A_143 = arith.constant 0 : i32
    %dma_start3A_144 = tpu.memref_slice %arg7[%dma_start3A_142, %dma_start3A_143] : memref<8x128xi32, #tpu.memory_space<vmem>> -> memref<1x128xi32, #tpu.memory_space<vmem>>
    %dma_start3A_145 = tpu.memref_squeeze %dma_start3A_144 : memref<1x128xi32, #tpu.memory_space<vmem>> -> memref<128xi32, #tpu.memory_space<vmem>>
    %dma_start3A_146 = arith.constant 0 : i32
    %dma_start3A_147 = tpu.memref_slice %arg6[%dma_start3A_146] : memref<100096xi32, #tpu.memory_space<vmem_shared>> -> memref<100096xi32, #tpu.memory_space<vmem_shared>>
    tpu.enqueue_indirect_dma source(%arg10 : memref<128xi32, #tpu.memory_space<vmem>>) target(%dma_start3A_147 : memref<100096xi32, #tpu.memory_space<vmem_shared>>) offsets(%dma_start3A_145 : memref<128xi32, #tpu.memory_space<vmem>>) semaphore(%arg20 : memref<!tpu.dma_semaphore, #tpu.memory_space<semaphore_mem>>) {add = true}
    %dma_wait3A_148 = arith.constant 0 : i32
    %dma_wait3A_149 = arith.constant 0 : i32
    %dma_wait3A_150 = tpu.memref_slice %arg7[%dma_wait3A_148, %dma_wait3A_149] : memref<8x128xi32, #tpu.memory_space<vmem>> -> memref<1x128xi32, #tpu.memory_space<vmem>>
    %dma_wait3A_151 = tpu.memref_squeeze %dma_wait3A_150 : memref<1x128xi32, #tpu.memory_space<vmem>> -> memref<128xi32, #tpu.memory_space<vmem>>
    %dma_wait3A_152 = arith.constant 0 : i32
    %dma_wait3A_153 = tpu.memref_slice %arg6[%dma_wait3A_152] : memref<100096xi32, #tpu.memory_space<vmem_shared>> -> memref<100096xi32, #tpu.memory_space<vmem_shared>>
    tpu.wait_indirect_dma semaphore(%arg20 : memref<!tpu.dma_semaphore, #tpu.memory_space<semaphore_mem>>) src(%arg10 : memref<128xi32, #tpu.memory_space<vmem>>) dst(%dma_wait3A_153 : memref<100096xi32, #tpu.memory_space<vmem_shared>>)
    %dma_wait3A_154 = arith.constant 1 : i32
    %dma_wait3A_155 = arith.constant 0 : i32
    %dma_wait3A_156 = tpu.memref_slice %arg7[%dma_wait3A_154, %dma_wait3A_155] : memref<8x128xi32, #tpu.memory_space<vmem>> -> memref<1x128xi32, #tpu.memory_space<vmem>>
    %dma_wait3A_157 = tpu.memref_squeeze %dma_wait3A_156 : memref<1x128xi32, #tpu.memory_space<vmem>> -> memref<128xi32, #tpu.memory_space<vmem>>
    %dma_wait3A_158 = arith.constant 0 : i32
    %dma_wait3A_159 = tpu.memref_slice %arg6[%dma_wait3A_158] : memref<100096xi32, #tpu.memory_space<vmem_shared>> -> memref<100096xi32, #tpu.memory_space<vmem_shared>>
    tpu.wait_indirect_dma semaphore(%arg20 : memref<!tpu.dma_semaphore, #tpu.memory_space<semaphore_mem>>) src(%arg10 : memref<128xi32, #tpu.memory_space<vmem>>) dst(%dma_wait3A_159 : memref<100096xi32, #tpu.memory_space<vmem_shared>>)
    %dma_wait3A_160 = arith.constant 2 : i32
    %dma_wait3A_161 = arith.constant 0 : i32
    %dma_wait3A_162 = tpu.memref_slice %arg7[%dma_wait3A_160, %dma_wait3A_161] : memref<8x128xi32, #tpu.memory_space<vmem>> -> memref<1x128xi32, #tpu.memory_space<vmem>>
    %dma_wait3A_163 = tpu.memref_squeeze %dma_wait3A_162 : memref<1x128xi32, #tpu.memory_space<vmem>> -> memref<128xi32, #tpu.memory_space<vmem>>
    %dma_wait3A_164 = arith.constant 0 : i32
    %dma_wait3A_165 = tpu.memref_slice %arg6[%dma_wait3A_164] : memref<100096xi32, #tpu.memory_space<vmem_shared>> -> memref<100096xi32, #tpu.memory_space<vmem_shared>>
    tpu.wait_indirect_dma semaphore(%arg20 : memref<!tpu.dma_semaphore, #tpu.memory_space<semaphore_mem>>) src(%arg10 : memref<128xi32, #tpu.memory_space<vmem>>) dst(%dma_wait3A_165 : memref<100096xi32, #tpu.memory_space<vmem_shared>>)
    %dma_wait3A_166 = arith.constant 3 : i32
    %dma_wait3A_167 = arith.constant 0 : i32
    %dma_wait3A_168 = tpu.memref_slice %arg7[%dma_wait3A_166, %dma_wait3A_167] : memref<8x128xi32, #tpu.memory_space<vmem>> -> memref<1x128xi32, #tpu.memory_space<vmem>>
    %dma_wait3A_169 = tpu.memref_squeeze %dma_wait3A_168 : memref<1x128xi32, #tpu.memory_space<vmem>> -> memref<128xi32, #tpu.memory_space<vmem>>
    %dma_wait3A_170 = arith.constant 0 : i32
    %dma_wait3A_171 = tpu.memref_slice %arg6[%dma_wait3A_170] : memref<100096xi32, #tpu.memory_space<vmem_shared>> -> memref<100096xi32, #tpu.memory_space<vmem_shared>>
    tpu.wait_indirect_dma semaphore(%arg20 : memref<!tpu.dma_semaphore, #tpu.memory_space<semaphore_mem>>) src(%arg10 : memref<128xi32, #tpu.memory_space<vmem>>) dst(%dma_wait3A_171 : memref<100096xi32, #tpu.memory_space<vmem_shared>>)
    %dma_wait3A_172 = arith.constant 4 : i32
    %dma_wait3A_173 = arith.constant 0 : i32
    %dma_wait3A_174 = tpu.memref_slice %arg7[%dma_wait3A_172, %dma_wait3A_173] : memref<8x128xi32, #tpu.memory_space<vmem>> -> memref<1x128xi32, #tpu.memory_space<vmem>>
    %dma_wait3A_175 = tpu.memref_squeeze %dma_wait3A_174 : memref<1x128xi32, #tpu.memory_space<vmem>> -> memref<128xi32, #tpu.memory_space<vmem>>
    %dma_wait3A_176 = arith.constant 0 : i32
    %dma_wait3A_177 = tpu.memref_slice %arg6[%dma_wait3A_176] : memref<100096xi32, #tpu.memory_space<vmem_shared>> -> memref<100096xi32, #tpu.memory_space<vmem_shared>>
    tpu.wait_indirect_dma semaphore(%arg20 : memref<!tpu.dma_semaphore, #tpu.memory_space<semaphore_mem>>) src(%arg10 : memref<128xi32, #tpu.memory_space<vmem>>) dst(%dma_wait3A_177 : memref<100096xi32, #tpu.memory_space<vmem_shared>>)
    %dma_wait3A_178 = arith.constant 5 : i32
    %dma_wait3A_179 = arith.constant 0 : i32
    %dma_wait3A_180 = tpu.memref_slice %arg7[%dma_wait3A_178, %dma_wait3A_179] : memref<8x128xi32, #tpu.memory_space<vmem>> -> memref<1x128xi32, #tpu.memory_space<vmem>>
    %dma_wait3A_181 = tpu.memref_squeeze %dma_wait3A_180 : memref<1x128xi32, #tpu.memory_space<vmem>> -> memref<128xi32, #tpu.memory_space<vmem>>
    %dma_wait3A_182 = arith.constant 0 : i32
    %dma_wait3A_183 = tpu.memref_slice %arg6[%dma_wait3A_182] : memref<100096xi32, #tpu.memory_space<vmem_shared>> -> memref<100096xi32, #tpu.memory_space<vmem_shared>>
    tpu.wait_indirect_dma semaphore(%arg20 : memref<!tpu.dma_semaphore, #tpu.memory_space<semaphore_mem>>) src(%arg10 : memref<128xi32, #tpu.memory_space<vmem>>) dst(%dma_wait3A_183 : memref<100096xi32, #tpu.memory_space<vmem_shared>>)
    %dma_wait3A_184 = arith.constant 6 : i32
    %dma_wait3A_185 = arith.constant 0 : i32
    %dma_wait3A_186 = tpu.memref_slice %arg7[%dma_wait3A_184, %dma_wait3A_185] : memref<8x128xi32, #tpu.memory_space<vmem>> -> memref<1x128xi32, #tpu.memory_space<vmem>>
    %dma_wait3A_187 = tpu.memref_squeeze %dma_wait3A_186 : memref<1x128xi32, #tpu.memory_space<vmem>> -> memref<128xi32, #tpu.memory_space<vmem>>
    %dma_wait3A_188 = arith.constant 0 : i32
    %dma_wait3A_189 = tpu.memref_slice %arg6[%dma_wait3A_188] : memref<100096xi32, #tpu.memory_space<vmem_shared>> -> memref<100096xi32, #tpu.memory_space<vmem_shared>>
    tpu.wait_indirect_dma semaphore(%arg20 : memref<!tpu.dma_semaphore, #tpu.memory_space<semaphore_mem>>) src(%arg10 : memref<128xi32, #tpu.memory_space<vmem>>) dst(%dma_wait3A_189 : memref<100096xi32, #tpu.memory_space<vmem_shared>>)
    %dma_wait3A_190 = arith.constant 7 : i32
    %dma_wait3A_191 = arith.constant 0 : i32
    %dma_wait3A_192 = tpu.memref_slice %arg7[%dma_wait3A_190, %dma_wait3A_191] : memref<8x128xi32, #tpu.memory_space<vmem>> -> memref<1x128xi32, #tpu.memory_space<vmem>>
    %dma_wait3A_193 = tpu.memref_squeeze %dma_wait3A_192 : memref<1x128xi32, #tpu.memory_space<vmem>> -> memref<128xi32, #tpu.memory_space<vmem>>
    %dma_wait3A_194 = arith.constant 0 : i32
    %dma_wait3A_195 = tpu.memref_slice %arg6[%dma_wait3A_194] : memref<100096xi32, #tpu.memory_space<vmem_shared>> -> memref<100096xi32, #tpu.memory_space<vmem_shared>>
    tpu.wait_indirect_dma semaphore(%arg20 : memref<!tpu.dma_semaphore, #tpu.memory_space<semaphore_mem>>) src(%arg10 : memref<128xi32, #tpu.memory_space<vmem>>) dst(%dma_wait3A_195 : memref<100096xi32, #tpu.memory_space<vmem_shared>>)
    %barrier3A_196 = arith.constant 0 : index
    tpu.barrier barrier_id(%barrier3A_196)
    %dma_start3A_197 = arith.constant 0 : i32
    %dma_start3A_198 = arith.constant 0 : i32
    %dma_start3A_199 = tpu.memref_slice %arg9[%dma_start3A_198] : memref<512xi32, #tpu.memory_space<vmem>> -> memref<128xi32, #tpu.memory_space<vmem>>
    %dma_start3A_200 = arith.constant 0 : i32
    %dma_start3A_201 = tpu.memref_slice %arg8[%dma_start3A_197, %dma_start3A_200] : memref<4x128xi32, #tpu.memory_space<vmem>> -> memref<1x128xi32, #tpu.memory_space<vmem>>
    %dma_start3A_202 = tpu.memref_squeeze %dma_start3A_201 : memref<1x128xi32, #tpu.memory_space<vmem>> -> memref<128xi32, #tpu.memory_space<vmem>>
    %dma_start3A_203 = arith.constant 0 : i32
    %dma_start3A_204 = tpu.memref_slice %arg6[%dma_start3A_203] : memref<100096xi32, #tpu.memory_space<vmem_shared>> -> memref<100096xi32, #tpu.memory_space<vmem_shared>>
    tpu.enqueue_indirect_dma source(%dma_start3A_204 : memref<100096xi32, #tpu.memory_space<vmem_shared>>) target(%dma_start3A_199 : memref<128xi32, #tpu.memory_space<vmem>>) offsets(%dma_start3A_202 : memref<128xi32, #tpu.memory_space<vmem>>) semaphore(%arg22 : memref<!tpu.dma_semaphore, #tpu.memory_space<semaphore_mem>>)
    %dma_start3A_205 = arith.constant 1 : i32
    %dma_start3A_206 = arith.constant 128 : i32
    %dma_start3A_207 = tpu.memref_slice %arg9[%dma_start3A_206] : memref<512xi32, #tpu.memory_space<vmem>> -> memref<128xi32, #tpu.memory_space<vmem>>
    %dma_start3A_208 = arith.constant 0 : i32
    %dma_start3A_209 = tpu.memref_slice %arg8[%dma_start3A_205, %dma_start3A_208] : memref<4x128xi32, #tpu.memory_space<vmem>> -> memref<1x128xi32, #tpu.memory_space<vmem>>
    %dma_start3A_210 = tpu.memref_squeeze %dma_start3A_209 : memref<1x128xi32, #tpu.memory_space<vmem>> -> memref<128xi32, #tpu.memory_space<vmem>>
    %dma_start3A_211 = arith.constant 0 : i32
    %dma_start3A_212 = tpu.memref_slice %arg6[%dma_start3A_211] : memref<100096xi32, #tpu.memory_space<vmem_shared>> -> memref<100096xi32, #tpu.memory_space<vmem_shared>>
    tpu.enqueue_indirect_dma source(%dma_start3A_212 : memref<100096xi32, #tpu.memory_space<vmem_shared>>) target(%dma_start3A_207 : memref<128xi32, #tpu.memory_space<vmem>>) offsets(%dma_start3A_210 : memref<128xi32, #tpu.memory_space<vmem>>) semaphore(%arg22 : memref<!tpu.dma_semaphore, #tpu.memory_space<semaphore_mem>>)
    %dma_start3A_213 = arith.constant 2 : i32
    %dma_start3A_214 = arith.constant 256 : i32
    %dma_start3A_215 = tpu.memref_slice %arg9[%dma_start3A_214] : memref<512xi32, #tpu.memory_space<vmem>> -> memref<128xi32, #tpu.memory_space<vmem>>
    %dma_start3A_216 = arith.constant 0 : i32
    %dma_start3A_217 = tpu.memref_slice %arg8[%dma_start3A_213, %dma_start3A_216] : memref<4x128xi32, #tpu.memory_space<vmem>> -> memref<1x128xi32, #tpu.memory_space<vmem>>
    %dma_start3A_218 = tpu.memref_squeeze %dma_start3A_217 : memref<1x128xi32, #tpu.memory_space<vmem>> -> memref<128xi32, #tpu.memory_space<vmem>>
    %dma_start3A_219 = arith.constant 0 : i32
    %dma_start3A_220 = tpu.memref_slice %arg6[%dma_start3A_219] : memref<100096xi32, #tpu.memory_space<vmem_shared>> -> memref<100096xi32, #tpu.memory_space<vmem_shared>>
    tpu.enqueue_indirect_dma source(%dma_start3A_220 : memref<100096xi32, #tpu.memory_space<vmem_shared>>) target(%dma_start3A_215 : memref<128xi32, #tpu.memory_space<vmem>>) offsets(%dma_start3A_218 : memref<128xi32, #tpu.memory_space<vmem>>) semaphore(%arg22 : memref<!tpu.dma_semaphore, #tpu.memory_space<semaphore_mem>>)
    %dma_start3A_221 = arith.constant 3 : i32
    %dma_start3A_222 = arith.constant 384 : i32
    %dma_start3A_223 = tpu.memref_slice %arg9[%dma_start3A_222] : memref<512xi32, #tpu.memory_space<vmem>> -> memref<128xi32, #tpu.memory_space<vmem>>
    %dma_start3A_224 = arith.constant 0 : i32
    %dma_start3A_225 = tpu.memref_slice %arg8[%dma_start3A_221, %dma_start3A_224] : memref<4x128xi32, #tpu.memory_space<vmem>> -> memref<1x128xi32, #tpu.memory_space<vmem>>
    %dma_start3A_226 = tpu.memref_squeeze %dma_start3A_225 : memref<1x128xi32, #tpu.memory_space<vmem>> -> memref<128xi32, #tpu.memory_space<vmem>>
    %dma_start3A_227 = arith.constant 0 : i32
    %dma_start3A_228 = tpu.memref_slice %arg6[%dma_start3A_227] : memref<100096xi32, #tpu.memory_space<vmem_shared>> -> memref<100096xi32, #tpu.memory_space<vmem_shared>>
    tpu.enqueue_indirect_dma source(%dma_start3A_228 : memref<100096xi32, #tpu.memory_space<vmem_shared>>) target(%dma_start3A_223 : memref<128xi32, #tpu.memory_space<vmem>>) offsets(%dma_start3A_226 : memref<128xi32, #tpu.memory_space<vmem>>) semaphore(%arg22 : memref<!tpu.dma_semaphore, #tpu.memory_space<semaphore_mem>>)
    %iota3A = tpu.iota {dimensions = array<i32: 0>} : vector<16xi32>
    %eq3A = arith.constant 15 : i32
    %eq3A_229 = vector.broadcast %eq3A : i32 to vector<16xi32>
    %eq3A_230 = arith.cmpi eq, %iota3A, %eq3A_229 : vector<16xi32>
    %broadcast_in_dim3A_231 = arith.constant 0.000000e+00 : f32
    %broadcast_in_dim3A_232 = vector.broadcast %broadcast_in_dim3A_231 : f32 to vector<16xf32>
    %dma_wait3A_233 = arith.constant 0 : i32
    %dma_wait3A_234 = tpu.memref_slice %arg2[%add3A_4, %dma_wait3A_233] : memref<16384x128xf32, #tpu.memory_space<hbm>> -> memref<128x128xf32, #tpu.memory_space<hbm>>
    %dma_wait3A_235 = arith.constant 0 : i32
    %dma_wait3A_236 = tpu.memref_slice %arg2[%add3A_4, %dma_wait3A_235] : memref<16384x128xf32, #tpu.memory_space<hbm>> -> memref<128x128xf32, #tpu.memory_space<hbm>>
    tpu.wait_dma2 semaphore(%arg23 : memref<!tpu.dma_semaphore, #tpu.memory_space<semaphore_mem>>) src(%dma_wait3A_236 : memref<128x128xf32, #tpu.memory_space<hbm>>) dst(%arg12 : memref<128x128xf32, #tpu.memory_space<vmem>>)
    %dma_wait3A_237 = arith.constant 0 : i32
    %dma_wait3A_238 = arith.constant 0 : i32
    %dma_wait3A_239 = arith.constant 0 : i32
    %dma_wait3A_240 = tpu.memref_slice %arg14[%dma_wait3A_238, %dma_wait3A_239] : memref<512x128xf32, #tpu.memory_space<vmem>> -> memref<128x128xf32, #tpu.memory_space<vmem>>
    %dma_wait3A_241 = arith.constant 0 : i32
    %dma_wait3A_242 = tpu.memref_slice %arg8[%dma_wait3A_237, %dma_wait3A_241] : memref<4x128xi32, #tpu.memory_space<vmem>> -> memref<1x128xi32, #tpu.memory_space<vmem>>
    %dma_wait3A_243 = tpu.memref_squeeze %dma_wait3A_242 : memref<1x128xi32, #tpu.memory_space<vmem>> -> memref<128xi32, #tpu.memory_space<vmem>>
    %dma_wait3A_244 = arith.constant 0 : i32
    %dma_wait3A_245 = arith.constant 0 : i32
    %dma_wait3A_246 = tpu.memref_slice %arg4[%dma_wait3A_244, %dma_wait3A_245] : memref<100000x128xf32, #tpu.memory_space<hbm>> -> memref<100000x128xf32, #tpu.memory_space<hbm>>
    tpu.wait_indirect_dma semaphore(%arg21 : memref<!tpu.dma_semaphore, #tpu.memory_space<semaphore_mem>>) src(%dma_wait3A_246 : memref<100000x128xf32, #tpu.memory_space<hbm>>) dst(%dma_wait3A_240 : memref<128x128xf32, #tpu.memory_space<vmem>>)
    %parallel_loop3A = arith.constant 0 : i32
    %parallel_loop3A_247 = arith.constant 128 : i32
    %parallel_loop3A_248 = arith.constant 1 : i32
    scf.for %parallel_loop3A_357 = %parallel_loop3A to %parallel_loop3A_247 step %parallel_loop3A_248  : i32 {
      %parallel_loop3A_358 = vector.broadcast %parallel_loop3A_357 : i32 to vector<16xi32>
      %parallel_loop3A_359 = arith.constant 0 : i32
      %parallel_loop3A_360 = arith.addi %parallel_loop3A_359, %parallel_loop3A_357 : i32
      %parallel_loop3A_361 = vector.broadcast %parallel_loop3A_360 : i32 to vector<16xi32>
      %parallel_loop3A_362 = arith.constant 0 : i32
      %parallel_loop3A_363 = vector.broadcast %parallel_loop3A_362 : i32 to vector<16xi32>
      %parallel_loop3A_364 = arith.addi %iota3A, %parallel_loop3A_363 : vector<16xi32>
      %parallel_loop3A_365 = tpu.vector_load_idx %arg12[%parallel_loop3A_358, %parallel_loop3A_364] : memref<128x128xf32, #tpu.memory_space<vmem>>[vector<16xi32>, vector<16xi32>], vector<16xf32>,
      %parallel_loop3A_366 = tpu.vector_load_idx %arg14[%parallel_loop3A_361, %parallel_loop3A_364] : memref<512x128xf32, #tpu.memory_space<vmem>>[vector<16xi32>, vector<16xi32>], vector<16xf32>,
      %parallel_loop3A_367 = arith.mulf %parallel_loop3A_365, %parallel_loop3A_365 : vector<16xf32>
      %parallel_loop3A_368 = arith.addf %broadcast_in_dim3A_232, %parallel_loop3A_367 : vector<16xf32>
      %parallel_loop3A_369 = arith.mulf %parallel_loop3A_365, %parallel_loop3A_366 : vector<16xf32>
      %parallel_loop3A_370 = arith.addf %broadcast_in_dim3A_232, %parallel_loop3A_369 : vector<16xf32>
      %parallel_loop3A_371 = arith.mulf %parallel_loop3A_366, %parallel_loop3A_366 : vector<16xf32>
      %parallel_loop3A_372 = arith.addf %broadcast_in_dim3A_232, %parallel_loop3A_371 : vector<16xf32>
      %parallel_loop3A_373 = arith.constant 16 : i32
      %parallel_loop3A_374 = vector.broadcast %parallel_loop3A_373 : i32 to vector<16xi32>
      %parallel_loop3A_375 = arith.addi %iota3A, %parallel_loop3A_374 : vector<16xi32>
      %parallel_loop3A_376 = tpu.vector_load_idx %arg12[%parallel_loop3A_358, %parallel_loop3A_375] : memref<128x128xf32, #tpu.memory_space<vmem>>[vector<16xi32>, vector<16xi32>], vector<16xf32>,
      %parallel_loop3A_377 = tpu.vector_load_idx %arg14[%parallel_loop3A_361, %parallel_loop3A_375] : memref<512x128xf32, #tpu.memory_space<vmem>>[vector<16xi32>, vector<16xi32>], vector<16xf32>,
      %parallel_loop3A_378 = arith.mulf %parallel_loop3A_376, %parallel_loop3A_376 : vector<16xf32>
      %parallel_loop3A_379 = arith.addf %parallel_loop3A_368, %parallel_loop3A_378 : vector<16xf32>
      %parallel_loop3A_380 = arith.mulf %parallel_loop3A_376, %parallel_loop3A_377 : vector<16xf32>
      %parallel_loop3A_381 = arith.addf %parallel_loop3A_370, %parallel_loop3A_380 : vector<16xf32>
      %parallel_loop3A_382 = arith.mulf %parallel_loop3A_377, %parallel_loop3A_377 : vector<16xf32>
      %parallel_loop3A_383 = arith.addf %parallel_loop3A_372, %parallel_loop3A_382 : vector<16xf32>
      %parallel_loop3A_384 = arith.constant 32 : i32
      %parallel_loop3A_385 = vector.broadcast %parallel_loop3A_384 : i32 to vector<16xi32>
      %parallel_loop3A_386 = arith.addi %iota3A, %parallel_loop3A_385 : vector<16xi32>
      %parallel_loop3A_387 = tpu.vector_load_idx %arg12[%parallel_loop3A_358, %parallel_loop3A_386] : memref<128x128xf32, #tpu.memory_space<vmem>>[vector<16xi32>, vector<16xi32>], vector<16xf32>,
      %parallel_loop3A_388 = tpu.vector_load_idx %arg14[%parallel_loop3A_361, %parallel_loop3A_386] : memref<512x128xf32, #tpu.memory_space<vmem>>[vector<16xi32>, vector<16xi32>], vector<16xf32>,
      %parallel_loop3A_389 = arith.mulf %parallel_loop3A_387, %parallel_loop3A_387 : vector<16xf32>
      %parallel_loop3A_390 = arith.addf %parallel_loop3A_379, %parallel_loop3A_389 : vector<16xf32>
      %parallel_loop3A_391 = arith.mulf %parallel_loop3A_387, %parallel_loop3A_388 : vector<16xf32>
      %parallel_loop3A_392 = arith.addf %parallel_loop3A_381, %parallel_loop3A_391 : vector<16xf32>
      %parallel_loop3A_393 = arith.mulf %parallel_loop3A_388, %parallel_loop3A_388 : vector<16xf32>
      %parallel_loop3A_394 = arith.addf %parallel_loop3A_383, %parallel_loop3A_393 : vector<16xf32>
      %parallel_loop3A_395 = arith.constant 48 : i32
      %parallel_loop3A_396 = vector.broadcast %parallel_loop3A_395 : i32 to vector<16xi32>
      %parallel_loop3A_397 = arith.addi %iota3A, %parallel_loop3A_396 : vector<16xi32>
      %parallel_loop3A_398 = tpu.vector_load_idx %arg12[%parallel_loop3A_358, %parallel_loop3A_397] : memref<128x128xf32, #tpu.memory_space<vmem>>[vector<16xi32>, vector<16xi32>], vector<16xf32>,
      %parallel_loop3A_399 = tpu.vector_load_idx %arg14[%parallel_loop3A_361, %parallel_loop3A_397] : memref<512x128xf32, #tpu.memory_space<vmem>>[vector<16xi32>, vector<16xi32>], vector<16xf32>,
      %parallel_loop3A_400 = arith.mulf %parallel_loop3A_398, %parallel_loop3A_398 : vector<16xf32>
      %parallel_loop3A_401 = arith.addf %parallel_loop3A_390, %parallel_loop3A_400 : vector<16xf32>
      %parallel_loop3A_402 = arith.mulf %parallel_loop3A_398, %parallel_loop3A_399 : vector<16xf32>
      %parallel_loop3A_403 = arith.addf %parallel_loop3A_392, %parallel_loop3A_402 : vector<16xf32>
      %parallel_loop3A_404 = arith.mulf %parallel_loop3A_399, %parallel_loop3A_399 : vector<16xf32>
      %parallel_loop3A_405 = arith.addf %parallel_loop3A_394, %parallel_loop3A_404 : vector<16xf32>
      %parallel_loop3A_406 = arith.constant 64 : i32
      %parallel_loop3A_407 = vector.broadcast %parallel_loop3A_406 : i32 to vector<16xi32>
      %parallel_loop3A_408 = arith.addi %iota3A, %parallel_loop3A_407 : vector<16xi32>
      %parallel_loop3A_409 = tpu.vector_load_idx %arg12[%parallel_loop3A_358, %parallel_loop3A_408] : memref<128x128xf32, #tpu.memory_space<vmem>>[vector<16xi32>, vector<16xi32>], vector<16xf32>,
      %parallel_loop3A_410 = tpu.vector_load_idx %arg14[%parallel_loop3A_361, %parallel_loop3A_408] : memref<512x128xf32, #tpu.memory_space<vmem>>[vector<16xi32>, vector<16xi32>], vector<16xf32>,
      %parallel_loop3A_411 = arith.mulf %parallel_loop3A_409, %parallel_loop3A_409 : vector<16xf32>
      %parallel_loop3A_412 = arith.addf %parallel_loop3A_401, %parallel_loop3A_411 : vector<16xf32>
      %parallel_loop3A_413 = arith.mulf %parallel_loop3A_409, %parallel_loop3A_410 : vector<16xf32>
      %parallel_loop3A_414 = arith.addf %parallel_loop3A_403, %parallel_loop3A_413 : vector<16xf32>
      %parallel_loop3A_415 = arith.mulf %parallel_loop3A_410, %parallel_loop3A_410 : vector<16xf32>
      %parallel_loop3A_416 = arith.addf %parallel_loop3A_405, %parallel_loop3A_415 : vector<16xf32>
      %parallel_loop3A_417 = arith.constant 80 : i32
      %parallel_loop3A_418 = vector.broadcast %parallel_loop3A_417 : i32 to vector<16xi32>
      %parallel_loop3A_419 = arith.addi %iota3A, %parallel_loop3A_418 : vector<16xi32>
      %parallel_loop3A_420 = tpu.vector_load_idx %arg12[%parallel_loop3A_358, %parallel_loop3A_419] : memref<128x128xf32, #tpu.memory_space<vmem>>[vector<16xi32>, vector<16xi32>], vector<16xf32>,
      %parallel_loop3A_421 = tpu.vector_load_idx %arg14[%parallel_loop3A_361, %parallel_loop3A_419] : memref<512x128xf32, #tpu.memory_space<vmem>>[vector<16xi32>, vector<16xi32>], vector<16xf32>,
      %parallel_loop3A_422 = arith.mulf %parallel_loop3A_420, %parallel_loop3A_420 : vector<16xf32>
      %parallel_loop3A_423 = arith.addf %parallel_loop3A_412, %parallel_loop3A_422 : vector<16xf32>
      %parallel_loop3A_424 = arith.mulf %parallel_loop3A_420, %parallel_loop3A_421 : vector<16xf32>
      %parallel_loop3A_425 = arith.addf %parallel_loop3A_414, %parallel_loop3A_424 : vector<16xf32>
      %parallel_loop3A_426 = arith.mulf %parallel_loop3A_421, %parallel_loop3A_421 : vector<16xf32>
      %parallel_loop3A_427 = arith.addf %parallel_loop3A_416, %parallel_loop3A_426 : vector<16xf32>
      %parallel_loop3A_428 = arith.constant 96 : i32
      %parallel_loop3A_429 = vector.broadcast %parallel_loop3A_428 : i32 to vector<16xi32>
      %parallel_loop3A_430 = arith.addi %iota3A, %parallel_loop3A_429 : vector<16xi32>
      %parallel_loop3A_431 = tpu.vector_load_idx %arg12[%parallel_loop3A_358, %parallel_loop3A_430] : memref<128x128xf32, #tpu.memory_space<vmem>>[vector<16xi32>, vector<16xi32>], vector<16xf32>,
      %parallel_loop3A_432 = tpu.vector_load_idx %arg14[%parallel_loop3A_361, %parallel_loop3A_430] : memref<512x128xf32, #tpu.memory_space<vmem>>[vector<16xi32>, vector<16xi32>], vector<16xf32>,
      %parallel_loop3A_433 = arith.mulf %parallel_loop3A_431, %parallel_loop3A_431 : vector<16xf32>
      %parallel_loop3A_434 = arith.addf %parallel_loop3A_423, %parallel_loop3A_433 : vector<16xf32>
      %parallel_loop3A_435 = arith.mulf %parallel_loop3A_431, %parallel_loop3A_432 : vector<16xf32>
      %parallel_loop3A_436 = arith.addf %parallel_loop3A_425, %parallel_loop3A_435 : vector<16xf32>
      %parallel_loop3A_437 = arith.mulf %parallel_loop3A_432, %parallel_loop3A_432 : vector<16xf32>
      %parallel_loop3A_438 = arith.addf %parallel_loop3A_427, %parallel_loop3A_437 : vector<16xf32>
      %parallel_loop3A_439 = arith.constant 112 : i32
      %parallel_loop3A_440 = vector.broadcast %parallel_loop3A_439 : i32 to vector<16xi32>
      %parallel_loop3A_441 = arith.addi %iota3A, %parallel_loop3A_440 : vector<16xi32>
      %parallel_loop3A_442 = tpu.vector_load_idx %arg12[%parallel_loop3A_358, %parallel_loop3A_441] : memref<128x128xf32, #tpu.memory_space<vmem>>[vector<16xi32>, vector<16xi32>], vector<16xf32>,
      %parallel_loop3A_443 = tpu.vector_load_idx %arg14[%parallel_loop3A_361, %parallel_loop3A_441] : memref<512x128xf32, #tpu.memory_space<vmem>>[vector<16xi32>, vector<16xi32>], vector<16xf32>,
      %parallel_loop3A_444 = arith.mulf %parallel_loop3A_442, %parallel_loop3A_442 : vector<16xf32>
      %parallel_loop3A_445 = arith.addf %parallel_loop3A_434, %parallel_loop3A_444 : vector<16xf32>
      %parallel_loop3A_446 = arith.mulf %parallel_loop3A_442, %parallel_loop3A_443 : vector<16xf32>
      %parallel_loop3A_447 = arith.addf %parallel_loop3A_436, %parallel_loop3A_446 : vector<16xf32>
      %parallel_loop3A_448 = arith.mulf %parallel_loop3A_443, %parallel_loop3A_443 : vector<16xf32>
      %parallel_loop3A_449 = arith.addf %parallel_loop3A_438, %parallel_loop3A_448 : vector<16xf32>
      %parallel_loop3A_450 = arith.constant true
      %parallel_loop3A_451 = vector.broadcast %parallel_loop3A_450 : i1 to vector<16xi1>
      %parallel_loop3A_452 = tpu.scan <sum>, %parallel_loop3A_445 masked %parallel_loop3A_451 : vector<16xf32>, vector<16xi1> -> vector<16xf32>
      tpu.vector_store_idx %arg15[%parallel_loop3A_361], %parallel_loop3A_452 masked %eq3A_230 : memref<512xf32, #tpu.memory_space<vmem>>[vector<16xi32>], vector<16xf32>, vector<16xi1>
      %parallel_loop3A_453 = arith.constant true
      %parallel_loop3A_454 = vector.broadcast %parallel_loop3A_453 : i1 to vector<16xi1>
      %parallel_loop3A_455 = tpu.scan <sum>, %parallel_loop3A_447 masked %parallel_loop3A_454 : vector<16xf32>, vector<16xi1> -> vector<16xf32>
      tpu.vector_store_idx %arg16[%parallel_loop3A_361], %parallel_loop3A_455 masked %eq3A_230 : memref<512xf32, #tpu.memory_space<vmem>>[vector<16xi32>], vector<16xf32>, vector<16xi1>
      %parallel_loop3A_456 = arith.constant true
      %parallel_loop3A_457 = vector.broadcast %parallel_loop3A_456 : i1 to vector<16xi1>
      %parallel_loop3A_458 = tpu.scan <sum>, %parallel_loop3A_449 masked %parallel_loop3A_457 : vector<16xf32>, vector<16xi1> -> vector<16xf32>
      tpu.vector_store_idx %arg17[%parallel_loop3A_361], %parallel_loop3A_458 masked %eq3A_230 : memref<512xf32, #tpu.memory_space<vmem>>[vector<16xi32>], vector<16xf32>, vector<16xi1>
    } {sc.loop_unroll_factor = 4 : i64, sc.parallel_access}
    %mul3A_249 = arith.constant 512 : i32
    %mul3A_250 = arith.muli %add3A, %mul3A_249 : i32
    %add3A_251 = arith.constant 256 : i32
    %add3A_252 = arith.addi %mul3A_250, %add3A_251 : i32
    %dma_start3A_253 = arith.constant 0 : i32
    %dma_start3A_254 = tpu.memref_slice %arg2[%add3A_252, %dma_start3A_253] : memref<16384x128xf32, #tpu.memory_space<hbm>> -> memref<128x128xf32, #tpu.memory_space<hbm>>
    %dma_start3A_255 = arith.constant 0 : i32
    %dma_start3A_256 = tpu.memref_slice %arg2[%add3A_252, %dma_start3A_255] : memref<16384x128xf32, #tpu.memory_space<hbm>> -> memref<128x128xf32, #tpu.memory_space<hbm>>
    tpu.enqueue_dma source(%dma_start3A_256 : memref<128x128xf32, #tpu.memory_space<hbm>>) target(%arg12 : memref<128x128xf32, #tpu.memory_space<vmem>>) target_semaphore(%arg23 : memref<!tpu.dma_semaphore, #tpu.memory_space<semaphore_mem>>)
    %dma_wait3A_257 = arith.constant 0 : i32
    %dma_wait3A_258 = tpu.memref_slice %arg2[%add3A_11, %dma_wait3A_257] : memref<16384x128xf32, #tpu.memory_space<hbm>> -> memref<128x128xf32, #tpu.memory_space<hbm>>
    %dma_wait3A_259 = arith.constant 0 : i32
    %dma_wait3A_260 = tpu.memref_slice %arg2[%add3A_11, %dma_wait3A_259] : memref<16384x128xf32, #tpu.memory_space<hbm>> -> memref<128x128xf32, #tpu.memory_space<hbm>>
    tpu.wait_dma2 semaphore(%arg24 : memref<!tpu.dma_semaphore, #tpu.memory_space<semaphore_mem>>) src(%dma_wait3A_260 : memref<128x128xf32, #tpu.memory_space<hbm>>) dst(%arg13 : memref<128x128xf32, #tpu.memory_space<vmem>>)
    %dma_wait3A_261 = arith.constant 1 : i32
    %dma_wait3A_262 = arith.constant 128 : i32
    %dma_wait3A_263 = arith.constant 0 : i32
    %dma_wait3A_264 = tpu.memref_slice %arg14[%dma_wait3A_262, %dma_wait3A_263] : memref<512x128xf32, #tpu.memory_space<vmem>> -> memref<128x128xf32, #tpu.memory_space<vmem>>
    %dma_wait3A_265 = arith.constant 0 : i32
    %dma_wait3A_266 = tpu.memref_slice %arg8[%dma_wait3A_261, %dma_wait3A_265] : memref<4x128xi32, #tpu.memory_space<vmem>> -> memref<1x128xi32, #tpu.memory_space<vmem>>
    %dma_wait3A_267 = tpu.memref_squeeze %dma_wait3A_266 : memref<1x128xi32, #tpu.memory_space<vmem>> -> memref<128xi32, #tpu.memory_space<vmem>>
    %dma_wait3A_268 = arith.constant 0 : i32
    %dma_wait3A_269 = arith.constant 0 : i32
    %dma_wait3A_270 = tpu.memref_slice %arg4[%dma_wait3A_268, %dma_wait3A_269] : memref<100000x128xf32, #tpu.memory_space<hbm>> -> memref<100000x128xf32, #tpu.memory_space<hbm>>
    tpu.wait_indirect_dma semaphore(%arg21 : memref<!tpu.dma_semaphore, #tpu.memory_space<semaphore_mem>>) src(%dma_wait3A_270 : memref<100000x128xf32, #tpu.memory_space<hbm>>) dst(%dma_wait3A_264 : memref<128x128xf32, #tpu.memory_space<vmem>>)
    %parallel_loop3A_271 = arith.constant 0 : i32
    %parallel_loop3A_272 = arith.constant 128 : i32
    %parallel_loop3A_273 = arith.constant 1 : i32
    scf.for %parallel_loop3A_357 = %parallel_loop3A_271 to %parallel_loop3A_272 step %parallel_loop3A_273  : i32 {
      %parallel_loop3A_358 = vector.broadcast %parallel_loop3A_357 : i32 to vector<16xi32>
      %parallel_loop3A_359 = arith.constant 128 : i32
      %parallel_loop3A_360 = arith.addi %parallel_loop3A_359, %parallel_loop3A_357 : i32
      %parallel_loop3A_361 = vector.broadcast %parallel_loop3A_360 : i32 to vector<16xi32>
      %parallel_loop3A_362 = arith.constant 0 : i32
      %parallel_loop3A_363 = vector.broadcast %parallel_loop3A_362 : i32 to vector<16xi32>
      %parallel_loop3A_364 = arith.addi %iota3A, %parallel_loop3A_363 : vector<16xi32>
      %parallel_loop3A_365 = tpu.vector_load_idx %arg13[%parallel_loop3A_358, %parallel_loop3A_364] : memref<128x128xf32, #tpu.memory_space<vmem>>[vector<16xi32>, vector<16xi32>], vector<16xf32>,
      %parallel_loop3A_366 = tpu.vector_load_idx %arg14[%parallel_loop3A_361, %parallel_loop3A_364] : memref<512x128xf32, #tpu.memory_space<vmem>>[vector<16xi32>, vector<16xi32>], vector<16xf32>,
      %parallel_loop3A_367 = arith.mulf %parallel_loop3A_365, %parallel_loop3A_365 : vector<16xf32>
      %parallel_loop3A_368 = arith.addf %broadcast_in_dim3A_232, %parallel_loop3A_367 : vector<16xf32>
      %parallel_loop3A_369 = arith.mulf %parallel_loop3A_365, %parallel_loop3A_366 : vector<16xf32>
      %parallel_loop3A_370 = arith.addf %broadcast_in_dim3A_232, %parallel_loop3A_369 : vector<16xf32>
      %parallel_loop3A_371 = arith.mulf %parallel_loop3A_366, %parallel_loop3A_366 : vector<16xf32>
      %parallel_loop3A_372 = arith.addf %broadcast_in_dim3A_232, %parallel_loop3A_371 : vector<16xf32>
      %parallel_loop3A_373 = arith.constant 16 : i32
      %parallel_loop3A_374 = vector.broadcast %parallel_loop3A_373 : i32 to vector<16xi32>
      %parallel_loop3A_375 = arith.addi %iota3A, %parallel_loop3A_374 : vector<16xi32>
      %parallel_loop3A_376 = tpu.vector_load_idx %arg13[%parallel_loop3A_358, %parallel_loop3A_375] : memref<128x128xf32, #tpu.memory_space<vmem>>[vector<16xi32>, vector<16xi32>], vector<16xf32>,
      %parallel_loop3A_377 = tpu.vector_load_idx %arg14[%parallel_loop3A_361, %parallel_loop3A_375] : memref<512x128xf32, #tpu.memory_space<vmem>>[vector<16xi32>, vector<16xi32>], vector<16xf32>,
      %parallel_loop3A_378 = arith.mulf %parallel_loop3A_376, %parallel_loop3A_376 : vector<16xf32>
      %parallel_loop3A_379 = arith.addf %parallel_loop3A_368, %parallel_loop3A_378 : vector<16xf32>
      %parallel_loop3A_380 = arith.mulf %parallel_loop3A_376, %parallel_loop3A_377 : vector<16xf32>
      %parallel_loop3A_381 = arith.addf %parallel_loop3A_370, %parallel_loop3A_380 : vector<16xf32>
      %parallel_loop3A_382 = arith.mulf %parallel_loop3A_377, %parallel_loop3A_377 : vector<16xf32>
      %parallel_loop3A_383 = arith.addf %parallel_loop3A_372, %parallel_loop3A_382 : vector<16xf32>
      %parallel_loop3A_384 = arith.constant 32 : i32
      %parallel_loop3A_385 = vector.broadcast %parallel_loop3A_384 : i32 to vector<16xi32>
      %parallel_loop3A_386 = arith.addi %iota3A, %parallel_loop3A_385 : vector<16xi32>
      %parallel_loop3A_387 = tpu.vector_load_idx %arg13[%parallel_loop3A_358, %parallel_loop3A_386] : memref<128x128xf32, #tpu.memory_space<vmem>>[vector<16xi32>, vector<16xi32>], vector<16xf32>,
      %parallel_loop3A_388 = tpu.vector_load_idx %arg14[%parallel_loop3A_361, %parallel_loop3A_386] : memref<512x128xf32, #tpu.memory_space<vmem>>[vector<16xi32>, vector<16xi32>], vector<16xf32>,
      %parallel_loop3A_389 = arith.mulf %parallel_loop3A_387, %parallel_loop3A_387 : vector<16xf32>
      %parallel_loop3A_390 = arith.addf %parallel_loop3A_379, %parallel_loop3A_389 : vector<16xf32>
      %parallel_loop3A_391 = arith.mulf %parallel_loop3A_387, %parallel_loop3A_388 : vector<16xf32>
      %parallel_loop3A_392 = arith.addf %parallel_loop3A_381, %parallel_loop3A_391 : vector<16xf32>
      %parallel_loop3A_393 = arith.mulf %parallel_loop3A_388, %parallel_loop3A_388 : vector<16xf32>
      %parallel_loop3A_394 = arith.addf %parallel_loop3A_383, %parallel_loop3A_393 : vector<16xf32>
      %parallel_loop3A_395 = arith.constant 48 : i32
      %parallel_loop3A_396 = vector.broadcast %parallel_loop3A_395 : i32 to vector<16xi32>
      %parallel_loop3A_397 = arith.addi %iota3A, %parallel_loop3A_396 : vector<16xi32>
      %parallel_loop3A_398 = tpu.vector_load_idx %arg13[%parallel_loop3A_358, %parallel_loop3A_397] : memref<128x128xf32, #tpu.memory_space<vmem>>[vector<16xi32>, vector<16xi32>], vector<16xf32>,
      %parallel_loop3A_399 = tpu.vector_load_idx %arg14[%parallel_loop3A_361, %parallel_loop3A_397] : memref<512x128xf32, #tpu.memory_space<vmem>>[vector<16xi32>, vector<16xi32>], vector<16xf32>,
      %parallel_loop3A_400 = arith.mulf %parallel_loop3A_398, %parallel_loop3A_398 : vector<16xf32>
      %parallel_loop3A_401 = arith.addf %parallel_loop3A_390, %parallel_loop3A_400 : vector<16xf32>
      %parallel_loop3A_402 = arith.mulf %parallel_loop3A_398, %parallel_loop3A_399 : vector<16xf32>
      %parallel_loop3A_403 = arith.addf %parallel_loop3A_392, %parallel_loop3A_402 : vector<16xf32>
      %parallel_loop3A_404 = arith.mulf %parallel_loop3A_399, %parallel_loop3A_399 : vector<16xf32>
      %parallel_loop3A_405 = arith.addf %parallel_loop3A_394, %parallel_loop3A_404 : vector<16xf32>
      %parallel_loop3A_406 = arith.constant 64 : i32
      %parallel_loop3A_407 = vector.broadcast %parallel_loop3A_406 : i32 to vector<16xi32>
      %parallel_loop3A_408 = arith.addi %iota3A, %parallel_loop3A_407 : vector<16xi32>
      %parallel_loop3A_409 = tpu.vector_load_idx %arg13[%parallel_loop3A_358, %parallel_loop3A_408] : memref<128x128xf32, #tpu.memory_space<vmem>>[vector<16xi32>, vector<16xi32>], vector<16xf32>,
      %parallel_loop3A_410 = tpu.vector_load_idx %arg14[%parallel_loop3A_361, %parallel_loop3A_408] : memref<512x128xf32, #tpu.memory_space<vmem>>[vector<16xi32>, vector<16xi32>], vector<16xf32>,
      %parallel_loop3A_411 = arith.mulf %parallel_loop3A_409, %parallel_loop3A_409 : vector<16xf32>
      %parallel_loop3A_412 = arith.addf %parallel_loop3A_401, %parallel_loop3A_411 : vector<16xf32>
      %parallel_loop3A_413 = arith.mulf %parallel_loop3A_409, %parallel_loop3A_410 : vector<16xf32>
      %parallel_loop3A_414 = arith.addf %parallel_loop3A_403, %parallel_loop3A_413 : vector<16xf32>
      %parallel_loop3A_415 = arith.mulf %parallel_loop3A_410, %parallel_loop3A_410 : vector<16xf32>
      %parallel_loop3A_416 = arith.addf %parallel_loop3A_405, %parallel_loop3A_415 : vector<16xf32>
      %parallel_loop3A_417 = arith.constant 80 : i32
      %parallel_loop3A_418 = vector.broadcast %parallel_loop3A_417 : i32 to vector<16xi32>
      %parallel_loop3A_419 = arith.addi %iota3A, %parallel_loop3A_418 : vector<16xi32>
      %parallel_loop3A_420 = tpu.vector_load_idx %arg13[%parallel_loop3A_358, %parallel_loop3A_419] : memref<128x128xf32, #tpu.memory_space<vmem>>[vector<16xi32>, vector<16xi32>], vector<16xf32>,
      %parallel_loop3A_421 = tpu.vector_load_idx %arg14[%parallel_loop3A_361, %parallel_loop3A_419] : memref<512x128xf32, #tpu.memory_space<vmem>>[vector<16xi32>, vector<16xi32>], vector<16xf32>,
      %parallel_loop3A_422 = arith.mulf %parallel_loop3A_420, %parallel_loop3A_420 : vector<16xf32>
      %parallel_loop3A_423 = arith.addf %parallel_loop3A_412, %parallel_loop3A_422 : vector<16xf32>
      %parallel_loop3A_424 = arith.mulf %parallel_loop3A_420, %parallel_loop3A_421 : vector<16xf32>
      %parallel_loop3A_425 = arith.addf %parallel_loop3A_414, %parallel_loop3A_424 : vector<16xf32>
      %parallel_loop3A_426 = arith.mulf %parallel_loop3A_421, %parallel_loop3A_421 : vector<16xf32>
      %parallel_loop3A_427 = arith.addf %parallel_loop3A_416, %parallel_loop3A_426 : vector<16xf32>
      %parallel_loop3A_428 = arith.constant 96 : i32
      %parallel_loop3A_429 = vector.broadcast %parallel_loop3A_428 : i32 to vector<16xi32>
      %parallel_loop3A_430 = arith.addi %iota3A, %parallel_loop3A_429 : vector<16xi32>
      %parallel_loop3A_431 = tpu.vector_load_idx %arg13[%parallel_loop3A_358, %parallel_loop3A_430] : memref<128x128xf32, #tpu.memory_space<vmem>>[vector<16xi32>, vector<16xi32>], vector<16xf32>,
      %parallel_loop3A_432 = tpu.vector_load_idx %arg14[%parallel_loop3A_361, %parallel_loop3A_430] : memref<512x128xf32, #tpu.memory_space<vmem>>[vector<16xi32>, vector<16xi32>], vector<16xf32>,
      %parallel_loop3A_433 = arith.mulf %parallel_loop3A_431, %parallel_loop3A_431 : vector<16xf32>
      %parallel_loop3A_434 = arith.addf %parallel_loop3A_423, %parallel_loop3A_433 : vector<16xf32>
      %parallel_loop3A_435 = arith.mulf %parallel_loop3A_431, %parallel_loop3A_432 : vector<16xf32>
      %parallel_loop3A_436 = arith.addf %parallel_loop3A_425, %parallel_loop3A_435 : vector<16xf32>
      %parallel_loop3A_437 = arith.mulf %parallel_loop3A_432, %parallel_loop3A_432 : vector<16xf32>
      %parallel_loop3A_438 = arith.addf %parallel_loop3A_427, %parallel_loop3A_437 : vector<16xf32>
      %parallel_loop3A_439 = arith.constant 112 : i32
      %parallel_loop3A_440 = vector.broadcast %parallel_loop3A_439 : i32 to vector<16xi32>
      %parallel_loop3A_441 = arith.addi %iota3A, %parallel_loop3A_440 : vector<16xi32>
      %parallel_loop3A_442 = tpu.vector_load_idx %arg13[%parallel_loop3A_358, %parallel_loop3A_441] : memref<128x128xf32, #tpu.memory_space<vmem>>[vector<16xi32>, vector<16xi32>], vector<16xf32>,
      %parallel_loop3A_443 = tpu.vector_load_idx %arg14[%parallel_loop3A_361, %parallel_loop3A_441] : memref<512x128xf32, #tpu.memory_space<vmem>>[vector<16xi32>, vector<16xi32>], vector<16xf32>,
      %parallel_loop3A_444 = arith.mulf %parallel_loop3A_442, %parallel_loop3A_442 : vector<16xf32>
      %parallel_loop3A_445 = arith.addf %parallel_loop3A_434, %parallel_loop3A_444 : vector<16xf32>
      %parallel_loop3A_446 = arith.mulf %parallel_loop3A_442, %parallel_loop3A_443 : vector<16xf32>
      %parallel_loop3A_447 = arith.addf %parallel_loop3A_436, %parallel_loop3A_446 : vector<16xf32>
      %parallel_loop3A_448 = arith.mulf %parallel_loop3A_443, %parallel_loop3A_443 : vector<16xf32>
      %parallel_loop3A_449 = arith.addf %parallel_loop3A_438, %parallel_loop3A_448 : vector<16xf32>
      %parallel_loop3A_450 = arith.constant true
      %parallel_loop3A_451 = vector.broadcast %parallel_loop3A_450 : i1 to vector<16xi1>
      %parallel_loop3A_452 = tpu.scan <sum>, %parallel_loop3A_445 masked %parallel_loop3A_451 : vector<16xf32>, vector<16xi1> -> vector<16xf32>
      tpu.vector_store_idx %arg15[%parallel_loop3A_361], %parallel_loop3A_452 masked %eq3A_230 : memref<512xf32, #tpu.memory_space<vmem>>[vector<16xi32>], vector<16xf32>, vector<16xi1>
      %parallel_loop3A_453 = arith.constant true
      %parallel_loop3A_454 = vector.broadcast %parallel_loop3A_453 : i1 to vector<16xi1>
      %parallel_loop3A_455 = tpu.scan <sum>, %parallel_loop3A_447 masked %parallel_loop3A_454 : vector<16xf32>, vector<16xi1> -> vector<16xf32>
      tpu.vector_store_idx %arg16[%parallel_loop3A_361], %parallel_loop3A_455 masked %eq3A_230 : memref<512xf32, #tpu.memory_space<vmem>>[vector<16xi32>], vector<16xf32>, vector<16xi1>
      %parallel_loop3A_456 = arith.constant true
      %parallel_loop3A_457 = vector.broadcast %parallel_loop3A_456 : i1 to vector<16xi1>
      %parallel_loop3A_458 = tpu.scan <sum>, %parallel_loop3A_449 masked %parallel_loop3A_457 : vector<16xf32>, vector<16xi1> -> vector<16xf32>
      tpu.vector_store_idx %arg17[%parallel_loop3A_361], %parallel_loop3A_458 masked %eq3A_230 : memref<512xf32, #tpu.memory_space<vmem>>[vector<16xi32>], vector<16xf32>, vector<16xi1>
    } {sc.loop_unroll_factor = 4 : i64, sc.parallel_access}
    %mul3A_274 = arith.constant 512 : i32
    %mul3A_275 = arith.muli %add3A, %mul3A_274 : i32
    %add3A_276 = arith.constant 384 : i32
    %add3A_277 = arith.addi %mul3A_275, %add3A_276 : i32
    %dma_start3A_278 = arith.constant 0 : i32
    %dma_start3A_279 = tpu.memref_slice %arg2[%add3A_277, %dma_start3A_278] : memref<16384x128xf32, #tpu.memory_space<hbm>> -> memref<128x128xf32, #tpu.memory_space<hbm>>
    %dma_start3A_280 = arith.constant 0 : i32
    %dma_start3A_281 = tpu.memref_slice %arg2[%add3A_277, %dma_start3A_280] : memref<16384x128xf32, #tpu.memory_space<hbm>> -> memref<128x128xf32, #tpu.memory_space<hbm>>
    tpu.enqueue_dma source(%dma_start3A_281 : memref<128x128xf32, #tpu.memory_space<hbm>>) target(%arg13 : memref<128x128xf32, #tpu.memory_space<vmem>>) target_semaphore(%arg24 : memref<!tpu.dma_semaphore, #tpu.memory_space<semaphore_mem>>)
    %dma_wait3A_282 = arith.constant 0 : i32
    %dma_wait3A_283 = tpu.memref_slice %arg2[%add3A_252, %dma_wait3A_282] : memref<16384x128xf32, #tpu.memory_space<hbm>> -> memref<128x128xf32, #tpu.memory_space<hbm>>
    %dma_wait3A_284 = arith.constant 0 : i32
    %dma_wait3A_285 = tpu.memref_slice %arg2[%add3A_252, %dma_wait3A_284] : memref<16384x128xf32, #tpu.memory_space<hbm>> -> memref<128x128xf32, #tpu.memory_space<hbm>>
    tpu.wait_dma2 semaphore(%arg23 : memref<!tpu.dma_semaphore, #tpu.memory_space<semaphore_mem>>) src(%dma_wait3A_285 : memref<128x128xf32, #tpu.memory_space<hbm>>) dst(%arg12 : memref<128x128xf32, #tpu.memory_space<vmem>>)
    %dma_wait3A_286 = arith.constant 2 : i32
    %dma_wait3A_287 = arith.constant 256 : i32
    %dma_wait3A_288 = arith.constant 0 : i32
    %dma_wait3A_289 = tpu.memref_slice %arg14[%dma_wait3A_287, %dma_wait3A_288] : memref<512x128xf32, #tpu.memory_space<vmem>> -> memref<128x128xf32, #tpu.memory_space<vmem>>
    %dma_wait3A_290 = arith.constant 0 : i32
    %dma_wait3A_291 = tpu.memref_slice %arg8[%dma_wait3A_286, %dma_wait3A_290] : memref<4x128xi32, #tpu.memory_space<vmem>> -> memref<1x128xi32, #tpu.memory_space<vmem>>
    %dma_wait3A_292 = tpu.memref_squeeze %dma_wait3A_291 : memref<1x128xi32, #tpu.memory_space<vmem>> -> memref<128xi32, #tpu.memory_space<vmem>>
    %dma_wait3A_293 = arith.constant 0 : i32
    %dma_wait3A_294 = arith.constant 0 : i32
    %dma_wait3A_295 = tpu.memref_slice %arg4[%dma_wait3A_293, %dma_wait3A_294] : memref<100000x128xf32, #tpu.memory_space<hbm>> -> memref<100000x128xf32, #tpu.memory_space<hbm>>
    tpu.wait_indirect_dma semaphore(%arg21 : memref<!tpu.dma_semaphore, #tpu.memory_space<semaphore_mem>>) src(%dma_wait3A_295 : memref<100000x128xf32, #tpu.memory_space<hbm>>) dst(%dma_wait3A_289 : memref<128x128xf32, #tpu.memory_space<vmem>>)
    %parallel_loop3A_296 = arith.constant 0 : i32
    %parallel_loop3A_297 = arith.constant 128 : i32
    %parallel_loop3A_298 = arith.constant 1 : i32
    scf.for %parallel_loop3A_357 = %parallel_loop3A_296 to %parallel_loop3A_297 step %parallel_loop3A_298  : i32 {
      %parallel_loop3A_358 = vector.broadcast %parallel_loop3A_357 : i32 to vector<16xi32>
      %parallel_loop3A_359 = arith.constant 256 : i32
      %parallel_loop3A_360 = arith.addi %parallel_loop3A_359, %parallel_loop3A_357 : i32
      %parallel_loop3A_361 = vector.broadcast %parallel_loop3A_360 : i32 to vector<16xi32>
      %parallel_loop3A_362 = arith.constant 0 : i32
      %parallel_loop3A_363 = vector.broadcast %parallel_loop3A_362 : i32 to vector<16xi32>
      %parallel_loop3A_364 = arith.addi %iota3A, %parallel_loop3A_363 : vector<16xi32>
      %parallel_loop3A_365 = tpu.vector_load_idx %arg12[%parallel_loop3A_358, %parallel_loop3A_364] : memref<128x128xf32, #tpu.memory_space<vmem>>[vector<16xi32>, vector<16xi32>], vector<16xf32>,
      %parallel_loop3A_366 = tpu.vector_load_idx %arg14[%parallel_loop3A_361, %parallel_loop3A_364] : memref<512x128xf32, #tpu.memory_space<vmem>>[vector<16xi32>, vector<16xi32>], vector<16xf32>,
      %parallel_loop3A_367 = arith.mulf %parallel_loop3A_365, %parallel_loop3A_365 : vector<16xf32>
      %parallel_loop3A_368 = arith.addf %broadcast_in_dim3A_232, %parallel_loop3A_367 : vector<16xf32>
      %parallel_loop3A_369 = arith.mulf %parallel_loop3A_365, %parallel_loop3A_366 : vector<16xf32>
      %parallel_loop3A_370 = arith.addf %broadcast_in_dim3A_232, %parallel_loop3A_369 : vector<16xf32>
      %parallel_loop3A_371 = arith.mulf %parallel_loop3A_366, %parallel_loop3A_366 : vector<16xf32>
      %parallel_loop3A_372 = arith.addf %broadcast_in_dim3A_232, %parallel_loop3A_371 : vector<16xf32>
      %parallel_loop3A_373 = arith.constant 16 : i32
      %parallel_loop3A_374 = vector.broadcast %parallel_loop3A_373 : i32 to vector<16xi32>
      %parallel_loop3A_375 = arith.addi %iota3A, %parallel_loop3A_374 : vector<16xi32>
      %parallel_loop3A_376 = tpu.vector_load_idx %arg12[%parallel_loop3A_358, %parallel_loop3A_375] : memref<128x128xf32, #tpu.memory_space<vmem>>[vector<16xi32>, vector<16xi32>], vector<16xf32>,
      %parallel_loop3A_377 = tpu.vector_load_idx %arg14[%parallel_loop3A_361, %parallel_loop3A_375] : memref<512x128xf32, #tpu.memory_space<vmem>>[vector<16xi32>, vector<16xi32>], vector<16xf32>,
      %parallel_loop3A_378 = arith.mulf %parallel_loop3A_376, %parallel_loop3A_376 : vector<16xf32>
      %parallel_loop3A_379 = arith.addf %parallel_loop3A_368, %parallel_loop3A_378 : vector<16xf32>
      %parallel_loop3A_380 = arith.mulf %parallel_loop3A_376, %parallel_loop3A_377 : vector<16xf32>
      %parallel_loop3A_381 = arith.addf %parallel_loop3A_370, %parallel_loop3A_380 : vector<16xf32>
      %parallel_loop3A_382 = arith.mulf %parallel_loop3A_377, %parallel_loop3A_377 : vector<16xf32>
      %parallel_loop3A_383 = arith.addf %parallel_loop3A_372, %parallel_loop3A_382 : vector<16xf32>
      %parallel_loop3A_384 = arith.constant 32 : i32
      %parallel_loop3A_385 = vector.broadcast %parallel_loop3A_384 : i32 to vector<16xi32>
      %parallel_loop3A_386 = arith.addi %iota3A, %parallel_loop3A_385 : vector<16xi32>
      %parallel_loop3A_387 = tpu.vector_load_idx %arg12[%parallel_loop3A_358, %parallel_loop3A_386] : memref<128x128xf32, #tpu.memory_space<vmem>>[vector<16xi32>, vector<16xi32>], vector<16xf32>,
      %parallel_loop3A_388 = tpu.vector_load_idx %arg14[%parallel_loop3A_361, %parallel_loop3A_386] : memref<512x128xf32, #tpu.memory_space<vmem>>[vector<16xi32>, vector<16xi32>], vector<16xf32>,
      %parallel_loop3A_389 = arith.mulf %parallel_loop3A_387, %parallel_loop3A_387 : vector<16xf32>
      %parallel_loop3A_390 = arith.addf %parallel_loop3A_379, %parallel_loop3A_389 : vector<16xf32>
      %parallel_loop3A_391 = arith.mulf %parallel_loop3A_387, %parallel_loop3A_388 : vector<16xf32>
      %parallel_loop3A_392 = arith.addf %parallel_loop3A_381, %parallel_loop3A_391 : vector<16xf32>
      %parallel_loop3A_393 = arith.mulf %parallel_loop3A_388, %parallel_loop3A_388 : vector<16xf32>
      %parallel_loop3A_394 = arith.addf %parallel_loop3A_383, %parallel_loop3A_393 : vector<16xf32>
      %parallel_loop3A_395 = arith.constant 48 : i32
      %parallel_loop3A_396 = vector.broadcast %parallel_loop3A_395 : i32 to vector<16xi32>
      %parallel_loop3A_397 = arith.addi %iota3A, %parallel_loop3A_396 : vector<16xi32>
      %parallel_loop3A_398 = tpu.vector_load_idx %arg12[%parallel_loop3A_358, %parallel_loop3A_397] : memref<128x128xf32, #tpu.memory_space<vmem>>[vector<16xi32>, vector<16xi32>], vector<16xf32>,
      %parallel_loop3A_399 = tpu.vector_load_idx %arg14[%parallel_loop3A_361, %parallel_loop3A_397] : memref<512x128xf32, #tpu.memory_space<vmem>>[vector<16xi32>, vector<16xi32>], vector<16xf32>,
      %parallel_loop3A_400 = arith.mulf %parallel_loop3A_398, %parallel_loop3A_398 : vector<16xf32>
      %parallel_loop3A_401 = arith.addf %parallel_loop3A_390, %parallel_loop3A_400 : vector<16xf32>
      %parallel_loop3A_402 = arith.mulf %parallel_loop3A_398, %parallel_loop3A_399 : vector<16xf32>
      %parallel_loop3A_403 = arith.addf %parallel_loop3A_392, %parallel_loop3A_402 : vector<16xf32>
      %parallel_loop3A_404 = arith.mulf %parallel_loop3A_399, %parallel_loop3A_399 : vector<16xf32>
      %parallel_loop3A_405 = arith.addf %parallel_loop3A_394, %parallel_loop3A_404 : vector<16xf32>
      %parallel_loop3A_406 = arith.constant 64 : i32
      %parallel_loop3A_407 = vector.broadcast %parallel_loop3A_406 : i32 to vector<16xi32>
      %parallel_loop3A_408 = arith.addi %iota3A, %parallel_loop3A_407 : vector<16xi32>
      %parallel_loop3A_409 = tpu.vector_load_idx %arg12[%parallel_loop3A_358, %parallel_loop3A_408] : memref<128x128xf32, #tpu.memory_space<vmem>>[vector<16xi32>, vector<16xi32>], vector<16xf32>,
      %parallel_loop3A_410 = tpu.vector_load_idx %arg14[%parallel_loop3A_361, %parallel_loop3A_408] : memref<512x128xf32, #tpu.memory_space<vmem>>[vector<16xi32>, vector<16xi32>], vector<16xf32>,
      %parallel_loop3A_411 = arith.mulf %parallel_loop3A_409, %parallel_loop3A_409 : vector<16xf32>
      %parallel_loop3A_412 = arith.addf %parallel_loop3A_401, %parallel_loop3A_411 : vector<16xf32>
      %parallel_loop3A_413 = arith.mulf %parallel_loop3A_409, %parallel_loop3A_410 : vector<16xf32>
      %parallel_loop3A_414 = arith.addf %parallel_loop3A_403, %parallel_loop3A_413 : vector<16xf32>
      %parallel_loop3A_415 = arith.mulf %parallel_loop3A_410, %parallel_loop3A_410 : vector<16xf32>
      %parallel_loop3A_416 = arith.addf %parallel_loop3A_405, %parallel_loop3A_415 : vector<16xf32>
      %parallel_loop3A_417 = arith.constant 80 : i32
      %parallel_loop3A_418 = vector.broadcast %parallel_loop3A_417 : i32 to vector<16xi32>
      %parallel_loop3A_419 = arith.addi %iota3A, %parallel_loop3A_418 : vector<16xi32>
      %parallel_loop3A_420 = tpu.vector_load_idx %arg12[%parallel_loop3A_358, %parallel_loop3A_419] : memref<128x128xf32, #tpu.memory_space<vmem>>[vector<16xi32>, vector<16xi32>], vector<16xf32>,
      %parallel_loop3A_421 = tpu.vector_load_idx %arg14[%parallel_loop3A_361, %parallel_loop3A_419] : memref<512x128xf32, #tpu.memory_space<vmem>>[vector<16xi32>, vector<16xi32>], vector<16xf32>,
      %parallel_loop3A_422 = arith.mulf %parallel_loop3A_420, %parallel_loop3A_420 : vector<16xf32>
      %parallel_loop3A_423 = arith.addf %parallel_loop3A_412, %parallel_loop3A_422 : vector<16xf32>
      %parallel_loop3A_424 = arith.mulf %parallel_loop3A_420, %parallel_loop3A_421 : vector<16xf32>
      %parallel_loop3A_425 = arith.addf %parallel_loop3A_414, %parallel_loop3A_424 : vector<16xf32>
      %parallel_loop3A_426 = arith.mulf %parallel_loop3A_421, %parallel_loop3A_421 : vector<16xf32>
      %parallel_loop3A_427 = arith.addf %parallel_loop3A_416, %parallel_loop3A_426 : vector<16xf32>
      %parallel_loop3A_428 = arith.constant 96 : i32
      %parallel_loop3A_429 = vector.broadcast %parallel_loop3A_428 : i32 to vector<16xi32>
      %parallel_loop3A_430 = arith.addi %iota3A, %parallel_loop3A_429 : vector<16xi32>
      %parallel_loop3A_431 = tpu.vector_load_idx %arg12[%parallel_loop3A_358, %parallel_loop3A_430] : memref<128x128xf32, #tpu.memory_space<vmem>>[vector<16xi32>, vector<16xi32>], vector<16xf32>,
      %parallel_loop3A_432 = tpu.vector_load_idx %arg14[%parallel_loop3A_361, %parallel_loop3A_430] : memref<512x128xf32, #tpu.memory_space<vmem>>[vector<16xi32>, vector<16xi32>], vector<16xf32>,
      %parallel_loop3A_433 = arith.mulf %parallel_loop3A_431, %parallel_loop3A_431 : vector<16xf32>
      %parallel_loop3A_434 = arith.addf %parallel_loop3A_423, %parallel_loop3A_433 : vector<16xf32>
      %parallel_loop3A_435 = arith.mulf %parallel_loop3A_431, %parallel_loop3A_432 : vector<16xf32>
      %parallel_loop3A_436 = arith.addf %parallel_loop3A_425, %parallel_loop3A_435 : vector<16xf32>
      %parallel_loop3A_437 = arith.mulf %parallel_loop3A_432, %parallel_loop3A_432 : vector<16xf32>
      %parallel_loop3A_438 = arith.addf %parallel_loop3A_427, %parallel_loop3A_437 : vector<16xf32>
      %parallel_loop3A_439 = arith.constant 112 : i32
      %parallel_loop3A_440 = vector.broadcast %parallel_loop3A_439 : i32 to vector<16xi32>
      %parallel_loop3A_441 = arith.addi %iota3A, %parallel_loop3A_440 : vector<16xi32>
      %parallel_loop3A_442 = tpu.vector_load_idx %arg12[%parallel_loop3A_358, %parallel_loop3A_441] : memref<128x128xf32, #tpu.memory_space<vmem>>[vector<16xi32>, vector<16xi32>], vector<16xf32>,
      %parallel_loop3A_443 = tpu.vector_load_idx %arg14[%parallel_loop3A_361, %parallel_loop3A_441] : memref<512x128xf32, #tpu.memory_space<vmem>>[vector<16xi32>, vector<16xi32>], vector<16xf32>,
      %parallel_loop3A_444 = arith.mulf %parallel_loop3A_442, %parallel_loop3A_442 : vector<16xf32>
      %parallel_loop3A_445 = arith.addf %parallel_loop3A_434, %parallel_loop3A_444 : vector<16xf32>
      %parallel_loop3A_446 = arith.mulf %parallel_loop3A_442, %parallel_loop3A_443 : vector<16xf32>
      %parallel_loop3A_447 = arith.addf %parallel_loop3A_436, %parallel_loop3A_446 : vector<16xf32>
      %parallel_loop3A_448 = arith.mulf %parallel_loop3A_443, %parallel_loop3A_443 : vector<16xf32>
      %parallel_loop3A_449 = arith.addf %parallel_loop3A_438, %parallel_loop3A_448 : vector<16xf32>
      %parallel_loop3A_450 = arith.constant true
      %parallel_loop3A_451 = vector.broadcast %parallel_loop3A_450 : i1 to vector<16xi1>
      %parallel_loop3A_452 = tpu.scan <sum>, %parallel_loop3A_445 masked %parallel_loop3A_451 : vector<16xf32>, vector<16xi1> -> vector<16xf32>
      tpu.vector_store_idx %arg15[%parallel_loop3A_361], %parallel_loop3A_452 masked %eq3A_230 : memref<512xf32, #tpu.memory_space<vmem>>[vector<16xi32>], vector<16xf32>, vector<16xi1>
      %parallel_loop3A_453 = arith.constant true
      %parallel_loop3A_454 = vector.broadcast %parallel_loop3A_453 : i1 to vector<16xi1>
      %parallel_loop3A_455 = tpu.scan <sum>, %parallel_loop3A_447 masked %parallel_loop3A_454 : vector<16xf32>, vector<16xi1> -> vector<16xf32>
      tpu.vector_store_idx %arg16[%parallel_loop3A_361], %parallel_loop3A_455 masked %eq3A_230 : memref<512xf32, #tpu.memory_space<vmem>>[vector<16xi32>], vector<16xf32>, vector<16xi1>
      %parallel_loop3A_456 = arith.constant true
      %parallel_loop3A_457 = vector.broadcast %parallel_loop3A_456 : i1 to vector<16xi1>
      %parallel_loop3A_458 = tpu.scan <sum>, %parallel_loop3A_449 masked %parallel_loop3A_457 : vector<16xf32>, vector<16xi1> -> vector<16xf32>
      tpu.vector_store_idx %arg17[%parallel_loop3A_361], %parallel_loop3A_458 masked %eq3A_230 : memref<512xf32, #tpu.memory_space<vmem>>[vector<16xi32>], vector<16xf32>, vector<16xi1>
    } {sc.loop_unroll_factor = 4 : i64, sc.parallel_access}
    %dma_wait3A_299 = arith.constant 0 : i32
    %dma_wait3A_300 = tpu.memref_slice %arg2[%add3A_277, %dma_wait3A_299] : memref<16384x128xf32, #tpu.memory_space<hbm>> -> memref<128x128xf32, #tpu.memory_space<hbm>>
    %dma_wait3A_301 = arith.constant 0 : i32
    %dma_wait3A_302 = tpu.memref_slice %arg2[%add3A_277, %dma_wait3A_301] : memref<16384x128xf32, #tpu.memory_space<hbm>> -> memref<128x128xf32, #tpu.memory_space<hbm>>
    tpu.wait_dma2 semaphore(%arg24 : memref<!tpu.dma_semaphore, #tpu.memory_space<semaphore_mem>>) src(%dma_wait3A_302 : memref<128x128xf32, #tpu.memory_space<hbm>>) dst(%arg13 : memref<128x128xf32, #tpu.memory_space<vmem>>)
    %dma_wait3A_303 = arith.constant 3 : i32
    %dma_wait3A_304 = arith.constant 384 : i32
    %dma_wait3A_305 = arith.constant 0 : i32
    %dma_wait3A_306 = tpu.memref_slice %arg14[%dma_wait3A_304, %dma_wait3A_305] : memref<512x128xf32, #tpu.memory_space<vmem>> -> memref<128x128xf32, #tpu.memory_space<vmem>>
    %dma_wait3A_307 = arith.constant 0 : i32
    %dma_wait3A_308 = tpu.memref_slice %arg8[%dma_wait3A_303, %dma_wait3A_307] : memref<4x128xi32, #tpu.memory_space<vmem>> -> memref<1x128xi32, #tpu.memory_space<vmem>>
    %dma_wait3A_309 = tpu.memref_squeeze %dma_wait3A_308 : memref<1x128xi32, #tpu.memory_space<vmem>> -> memref<128xi32, #tpu.memory_space<vmem>>
    %dma_wait3A_310 = arith.constant 0 : i32
    %dma_wait3A_311 = arith.constant 0 : i32
    %dma_wait3A_312 = tpu.memref_slice %arg4[%dma_wait3A_310, %dma_wait3A_311] : memref<100000x128xf32, #tpu.memory_space<hbm>> -> memref<100000x128xf32, #tpu.memory_space<hbm>>
    tpu.wait_indirect_dma semaphore(%arg21 : memref<!tpu.dma_semaphore, #tpu.memory_space<semaphore_mem>>) src(%dma_wait3A_312 : memref<100000x128xf32, #tpu.memory_space<hbm>>) dst(%dma_wait3A_306 : memref<128x128xf32, #tpu.memory_space<vmem>>)
    %parallel_loop3A_313 = arith.constant 0 : i32
    %parallel_loop3A_314 = arith.constant 128 : i32
    %parallel_loop3A_315 = arith.constant 1 : i32
    scf.for %parallel_loop3A_357 = %parallel_loop3A_313 to %parallel_loop3A_314 step %parallel_loop3A_315  : i32 {
      %parallel_loop3A_358 = vector.broadcast %parallel_loop3A_357 : i32 to vector<16xi32>
      %parallel_loop3A_359 = arith.constant 384 : i32
      %parallel_loop3A_360 = arith.addi %parallel_loop3A_359, %parallel_loop3A_357 : i32
      %parallel_loop3A_361 = vector.broadcast %parallel_loop3A_360 : i32 to vector<16xi32>
      %parallel_loop3A_362 = arith.constant 0 : i32
      %parallel_loop3A_363 = vector.broadcast %parallel_loop3A_362 : i32 to vector<16xi32>
      %parallel_loop3A_364 = arith.addi %iota3A, %parallel_loop3A_363 : vector<16xi32>
      %parallel_loop3A_365 = tpu.vector_load_idx %arg13[%parallel_loop3A_358, %parallel_loop3A_364] : memref<128x128xf32, #tpu.memory_space<vmem>>[vector<16xi32>, vector<16xi32>], vector<16xf32>,
      %parallel_loop3A_366 = tpu.vector_load_idx %arg14[%parallel_loop3A_361, %parallel_loop3A_364] : memref<512x128xf32, #tpu.memory_space<vmem>>[vector<16xi32>, vector<16xi32>], vector<16xf32>,
      %parallel_loop3A_367 = arith.mulf %parallel_loop3A_365, %parallel_loop3A_365 : vector<16xf32>
      %parallel_loop3A_368 = arith.addf %broadcast_in_dim3A_232, %parallel_loop3A_367 : vector<16xf32>
      %parallel_loop3A_369 = arith.mulf %parallel_loop3A_365, %parallel_loop3A_366 : vector<16xf32>
      %parallel_loop3A_370 = arith.addf %broadcast_in_dim3A_232, %parallel_loop3A_369 : vector<16xf32>
      %parallel_loop3A_371 = arith.mulf %parallel_loop3A_366, %parallel_loop3A_366 : vector<16xf32>
      %parallel_loop3A_372 = arith.addf %broadcast_in_dim3A_232, %parallel_loop3A_371 : vector<16xf32>
      %parallel_loop3A_373 = arith.constant 16 : i32
      %parallel_loop3A_374 = vector.broadcast %parallel_loop3A_373 : i32 to vector<16xi32>
      %parallel_loop3A_375 = arith.addi %iota3A, %parallel_loop3A_374 : vector<16xi32>
      %parallel_loop3A_376 = tpu.vector_load_idx %arg13[%parallel_loop3A_358, %parallel_loop3A_375] : memref<128x128xf32, #tpu.memory_space<vmem>>[vector<16xi32>, vector<16xi32>], vector<16xf32>,
      %parallel_loop3A_377 = tpu.vector_load_idx %arg14[%parallel_loop3A_361, %parallel_loop3A_375] : memref<512x128xf32, #tpu.memory_space<vmem>>[vector<16xi32>, vector<16xi32>], vector<16xf32>,
      %parallel_loop3A_378 = arith.mulf %parallel_loop3A_376, %parallel_loop3A_376 : vector<16xf32>
      %parallel_loop3A_379 = arith.addf %parallel_loop3A_368, %parallel_loop3A_378 : vector<16xf32>
      %parallel_loop3A_380 = arith.mulf %parallel_loop3A_376, %parallel_loop3A_377 : vector<16xf32>
      %parallel_loop3A_381 = arith.addf %parallel_loop3A_370, %parallel_loop3A_380 : vector<16xf32>
      %parallel_loop3A_382 = arith.mulf %parallel_loop3A_377, %parallel_loop3A_377 : vector<16xf32>
      %parallel_loop3A_383 = arith.addf %parallel_loop3A_372, %parallel_loop3A_382 : vector<16xf32>
      %parallel_loop3A_384 = arith.constant 32 : i32
      %parallel_loop3A_385 = vector.broadcast %parallel_loop3A_384 : i32 to vector<16xi32>
      %parallel_loop3A_386 = arith.addi %iota3A, %parallel_loop3A_385 : vector<16xi32>
      %parallel_loop3A_387 = tpu.vector_load_idx %arg13[%parallel_loop3A_358, %parallel_loop3A_386] : memref<128x128xf32, #tpu.memory_space<vmem>>[vector<16xi32>, vector<16xi32>], vector<16xf32>,
      %parallel_loop3A_388 = tpu.vector_load_idx %arg14[%parallel_loop3A_361, %parallel_loop3A_386] : memref<512x128xf32, #tpu.memory_space<vmem>>[vector<16xi32>, vector<16xi32>], vector<16xf32>,
      %parallel_loop3A_389 = arith.mulf %parallel_loop3A_387, %parallel_loop3A_387 : vector<16xf32>
      %parallel_loop3A_390 = arith.addf %parallel_loop3A_379, %parallel_loop3A_389 : vector<16xf32>
      %parallel_loop3A_391 = arith.mulf %parallel_loop3A_387, %parallel_loop3A_388 : vector<16xf32>
      %parallel_loop3A_392 = arith.addf %parallel_loop3A_381, %parallel_loop3A_391 : vector<16xf32>
      %parallel_loop3A_393 = arith.mulf %parallel_loop3A_388, %parallel_loop3A_388 : vector<16xf32>
      %parallel_loop3A_394 = arith.addf %parallel_loop3A_383, %parallel_loop3A_393 : vector<16xf32>
      %parallel_loop3A_395 = arith.constant 48 : i32
      %parallel_loop3A_396 = vector.broadcast %parallel_loop3A_395 : i32 to vector<16xi32>
      %parallel_loop3A_397 = arith.addi %iota3A, %parallel_loop3A_396 : vector<16xi32>
      %parallel_loop3A_398 = tpu.vector_load_idx %arg13[%parallel_loop3A_358, %parallel_loop3A_397] : memref<128x128xf32, #tpu.memory_space<vmem>>[vector<16xi32>, vector<16xi32>], vector<16xf32>,
      %parallel_loop3A_399 = tpu.vector_load_idx %arg14[%parallel_loop3A_361, %parallel_loop3A_397] : memref<512x128xf32, #tpu.memory_space<vmem>>[vector<16xi32>, vector<16xi32>], vector<16xf32>,
      %parallel_loop3A_400 = arith.mulf %parallel_loop3A_398, %parallel_loop3A_398 : vector<16xf32>
      %parallel_loop3A_401 = arith.addf %parallel_loop3A_390, %parallel_loop3A_400 : vector<16xf32>
      %parallel_loop3A_402 = arith.mulf %parallel_loop3A_398, %parallel_loop3A_399 : vector<16xf32>
      %parallel_loop3A_403 = arith.addf %parallel_loop3A_392, %parallel_loop3A_402 : vector<16xf32>
      %parallel_loop3A_404 = arith.mulf %parallel_loop3A_399, %parallel_loop3A_399 : vector<16xf32>
      %parallel_loop3A_405 = arith.addf %parallel_loop3A_394, %parallel_loop3A_404 : vector<16xf32>
      %parallel_loop3A_406 = arith.constant 64 : i32
      %parallel_loop3A_407 = vector.broadcast %parallel_loop3A_406 : i32 to vector<16xi32>
      %parallel_loop3A_408 = arith.addi %iota3A, %parallel_loop3A_407 : vector<16xi32>
      %parallel_loop3A_409 = tpu.vector_load_idx %arg13[%parallel_loop3A_358, %parallel_loop3A_408] : memref<128x128xf32, #tpu.memory_space<vmem>>[vector<16xi32>, vector<16xi32>], vector<16xf32>,
      %parallel_loop3A_410 = tpu.vector_load_idx %arg14[%parallel_loop3A_361, %parallel_loop3A_408] : memref<512x128xf32, #tpu.memory_space<vmem>>[vector<16xi32>, vector<16xi32>], vector<16xf32>,
      %parallel_loop3A_411 = arith.mulf %parallel_loop3A_409, %parallel_loop3A_409 : vector<16xf32>
      %parallel_loop3A_412 = arith.addf %parallel_loop3A_401, %parallel_loop3A_411 : vector<16xf32>
      %parallel_loop3A_413 = arith.mulf %parallel_loop3A_409, %parallel_loop3A_410 : vector<16xf32>
      %parallel_loop3A_414 = arith.addf %parallel_loop3A_403, %parallel_loop3A_413 : vector<16xf32>
      %parallel_loop3A_415 = arith.mulf %parallel_loop3A_410, %parallel_loop3A_410 : vector<16xf32>
      %parallel_loop3A_416 = arith.addf %parallel_loop3A_405, %parallel_loop3A_415 : vector<16xf32>
      %parallel_loop3A_417 = arith.constant 80 : i32
      %parallel_loop3A_418 = vector.broadcast %parallel_loop3A_417 : i32 to vector<16xi32>
      %parallel_loop3A_419 = arith.addi %iota3A, %parallel_loop3A_418 : vector<16xi32>
      %parallel_loop3A_420 = tpu.vector_load_idx %arg13[%parallel_loop3A_358, %parallel_loop3A_419] : memref<128x128xf32, #tpu.memory_space<vmem>>[vector<16xi32>, vector<16xi32>], vector<16xf32>,
      %parallel_loop3A_421 = tpu.vector_load_idx %arg14[%parallel_loop3A_361, %parallel_loop3A_419] : memref<512x128xf32, #tpu.memory_space<vmem>>[vector<16xi32>, vector<16xi32>], vector<16xf32>,
      %parallel_loop3A_422 = arith.mulf %parallel_loop3A_420, %parallel_loop3A_420 : vector<16xf32>
      %parallel_loop3A_423 = arith.addf %parallel_loop3A_412, %parallel_loop3A_422 : vector<16xf32>
      %parallel_loop3A_424 = arith.mulf %parallel_loop3A_420, %parallel_loop3A_421 : vector<16xf32>
      %parallel_loop3A_425 = arith.addf %parallel_loop3A_414, %parallel_loop3A_424 : vector<16xf32>
      %parallel_loop3A_426 = arith.mulf %parallel_loop3A_421, %parallel_loop3A_421 : vector<16xf32>
      %parallel_loop3A_427 = arith.addf %parallel_loop3A_416, %parallel_loop3A_426 : vector<16xf32>
      %parallel_loop3A_428 = arith.constant 96 : i32
      %parallel_loop3A_429 = vector.broadcast %parallel_loop3A_428 : i32 to vector<16xi32>
      %parallel_loop3A_430 = arith.addi %iota3A, %parallel_loop3A_429 : vector<16xi32>
      %parallel_loop3A_431 = tpu.vector_load_idx %arg13[%parallel_loop3A_358, %parallel_loop3A_430] : memref<128x128xf32, #tpu.memory_space<vmem>>[vector<16xi32>, vector<16xi32>], vector<16xf32>,
      %parallel_loop3A_432 = tpu.vector_load_idx %arg14[%parallel_loop3A_361, %parallel_loop3A_430] : memref<512x128xf32, #tpu.memory_space<vmem>>[vector<16xi32>, vector<16xi32>], vector<16xf32>,
      %parallel_loop3A_433 = arith.mulf %parallel_loop3A_431, %parallel_loop3A_431 : vector<16xf32>
      %parallel_loop3A_434 = arith.addf %parallel_loop3A_423, %parallel_loop3A_433 : vector<16xf32>
      %parallel_loop3A_435 = arith.mulf %parallel_loop3A_431, %parallel_loop3A_432 : vector<16xf32>
      %parallel_loop3A_436 = arith.addf %parallel_loop3A_425, %parallel_loop3A_435 : vector<16xf32>
      %parallel_loop3A_437 = arith.mulf %parallel_loop3A_432, %parallel_loop3A_432 : vector<16xf32>
      %parallel_loop3A_438 = arith.addf %parallel_loop3A_427, %parallel_loop3A_437 : vector<16xf32>
      %parallel_loop3A_439 = arith.constant 112 : i32
      %parallel_loop3A_440 = vector.broadcast %parallel_loop3A_439 : i32 to vector<16xi32>
      %parallel_loop3A_441 = arith.addi %iota3A, %parallel_loop3A_440 : vector<16xi32>
      %parallel_loop3A_442 = tpu.vector_load_idx %arg13[%parallel_loop3A_358, %parallel_loop3A_441] : memref<128x128xf32, #tpu.memory_space<vmem>>[vector<16xi32>, vector<16xi32>], vector<16xf32>,
      %parallel_loop3A_443 = tpu.vector_load_idx %arg14[%parallel_loop3A_361, %parallel_loop3A_441] : memref<512x128xf32, #tpu.memory_space<vmem>>[vector<16xi32>, vector<16xi32>], vector<16xf32>,
      %parallel_loop3A_444 = arith.mulf %parallel_loop3A_442, %parallel_loop3A_442 : vector<16xf32>
      %parallel_loop3A_445 = arith.addf %parallel_loop3A_434, %parallel_loop3A_444 : vector<16xf32>
      %parallel_loop3A_446 = arith.mulf %parallel_loop3A_442, %parallel_loop3A_443 : vector<16xf32>
      %parallel_loop3A_447 = arith.addf %parallel_loop3A_436, %parallel_loop3A_446 : vector<16xf32>
      %parallel_loop3A_448 = arith.mulf %parallel_loop3A_443, %parallel_loop3A_443 : vector<16xf32>
      %parallel_loop3A_449 = arith.addf %parallel_loop3A_438, %parallel_loop3A_448 : vector<16xf32>
      %parallel_loop3A_450 = arith.constant true
      %parallel_loop3A_451 = vector.broadcast %parallel_loop3A_450 : i1 to vector<16xi1>
      %parallel_loop3A_452 = tpu.scan <sum>, %parallel_loop3A_445 masked %parallel_loop3A_451 : vector<16xf32>, vector<16xi1> -> vector<16xf32>
      tpu.vector_store_idx %arg15[%parallel_loop3A_361], %parallel_loop3A_452 masked %eq3A_230 : memref<512xf32, #tpu.memory_space<vmem>>[vector<16xi32>], vector<16xf32>, vector<16xi1>
      %parallel_loop3A_453 = arith.constant true
      %parallel_loop3A_454 = vector.broadcast %parallel_loop3A_453 : i1 to vector<16xi1>
      %parallel_loop3A_455 = tpu.scan <sum>, %parallel_loop3A_447 masked %parallel_loop3A_454 : vector<16xf32>, vector<16xi1> -> vector<16xf32>
      tpu.vector_store_idx %arg16[%parallel_loop3A_361], %parallel_loop3A_455 masked %eq3A_230 : memref<512xf32, #tpu.memory_space<vmem>>[vector<16xi32>], vector<16xf32>, vector<16xi1>
      %parallel_loop3A_456 = arith.constant true
      %parallel_loop3A_457 = vector.broadcast %parallel_loop3A_456 : i1 to vector<16xi1>
      %parallel_loop3A_458 = tpu.scan <sum>, %parallel_loop3A_449 masked %parallel_loop3A_457 : vector<16xf32>, vector<16xi1> -> vector<16xf32>
      tpu.vector_store_idx %arg17[%parallel_loop3A_361], %parallel_loop3A_458 masked %eq3A_230 : memref<512xf32, #tpu.memory_space<vmem>>[vector<16xi32>], vector<16xf32>, vector<16xi1>
    } {sc.loop_unroll_factor = 4 : i64, sc.parallel_access}
    %dma_wait3A_316 = arith.constant 0 : i32
    %dma_wait3A_317 = arith.constant 0 : i32
    %dma_wait3A_318 = tpu.memref_slice %arg9[%dma_wait3A_317] : memref<512xi32, #tpu.memory_space<vmem>> -> memref<128xi32, #tpu.memory_space<vmem>>
    %dma_wait3A_319 = arith.constant 0 : i32
    %dma_wait3A_320 = tpu.memref_slice %arg8[%dma_wait3A_316, %dma_wait3A_319] : memref<4x128xi32, #tpu.memory_space<vmem>> -> memref<1x128xi32, #tpu.memory_space<vmem>>
    %dma_wait3A_321 = tpu.memref_squeeze %dma_wait3A_320 : memref<1x128xi32, #tpu.memory_space<vmem>> -> memref<128xi32, #tpu.memory_space<vmem>>
    %dma_wait3A_322 = arith.constant 0 : i32
    %dma_wait3A_323 = tpu.memref_slice %arg6[%dma_wait3A_322] : memref<100096xi32, #tpu.memory_space<vmem_shared>> -> memref<100096xi32, #tpu.memory_space<vmem_shared>>
    tpu.wait_indirect_dma semaphore(%arg22 : memref<!tpu.dma_semaphore, #tpu.memory_space<semaphore_mem>>) src(%dma_wait3A_323 : memref<100096xi32, #tpu.memory_space<vmem_shared>>) dst(%dma_wait3A_318 : memref<128xi32, #tpu.memory_space<vmem>>)
    %dma_wait3A_324 = arith.constant 1 : i32
    %dma_wait3A_325 = arith.constant 128 : i32
    %dma_wait3A_326 = tpu.memref_slice %arg9[%dma_wait3A_325] : memref<512xi32, #tpu.memory_space<vmem>> -> memref<128xi32, #tpu.memory_space<vmem>>
    %dma_wait3A_327 = arith.constant 0 : i32
    %dma_wait3A_328 = tpu.memref_slice %arg8[%dma_wait3A_324, %dma_wait3A_327] : memref<4x128xi32, #tpu.memory_space<vmem>> -> memref<1x128xi32, #tpu.memory_space<vmem>>
    %dma_wait3A_329 = tpu.memref_squeeze %dma_wait3A_328 : memref<1x128xi32, #tpu.memory_space<vmem>> -> memref<128xi32, #tpu.memory_space<vmem>>
    %dma_wait3A_330 = arith.constant 0 : i32
    %dma_wait3A_331 = tpu.memref_slice %arg6[%dma_wait3A_330] : memref<100096xi32, #tpu.memory_space<vmem_shared>> -> memref<100096xi32, #tpu.memory_space<vmem_shared>>
    tpu.wait_indirect_dma semaphore(%arg22 : memref<!tpu.dma_semaphore, #tpu.memory_space<semaphore_mem>>) src(%dma_wait3A_331 : memref<100096xi32, #tpu.memory_space<vmem_shared>>) dst(%dma_wait3A_326 : memref<128xi32, #tpu.memory_space<vmem>>)
    %dma_wait3A_332 = arith.constant 2 : i32
    %dma_wait3A_333 = arith.constant 256 : i32
    %dma_wait3A_334 = tpu.memref_slice %arg9[%dma_wait3A_333] : memref<512xi32, #tpu.memory_space<vmem>> -> memref<128xi32, #tpu.memory_space<vmem>>
    %dma_wait3A_335 = arith.constant 0 : i32
    %dma_wait3A_336 = tpu.memref_slice %arg8[%dma_wait3A_332, %dma_wait3A_335] : memref<4x128xi32, #tpu.memory_space<vmem>> -> memref<1x128xi32, #tpu.memory_space<vmem>>
    %dma_wait3A_337 = tpu.memref_squeeze %dma_wait3A_336 : memref<1x128xi32, #tpu.memory_space<vmem>> -> memref<128xi32, #tpu.memory_space<vmem>>
    %dma_wait3A_338 = arith.constant 0 : i32
    %dma_wait3A_339 = tpu.memref_slice %arg6[%dma_wait3A_338] : memref<100096xi32, #tpu.memory_space<vmem_shared>> -> memref<100096xi32, #tpu.memory_space<vmem_shared>>
    tpu.wait_indirect_dma semaphore(%arg22 : memref<!tpu.dma_semaphore, #tpu.memory_space<semaphore_mem>>) src(%dma_wait3A_339 : memref<100096xi32, #tpu.memory_space<vmem_shared>>) dst(%dma_wait3A_334 : memref<128xi32, #tpu.memory_space<vmem>>)
    %dma_wait3A_340 = arith.constant 3 : i32
    %dma_wait3A_341 = arith.constant 384 : i32
    %dma_wait3A_342 = tpu.memref_slice %arg9[%dma_wait3A_341] : memref<512xi32, #tpu.memory_space<vmem>> -> memref<128xi32, #tpu.memory_space<vmem>>
    %dma_wait3A_343 = arith.constant 0 : i32
    %dma_wait3A_344 = tpu.memref_slice %arg8[%dma_wait3A_340, %dma_wait3A_343] : memref<4x128xi32, #tpu.memory_space<vmem>> -> memref<1x128xi32, #tpu.memory_space<vmem>>
    %dma_wait3A_345 = tpu.memref_squeeze %dma_wait3A_344 : memref<1x128xi32, #tpu.memory_space<vmem>> -> memref<128xi32, #tpu.memory_space<vmem>>
    %dma_wait3A_346 = arith.constant 0 : i32
    %dma_wait3A_347 = tpu.memref_slice %arg6[%dma_wait3A_346] : memref<100096xi32, #tpu.memory_space<vmem_shared>> -> memref<100096xi32, #tpu.memory_space<vmem_shared>>
    tpu.wait_indirect_dma semaphore(%arg22 : memref<!tpu.dma_semaphore, #tpu.memory_space<semaphore_mem>>) src(%dma_wait3A_347 : memref<100096xi32, #tpu.memory_space<vmem_shared>>) dst(%dma_wait3A_342 : memref<128xi32, #tpu.memory_space<vmem>>)
    %parallel_loop3A_348 = arith.constant 0 : i32
    %parallel_loop3A_349 = arith.constant 32 : i32
    %parallel_loop3A_350 = arith.constant 1 : i32
    %parallel_loop3A_351 = scf.for %parallel_loop3A_357 = %parallel_loop3A_348 to %parallel_loop3A_349 step %parallel_loop3A_350 iter_args(%parallel_loop3A_358 = %broadcast_in_dim3A_232) -> (vector<16xf32>)  : i32 {
      %parallel_loop3A_359 = arith.constant 16 : i32
      %parallel_loop3A_360 = arith.muli %parallel_loop3A_357, %parallel_loop3A_359 : i32
      %parallel_loop3A_361 = arith.index_cast %parallel_loop3A_360 : i32 to index
      %parallel_loop3A_362 = tpu.vector_load %arg15[%parallel_loop3A_361] {strides = array<i32>} : memref<512xf32, #tpu.memory_space<vmem>>, vector<16xf32>,
      %parallel_loop3A_363 = arith.constant 16 : i32
      %parallel_loop3A_364 = arith.muli %parallel_loop3A_357, %parallel_loop3A_363 : i32
      %parallel_loop3A_365 = arith.index_cast %parallel_loop3A_364 : i32 to index
      %parallel_loop3A_366 = tpu.vector_load %arg16[%parallel_loop3A_365] {strides = array<i32>} : memref<512xf32, #tpu.memory_space<vmem>>, vector<16xf32>,
      %parallel_loop3A_367 = arith.constant 16 : i32
      %parallel_loop3A_368 = arith.muli %parallel_loop3A_357, %parallel_loop3A_367 : i32
      %parallel_loop3A_369 = arith.index_cast %parallel_loop3A_368 : i32 to index
      %parallel_loop3A_370 = tpu.vector_load %arg17[%parallel_loop3A_369] {strides = array<i32>} : memref<512xf32, #tpu.memory_space<vmem>>, vector<16xf32>,
      %parallel_loop3A_371 = arith.constant 1.000000e-24 : f32
      %parallel_loop3A_372 = vector.broadcast %parallel_loop3A_371 : f32 to vector<16xf32>
      %parallel_loop3A_373 = arith.maximumf %parallel_loop3A_362, %parallel_loop3A_372 : vector<16xf32>
      %parallel_loop3A_374 = vector.bitcast %parallel_loop3A_373 : vector<16xf32> to vector<16xi32>
      %parallel_loop3A_375 = arith.constant 1 : i32
      %parallel_loop3A_376 = vector.broadcast %parallel_loop3A_375 : i32 to vector<16xi32>
      %parallel_loop3A_377 = arith.shrsi %parallel_loop3A_374, %parallel_loop3A_376 : vector<16xi32>
      %parallel_loop3A_378 = arith.constant 1597463007 : i32
      %parallel_loop3A_379 = vector.broadcast %parallel_loop3A_378 : i32 to vector<16xi32>
      %parallel_loop3A_380 = arith.subi %parallel_loop3A_379, %parallel_loop3A_377 : vector<16xi32>
      %parallel_loop3A_381 = vector.bitcast %parallel_loop3A_380 : vector<16xi32> to vector<16xf32>
      %parallel_loop3A_382 = arith.constant 5.000000e-01 : f32
      %parallel_loop3A_383 = vector.broadcast %parallel_loop3A_382 : f32 to vector<16xf32>
      %parallel_loop3A_384 = arith.mulf %parallel_loop3A_383, %parallel_loop3A_373 : vector<16xf32>
      %parallel_loop3A_385 = arith.mulf %parallel_loop3A_384, %parallel_loop3A_381 : vector<16xf32>
      %parallel_loop3A_386 = arith.mulf %parallel_loop3A_385, %parallel_loop3A_381 : vector<16xf32>
      %parallel_loop3A_387 = arith.constant 1.500000e+00 : f32
      %parallel_loop3A_388 = vector.broadcast %parallel_loop3A_387 : f32 to vector<16xf32>
      %parallel_loop3A_389 = arith.subf %parallel_loop3A_388, %parallel_loop3A_386 : vector<16xf32>
      %parallel_loop3A_390 = arith.mulf %parallel_loop3A_381, %parallel_loop3A_389 : vector<16xf32>
      %parallel_loop3A_391 = arith.constant 5.000000e-01 : f32
      %parallel_loop3A_392 = vector.broadcast %parallel_loop3A_391 : f32 to vector<16xf32>
      %parallel_loop3A_393 = arith.mulf %parallel_loop3A_392, %parallel_loop3A_373 : vector<16xf32>
      %parallel_loop3A_394 = arith.mulf %parallel_loop3A_393, %parallel_loop3A_390 : vector<16xf32>
      %parallel_loop3A_395 = arith.mulf %parallel_loop3A_394, %parallel_loop3A_390 : vector<16xf32>
      %parallel_loop3A_396 = arith.constant 1.500000e+00 : f32
      %parallel_loop3A_397 = vector.broadcast %parallel_loop3A_396 : f32 to vector<16xf32>
      %parallel_loop3A_398 = arith.subf %parallel_loop3A_397, %parallel_loop3A_395 : vector<16xf32>
      %parallel_loop3A_399 = arith.mulf %parallel_loop3A_390, %parallel_loop3A_398 : vector<16xf32>
      %parallel_loop3A_400 = arith.mulf %parallel_loop3A_362, %parallel_loop3A_399 : vector<16xf32>
      %parallel_loop3A_401 = arith.mulf %parallel_loop3A_400, %parallel_loop3A_399 : vector<16xf32>
      %parallel_loop3A_402 = arith.constant 2.000000e+00 : f32
      %parallel_loop3A_403 = vector.broadcast %parallel_loop3A_402 : f32 to vector<16xf32>
      %parallel_loop3A_404 = arith.mulf %parallel_loop3A_403, %parallel_loop3A_366 : vector<16xf32>
      %parallel_loop3A_405 = arith.mulf %parallel_loop3A_404, %parallel_loop3A_399 : vector<16xf32>
      %parallel_loop3A_406 = arith.subf %parallel_loop3A_401, %parallel_loop3A_405 : vector<16xf32>
      %parallel_loop3A_407 = arith.addf %parallel_loop3A_406, %parallel_loop3A_370 : vector<16xf32>
      %parallel_loop3A_408 = arith.constant 16 : i32
      %parallel_loop3A_409 = arith.muli %parallel_loop3A_357, %parallel_loop3A_408 : i32
      %parallel_loop3A_410 = arith.index_cast %parallel_loop3A_409 : i32 to index
      %parallel_loop3A_411 = tpu.vector_load %arg9[%parallel_loop3A_410] {strides = array<i32>} : memref<512xi32, #tpu.memory_space<vmem>>, vector<16xi32>,
      %parallel_loop3A_412 = arith.sitofp %parallel_loop3A_411 : vector<16xi32> to vector<16xf32>
      %parallel_loop3A_413 = arith.divf %parallel_loop3A_407, %parallel_loop3A_412 : vector<16xf32>
      %parallel_loop3A_414 = arith.addf %parallel_loop3A_358, %parallel_loop3A_413 : vector<16xf32>
      scf.yield %parallel_loop3A_414 : vector<16xf32>
    } {sc.loop_unroll_factor = 2 : i64, sc.parallel_access}
    %mul3A_352 = arith.constant 5.000000e-01 : f32
    %mul3A_353 = vector.broadcast %mul3A_352 : f32 to vector<16xf32>
    %mul3A_354 = arith.mulf %parallel_loop3A_351, %mul3A_353 : vector<16xf32>
    %swap3A_355 = arith.constant 0 : index
    %swap3A_356 = tpu.vector_load %arg18[%swap3A_355] {strides = array<i32>} : memref<16xf32, #tpu.memory_space<vmem>>, vector<16xf32>,
    tpu.vector_store %arg18[%swap3A_355], %mul3A_354 {strides = array<i32>} : memref<16xf32, #tpu.memory_space<vmem>>, vector<16xf32>,
    "tpu.region"() ({
      %run_scoped3A = tpu.sem_alloc : memref<!tpu.dma_semaphore, #tpu.memory_space<semaphore_mem>>
      %dma_start3A_357 = arith.constant 0 : i32
      %dma_start3A_358 = tpu.memref_slice %arg5[%add3A, %dma_start3A_357] : memref<32x16xf32, #tpu.memory_space<hbm>> -> memref<1x16xf32, #tpu.memory_space<hbm>>
      %dma_start3A_359 = tpu.memref_squeeze %dma_start3A_358 : memref<1x16xf32, #tpu.memory_space<hbm>> -> memref<16xf32, #tpu.memory_space<hbm>>
      %dma_start3A_360 = arith.constant 0 : i32
      %dma_start3A_361 = tpu.memref_slice %arg5[%add3A, %dma_start3A_360] : memref<32x16xf32, #tpu.memory_space<hbm>> -> memref<1x16xf32, #tpu.memory_space<hbm>>
      %dma_start3A_362 = tpu.memref_squeeze %dma_start3A_361 : memref<1x16xf32, #tpu.memory_space<hbm>> -> memref<16xf32, #tpu.memory_space<hbm>>
      tpu.enqueue_dma source(%arg18 : memref<16xf32, #tpu.memory_space<vmem>>) target(%dma_start3A_362 : memref<16xf32, #tpu.memory_space<hbm>>) target_semaphore(%run_scoped3A : memref<!tpu.dma_semaphore, #tpu.memory_space<semaphore_mem>>)
      %dma_wait3A_363 = arith.constant 0 : i32
      %dma_wait3A_364 = tpu.memref_slice %arg5[%add3A, %dma_wait3A_363] : memref<32x16xf32, #tpu.memory_space<hbm>> -> memref<1x16xf32, #tpu.memory_space<hbm>>
      %dma_wait3A_365 = tpu.memref_squeeze %dma_wait3A_364 : memref<1x16xf32, #tpu.memory_space<hbm>> -> memref<16xf32, #tpu.memory_space<hbm>>
      %dma_wait3A_366 = arith.constant 0 : i32
      %dma_wait3A_367 = tpu.memref_slice %arg5[%add3A, %dma_wait3A_366] : memref<32x16xf32, #tpu.memory_space<hbm>> -> memref<1x16xf32, #tpu.memory_space<hbm>>
      %dma_wait3A_368 = tpu.memref_squeeze %dma_wait3A_367 : memref<1x16xf32, #tpu.memory_space<hbm>> -> memref<16xf32, #tpu.memory_space<hbm>>
      tpu.wait_dma2 semaphore(%run_scoped3A : memref<!tpu.dma_semaphore, #tpu.memory_space<semaphore_mem>>) src(%arg18 : memref<16xf32, #tpu.memory_space<vmem>>) dst(%dma_wait3A_368 : memref<16xf32, #tpu.memory_space<hbm>>)
      tpu.yield
    }) : () -> ()
    return
  }
}

</mosaic_0001>

<sc_bundles>
// kernel: kernel.3.cloned.1.call-start
scs
__scs_entry_jumppad:
0x0: {  	(pc) =	sbr.rel $0x88, $3  }
0x1: {  	(tag) =	ssettag $0x0;
	lr =	simm.s32 $0x1  }
0x2: {  	[smem:$0x3F9E] =	sst lr;
	_ =	strace $0xD0000000  }
0x3: {  	_ = 	snop  }
0x4: {  	_ = 	snop  }
0x5: {  	_ = 	snop  }
0x6: {  	_ = 	snop  }
0x7: {  	_ = 	snop  }
__scs_overlays_trampoline_lowered:
0x8: {  	[smem:$0x3FAD] =	sst s0  }
0x9: {  	[smem:$0x3FAE] =	sst s1  }
0xa: {  	[smem:$0x3FAF] =	sst s2  }
0xb: {  	[smem:$0x3FB0] =	sst s3  }
0xc: {  	[smem:$0x3FB1] =	sst s4  }
0xd: {  	[smem:$0x3FB2] =	sst s5  }
0xe: {  	[smem:$0x3FB3] =	sst s6  }
0xf: {  	[smem:$0x3FB4] =	sst s7  }
0x10: {  	[smem:$0x3FB5] =	sst s8  }
0x11: {  	[smem:$0x3FB6] =	sst s9;
	s0 =	simm.s32 @!p0 $0x0  }
0x12: {  	s1 =	sld [smem:$0x3F9C];
	s0 =	simm.s32 @p0 $0x1  }
0x13: {  	[smem:$0x3FB7] =	sst s0;
	s0 =	simm.s32 @!p1 $0x0  }
0x14: {  	s2 =	sld [smem:$0x3F9B];
	s0 =	simm.s32 @p1 $0x1  }
0x15: {  	[smem:$0x3FB8] =	sst s0;
	s0 =	simm.s32 @!p2 $0x0  }
0x16: {  	s3 =	sld [smem:$0x3FDB];
	s0 =	simm.s32 @p2 $0x1  }
0x17: {  	s4 =	simm.s32 $0x1BF5;
	[smem:$0x3FBA] =	sst s0  }
0x18: {  	s0 =	sld [smem:$0x3F9D];
	_ =	swait.ge [sflag:s4], $0x0  }
0x19: {  	s7 =	sld [smem:$0x3F9E]  }
0x1a: {  	s8 =	sadd.s32 $0xFFFFE003, lr  }
0x1b: {  	s9 =	sadd.s32 $0xFFFFFEF7, lr;
	s5 =	simm.s32 $0xFFFFFFFF;
	p2 =	slt.u32 s8, $0xFFFFF086  }
0x1c: {  	p1 =	slt.u32 s9, $0xF7A;
	s5 =	simm.s32 @!p2 $0x0  }
0x1d: {  	s5 =	simm.s32 @p1 $0x1;
	p0 =	seq.s32 s7, s2  }
0x1e: {  	s7 =	smul.u32 @!p0 $0xF7A, s2;
	p2 =	seq.s32 @!p0 s5, $0x0  }
0x1f: {  	s9 =	smul.u32 $0xF7A, s1;
	s8 =	simm.s32 @!p0 $0x1BF5;
	p2 =	por !p2, p0  }
0x20: {  	[sflag:s8] =	ssyncset.s32 @!p0 $0xFFFFF086;
	s6 =	sadd.s32 @!p0 s3, s7;
	s7 =	simm.s32 @!p0 $0x108  }
0x21: {  	s3 =	sadd.s32 s3, s9;
	s6 =	sadd.s32 @!p0 $0x88, s6;
	s7 =	simm.s32 @p2 $0x1082  }
0x22: {  	[simem:s7], [sflag:s8] =	dma.local @!p0 [hbm:s6], $0xF7A  }
0x23: {  	s9 =	sor.u32 $0xD0000000, s2;
	s6 =	simm.s32 $0x108;
	_ =	swait.ge @!p0 [sflag:s8], $0x0  }
0x24: {  	s3 =	sadd.s32 $0x88, s3;
	s6 =	simm.s32 @!p1 $0x1082;
	[sflag:s4] =	ssyncset.s32 $0xFFFFF086  }
0x25: {  	[simem:s6], [sflag:s4] =	dma.local [hbm:s3], $0xF7A  }
0x26: {  	[smem:$0x3F9E] =	sst s1;
	(tag) =	ssettag s2;
	_ =	strace s9  }
0x27: {  	s1 =	sld [smem:$0x3FAE]  }
0x28: {  	s2 =	sld [smem:$0x3FAF]  }
0x29: {  	s4 =	sld [smem:$0x3FB1]  }
0x2a: {  	p0 =	seq.s32 s5, $0x0;
	s5 =	sld [smem:$0x3FB2]  }
0x2b: {  	s6 =	sld [smem:$0x3FB3]  }
0x2c: {  	s7 =	sld [smem:$0x3FB4]  }
0x2d: {  	s3 =	simm.s32 $0x108;
	s8 =	sld [smem:$0x3FB5]  }
0x2e: {  	s3 =	simm.s32 @!p0 $0x1082;
	s9 =	sld [smem:$0x3FB6]  }
0x2f: {  	lr =	sadd.s32 s0, s3;
	s0 =	sld [smem:$0x3FAD]  }
0x30: {  	s3 =	sld [smem:$0x3FB0]  }
0x31: {  	[smem:$0x3FB9] =	sst s10  }
0x32: {  	s10 =	sld [smem:$0x3FB7];
	_ =	sdelay $0x3  }
0x33: {  	p0 =	seq.s32 s10, $0x1;
	s10 =	sld [smem:$0x3FB9];
	_ =	sdelay $0x3  }
0x34: {  	[smem:$0x3FB9] =	sst s10  }
0x35: {  	s10 =	sld [smem:$0x3FB8];
	_ =	sdelay $0x3  }
0x36: {  	p1 =	seq.s32 s10, $0x1;
	s10 =	sld [smem:$0x3FB9];
	_ =	sdelay $0x3  }
0x37: {  	[smem:$0x3FB9] =	sst s10  }
0x38: {  	s10 =	sld [smem:$0x3FBA]  }
0x39: {  	_ = 	snop;
	(pc) =	sbr.ind lr, $3  }
0x3a: {  	_ = 	snop  }
0x3b: {  	_ = 	snop  }
0x3c: {  	p2 =	seq.s32 s10, $0x1;
	s10 =	sld [smem:$0x3FB9]  }
0x3d: {  	_ =	shalt  }
0x3e: {  	_ =	shalt  }
0x3f: {  	_ =	shalt  }
0x40: {  	_ =	shalt  }
0x41: {  	_ =	shalt  }
0x42: {  	_ =	shalt  }
0x43: {  	_ =	shalt  }
0x44: {  	_ =	shalt  }
0x45: {  	_ =	shalt  }
0x46: {  	_ =	shalt  }
0x47: {  	_ =	shalt  }
0x48: {  	_ =	shalt  }
0x49: {  	_ =	shalt  }
0x4a: {  	_ =	shalt  }
0x4b: {  	_ =	shalt  }
0x4c: {  	_ =	shalt  }
0x4d: {  	_ =	shalt  }
0x4e: {  	_ =	shalt  }
0x4f: {  	_ =	shalt  }
0x50: {  	_ =	shalt  }
0x51: {  	_ =	shalt  }
0x52: {  	_ =	shalt  }
0x53: {  	_ =	shalt  }
0x54: {  	_ =	shalt  }
0x55: {  	_ =	shalt  }
0x56: {  	_ =	shalt  }
0x57: {  	_ =	shalt  }
0x58: {  	_ =	shalt  }
0x59: {  	_ =	shalt  }
0x5a: {  	_ =	shalt  }
0x5b: {  	_ =	shalt  }
0x5c: {  	_ =	shalt  }
0x5d: {  	_ =	shalt  }
0x5e: {  	_ =	shalt  }
0x5f: {  	_ =	shalt  }
0x60: {  	_ =	shalt  }
0x61: {  	_ =	shalt  }
0x62: {  	_ =	shalt  }
0x63: {  	_ =	shalt  }
0x64: {  	_ =	shalt  }
0x65: {  	_ =	shalt  }
0x66: {  	_ =	shalt  }
0x67: {  	_ =	shalt  }
0x68: {  	_ =	shalt  }
0x69: {  	_ =	shalt  }
0x6a: {  	_ =	shalt  }
0x6b: {  	_ =	shalt  }
0x6c: {  	_ =	shalt  }
0x6d: {  	_ =	shalt  }
0x6e: {  	_ =	shalt  }
0x6f: {  	_ =	shalt  }
0x70: {  	_ =	shalt  }
0x71: {  	_ =	shalt  }
0x72: {  	_ =	shalt  }
0x73: {  	_ =	shalt  }
0x74: {  	_ =	shalt  }
0x75: {  	_ =	shalt  }
0x76: {  	_ =	shalt  }
0x77: {  	_ =	shalt  }
0x78: {  	_ =	shalt  }
0x79: {  	_ =	shalt  }
0x7a: {  	_ =	shalt  }
0x7b: {  	_ =	shalt  }
0x7c: {  	_ =	shalt  }
0x7d: {  	_ =	shalt  }
0x7e: {  	_ =	shalt  }
0x7f: {  	_ =	shalt  }
0x80: {  	_ =	shalt  }
0x81: {  	_ =	shalt  }
0x82: {  	_ =	shalt  }
0x83: {  	_ =	shalt  }
0x84: {  	_ =	shalt  }
0x85: {  	_ =	shalt  }
0x86: {  	_ =	shalt  }
0x87: {  	_ =	shalt  }
.Lfunc_end0:
.L_simem_size_0:
called_computation_lowered:
.L_overlay_start_0:
0x88: {  	s2 =	sld [smem:$0x3FD9]  }
0x89: {  	s3 =	sld [smem:$0x3FFE];
	_ =	sdelay $0x1  }
0x8a: {  	s1 =	srdreg.scid  }
0x8b: {  	s0 =	sand.u32 $0x1, s1  }
0x8c: {  	s17 =	sshll.u32 s0, $0xA;
	s2 =	sadd.s32 s3, s2  }
0x8d: {  	s2 =	sadd.s32 s2, s17  }
0x8e: {  	[smem:$0x3FC5] =	sst s2  }
0x8f: {  	_ = 	snop  }
0x90: {  	s2 =	sld [smem:$0x3FC9]  }
0x91: {  	s18 =	sld [smem:$0x3FC8]  }
0x92: {  	s4 =	sld [smem:$0x3FC7];
	(tm) =	ssettm $0x1  }
0x93: {  	s5 =	sld [smem:$0x3FFB];
	_ =	sdelay $0x3  }
0x94: {  	_ =	strace s5  }
0x95: {  	s5 =	sld [smem:$0x3FFC];
	_ =	sdelay $0x3  }
0x96: {  	_ =	strace s5  }
0x97: {  	s5 =	sld [smem:$0x3FFD];
	_ =	sdelay $0x3  }
0x98: {  	_ =	strace s5  }
0x99: {  	_ =	strace $0x8FFFFFFF  }
0x9a: {  	s19 =	sld [smem:$0x3FDB];
	_ =	sdelay $0x1  }
0x9b: {  	s6 =	simm.s32 $_scs_section_size  }
0x9c: {  	s7 =	simm.s32 $_size__tile_overlayer_lowered;
	s8 =	simm.s32 $_tile_overlayer_lowered  }
0x9d: {  	s22 =	simm.s32 $0x1BFF;
	s21 =	sshll.u32 s8, $0x1;
	s5 =	sadd.s32 s6, s19  }
0x9e: {  	s9 =	simm.s32 $0x0;
	s20 =	sshll.u32 s7, $0x1;
	s7 =	sadd.s32 s21, s5  }
0x9f: {  	[timem:s9], [sflag:s22] =	dma.local [hbm:s7], s20  }
0xa0: {  	_ =	swait.ge [sflag:s22], s20  }
0xa1: {  	s6 =	ssub.s32 $0x0, s20;
	[sflag:s22] =	ssyncset.done $0x0  }
0xa2: {  	[sflag:s22] =	ssyncadd.s32 s6;
	_ =	sdelay $0x1  }
0xa3: {  	s23 =	simm.s32 $0x1B8B  }
0xa4: {  	_ =	swait.ge [sflag:s23], $0x1  }
0xa5: {  	[sflag:s23] =	ssyncset.done $0x0  }
0xa6: {  	s25 =	simm.s32 $0x1B8E;
	s24 =	sld [smem:$0x3FFE];
	[sflag:s23] =	ssyncadd.s32 $0xFFFFFFFF  }
0xa7: {  	s26 =	simm.s32 $execute0_lowered;
	[smem:$0x3FD2] =	sst s25  }
0xa8: {  	s7 =	sshll.u32 s26, $0x1;
	_ =	strace $0x80000046;
	[dreg:$0x1] =	wrdreg $0xFFFFFFFF  }
0xa9: {  	s28 =	simm.s32 $_size_execute0_lowered;
	s5 =	sadd.s32 s5, s7;
	[dreg:$0x0] =	wrdreg $0x0  }
0xaa: {  	s7 =	sshll.u32 s28, $0x1;
	[dreg:$0x2] =	wrdreg s5  }
0xab: {  	[dreg:$0x3] =	wrdreg s7  }
0xac: {  	[dreg:$0x4] =	wrdreg $0xC0  }
0xad: {  	_ =	task [dreg:s9], $0x5FFFF  }
0xae: {  	[dreg:$0x1] =	wrdreg $0xFFFFFFFF  }
0xaf: {  	[dreg:$0x0] =	wrdreg $0x60  }
0xb0: {  	[dreg:$0x2] =	wrdreg s2  }
0xb1: {  	[dreg:$0x3] =	wrdreg s18  }
0xb2: {  	[dreg:$0x4] =	wrdreg s4  }
0xb3: {  	[dreg:$0x5] =	wrdreg s24  }
0xb4: {  	[dreg:$0x6] =	wrdreg $0x0  }
0xb5: {  	[dreg:$0x7] =	wrdreg $0x9  }
0xb6: {  	_ =	task.clear_ibuf [dreg:s9], $0x8FFFF;
	_ =	strace $0x90000046  }
0xb7: {  	s29 =	simm.s32 $0x9;
	_ =	strace $0x80000048  }
0xb8: {  	_ =	swait.ge [sflag:s29], $0x1  }
0xb9: {  	[sflag:s29] =	ssyncadd.s32 $0xFFFFFFFF  }
0xba: {  	_ =	strace $0x90000048  }
0xbb: {  	_ =	sfence  }
0xbc: {  	s30 =	sld [smem:$0x0];
	_ =	sdelay $0x2  }
0xbd: {  	s31 =	sshll.u32 s1, $0xD;
	s1 =	sshrl.u32 s1, $0x2  }
0xbe: {  	s3 =	sand.u32 $0x4000, s31;
	s1 =	sadd.s32 s1, s30  }
0xbf: {  	s0 =	sor.u32 s3, s0;
	s1 =	sshll.u32 s1, $0x11  }
0xc0: {  	s0 =	sor.u32 s1, s0  }
0xc1: {  	s0 =	sadd.s32 $0x8F2B, s0  }
0xc2: {  	[sflag:s0] =	ssyncadd.remote.s32 $0x1  }
0xc3: {  	_ =	sfence.sel $0xFFFF  }
0xc4: {  	[dreg:$0x0] =	wrdreg $0xFFFFFFFF;
	(pc) =	sbr.abs _section_cstart, $3  }
0xc5: {  	[dreg:$0x1] =	wrdreg $0xFFFFFFFF  }
0xc6: {  	_ =	task.clear_ibuf [dreg:s9], $0x2FFFF;
	_ =	strace $0x9FFFFFFF  }
0xc7: {  	(tm) =	ssettm $0x7FFFFFFF  }
tec
execute0_lowered:
.L_overlay_start_1:
0x0: {  	(tag) =	ssettag $0x1  }
0x1: {  	s0 =	rddreg [dreg:$0x0]  }
0x2: {  	s2 =	rddreg [dreg:$0x1]  }
0x3: {  	s1 =	rddreg [dreg:$0x2]  }
0x4: {  	s6 =	rddreg [dreg:$0x3]  }
0x5: {  	s3 =	rddreg [dreg:$0x4]  }
0x6: {  	s5 =	srdreg.scid;
	s11 =	stileid.u32;
	s4 =	simm.s32 $0x0  }
0x7: {  	s14 =	simm.s32 $0x3970;
	s15 =	simm.s32 $0x7970;
	s17 =	simm.s32 $0x1C70  }
0x8: {  	s18 =	simm.s32 $0x1;
	s19 =	simm.s32 $0x80;
	s20 =	simm.s32 $0xB970  }
0x9: {  	s29 =	simm.s32 $0x7;
	s30 =	simm.s32 $0x2070;
	s31 =	simm.s32 $0x2  }
0xa: {  	s28 =	simm.s32 $0x3;
	s16 =	simm.s32 $0x4;
	s7 =	sand.u32 $0x1, s5  }
0xb: {  	s21 =	sshll.u32 s11, $0x1;
	[smem:$0x7FF] =	sst s4;
	s22 =	smul.u32 $0x61C0, s11  }
0xc: {  	s24 =	sshll.u32 s11, $0x7;
	s8 =	sor.u32 s7, s21;
	_ =	strace $0x80000047  }
0xd: {  	s9 =	ssub.s32 $0x2, s7;
	s7 =	sshll.u32 s7, $0x6;
	s21 =	simm.s32 $0x0  }
0xe: {  	s5 =	sshll.u32 s8, $0xD;
	s10 =	sshrl.u32 s9, $0x1;
	s7 =	sadd.s32 s2, s7  }
0xf: {  	s2 =	sadd.s32 s2, s24;
	s26 =	sshll.u32 s8, $0x4;
	s8 =	simm.s32 $0x1870  }
0x10: {  	s5 =	sadd.s32 s0, s5;
	s13 =	ssub.s32 s9, s10;
	s0 =	sshrl.u32 s22, $0x2  }
0x11: {  	[dreg:$0x7] =	wrdreg s2;
	s25 =	sadd.s32 s24, s7;
	s12 =	sadd.s32 s6, s26  }
0x12: {  	v0 =	vimm.s32 $0x1;
	v1 =	vlaneseq.u32;
	s26 =	simm.s32 $0x5;
	s2 =	simm.s32 $0x1BB70;
	s22 =	simm.s32 $0x1BD70  }
0x13: {  	v2 =	vimm.s32 $0x0;
	vm0 =	vcmask $0x3F3C;
	v3 =	vor.u32 $0x10, v1;
	s24 =	simm.s32 $0x6;
	s23 =	sadd.s32 $0x800, s5;
	[dreg:$0x8] =	wrdreg s25  }
0x14: {  	v4 =	vor.u32 $0x20, v1;
	v5 =	vor.u32 $0x30, v1;
	v6 =	vor.u32 $0x40, v1;
	s9 =	sadd.s32 s0, s3;
	s10 =	sadd.s32 $0x1000, s5;
	s11 =	sadd.s32 $0x1800, s5  }
0x15: {  	v7 =	vor.u32 $0x50, v1;
	v8 =	vor.u32 $0x60, v1;
	v9 =	vor.u32 $0x70, v1;
	s13 =	smax.u32 s13, $0x1;
	s0 =	simm.s32 $0x1B970;
	[dreg:$0x6] =	wrdreg s23  }
.LBB2_1:
0x16: {  	[tilespmem:s14], [sflag:$0x5] =	stream.linear.gather [hbm4b:s5+s4], $0x4000, $0x38;
	[tilespmem:$0x1BFF0] =	vst v63  }
0x17: {  	s6 =	rddreg [dreg:$0x6]  }
0x18: {  	[tilespmem:s15], [sflag:$0x6] =	stream.linear.gather [hbm4b:s6+s4], $0x4000, $0x38;
	[tilespmem:$0x1BFF0] =	vst v63  }
0x19: {  	s23 =	rddreg [dreg:$0x7]  }
0x1a: {  	[tilespmem:s8], [sflag:$0x1] =	stream.linear.gather [hbm4b:s23+s4], $0x400, $0x38;
	[tilespmem:$0x1BFF0] =	vst v63  }
0x1b: {  	s25 =	rddreg [dreg:$0x8]  }
0x1c: {  	[tilespmem:s17], [sflag:$0x1] =	stream.linear.gather [hbm4b:s25+s4], $0x200, $0x38;
	[tilespmem:$0x1BFF0] =	vst v63  }
0x1d: {  	[tilespmem:$0x2070] =	vst v0  }
0x1e: {  	[tilespmem:$0x2080] =	vst v0  }
0x1f: {  	[tilespmem:$0x2090] =	vst v0  }
0x20: {  	[tilespmem:$0x20A0] =	vst v0  }
0x21: {  	[tilespmem:$0x20B0] =	vst v0  }
0x22: {  	[tilespmem:$0x20C0] =	vst v0  }
0x23: {  	[tilespmem:$0x20D0] =	vst v0  }
0x24: {  	s7 =	simm.s32 $0x0;
	s6 =	simm.s32 $0x40;
	[tilespmem:$0x20E0] =	vst v0  }
.LBB2_2:
0x25: {  	p0 =	sne.s32 s6, $0x6180;
	[tilespmem:s7+$0x20F0] =	vst v2;
	s7 =	smov.u32 s6;
	s6 =	sadd.s32 $0x40, s6  }
.Ltmp0:
0x26: {  	(pc) =	sbr.rel @p0 .LBB2_2-.Ltmp0, $2  }
0x27: {  	_ =	sdelay $0x2  }
0x28: {  	s7 =	sshra.s32 s7, $0x2  }
0x29: {  	[tilespmem:s7+$0x20F0] =	vst v2  }
0x2a: {  	_ =	swait.ge [sflag:s18], $0x200  }
0x2b: {  	[sflag:s18] =	ssyncset.done $0x0  }
0x2c: {  	[sflag:s18] =	ssyncadd.s32 $0xFFFFFE00  }
0x2d: {  	_ =	swait.ge [sflag:s18], $0x400  }
0x2e: {  	[sflag:s18] =	ssyncset.done $0x0  }
0x2f: {  	[sflag:s18] =	ssyncadd.s32 $0xFFFFFC00  }
0x30: {  	[tilespmem:s20], [sflag:$0x3] =	stream.indirect.gather [hbm4b:s1+s19], $0x80, s17, s19, $0xb8;
	[tilespmem:$0x1BFF0] =	vst v63  }
0x31: {  	s6 =	simm.s32 $0x1CF0;
	s23 =	simm.s32 $0xF970  }
0x32: {  	[tilespmem:s23], [sflag:$0x3] =	stream.indirect.gather [hbm4b:s1+s19], $0x80, s6, s19, $0xb8;
	[tilespmem:$0x1BFF0] =	vst v63  }
0x33: {  	s7 =	simm.s32 $0x1D70;
	s23 =	simm.s32 $0x13970  }
0x34: {  	[tilespmem:s23], [sflag:$0x3] =	stream.indirect.gather [hbm4b:s1+s19], $0x80, s7, s19, $0xb8;
	[tilespmem:$0x1BFF0] =	vst v63  }
0x35: {  	s25 =	simm.s32 $0x17970;
	s23 =	simm.s32 $0x1DF0  }
0x36: {  	[tilespmem:s25], [sflag:$0x3] =	stream.indirect.gather [hbm4b:s1+s19], $0x80, s23, s19, $0xb8;
	[tilespmem:$0x1BFF0] =	vst v63  }
0x37: {  	s25 =	simm.s32 $0x20F0  }
0x38: {  	[spmem:s9] =	stream.linear.scatter [tilespmem:s25], [sflag:$0x7], $0x1870, $0x38;
	[tilespmem:$0x1BFF0] =	vst v63  }
0x39: {  	_ =	swait.ge [sflag:s29], $0x1870  }
0x3a: {  	[sflag:s29] =	ssyncset.done $0x0  }
0x3b: {  	[sflag:s29] =	ssyncadd.s32 $0xFFFFE790  }
0x3c: {  	[bflag:$0x0] =	sbarrier.arrive $0xFFFF  }
0x3d: {  	[spmem:s3] =	stream.indirect.scatter.add.s32 [tilespmem:s30], [sflag:$0x2], $0x1, s8, s19, $0xb8;
	[tilespmem:$0x1BFF0] =	vst v63  }
0x3e: {  	s25 =	simm.s32 $0x18F0  }
0x3f: {  	[spmem:s3] =	stream.indirect.scatter.add.s32 [tilespmem:s30], [sflag:$0x2], $0x1, s25, s19, $0xb8;
	[tilespmem:$0x1BFF0] =	vst v63  }
0x40: {  	s25 =	simm.s32 $0x1970  }
0x41: {  	[spmem:s3] =	stream.indirect.scatter.add.s32 [tilespmem:s30], [sflag:$0x2], $0x1, s25, s19, $0xb8;
	[tilespmem:$0x1BFF0] =	vst v63  }
0x42: {  	s25 =	simm.s32 $0x19F0  }
0x43: {  	[spmem:s3] =	stream.indirect.scatter.add.s32 [tilespmem:s30], [sflag:$0x2], $0x1, s25, s19, $0xb8;
	[tilespmem:$0x1BFF0] =	vst v63  }
0x44: {  	s25 =	simm.s32 $0x1A70  }
0x45: {  	[spmem:s3] =	stream.indirect.scatter.add.s32 [tilespmem:s30], [sflag:$0x2], $0x1, s25, s19, $0xb8;
	[tilespmem:$0x1BFF0] =	vst v63  }
0x46: {  	s25 =	simm.s32 $0x1AF0  }
0x47: {  	[spmem:s3] =	stream.indirect.scatter.add.s32 [tilespmem:s30], [sflag:$0x2], $0x1, s25, s19, $0xb8;
	[tilespmem:$0x1BFF0] =	vst v63  }
0x48: {  	s25 =	simm.s32 $0x1B70  }
0x49: {  	[spmem:s3] =	stream.indirect.scatter.add.s32 [tilespmem:s30], [sflag:$0x2], $0x1, s25, s19, $0xb8;
	[tilespmem:$0x1BFF0] =	vst v63  }
0x4a: {  	s25 =	simm.s32 $0x1BF0  }
0x4b: {  	[spmem:s3] =	stream.indirect.scatter.add.s32 [tilespmem:s30], [sflag:$0x2], $0x1, s25, s19, $0xb8;
	[tilespmem:$0x1BFF0] =	vst v63  }
0x4c: {  	_ =	swait.ge [sflag:s31], $0x80  }
0x4d: {  	[sflag:s31] =	ssyncset.done $0x0  }
0x4e: {  	[sflag:s31] =	ssyncadd.s32 $0xFFFFFF80  }
0x4f: {  	_ =	swait.ge [sflag:s31], $0x80  }
0x50: {  	[sflag:s31] =	ssyncset.done $0x0  }
0x51: {  	[sflag:s31] =	ssyncadd.s32 $0xFFFFFF80  }
0x52: {  	_ =	swait.ge [sflag:s31], $0x80  }
0x53: {  	[sflag:s31] =	ssyncset.done $0x0  }
0x54: {  	[sflag:s31] =	ssyncadd.s32 $0xFFFFFF80  }
0x55: {  	_ =	swait.ge [sflag:s31], $0x80  }
0x56: {  	[sflag:s31] =	ssyncset.done $0x0  }
0x57: {  	[sflag:s31] =	ssyncadd.s32 $0xFFFFFF80  }
0x58: {  	_ =	swait.ge [sflag:s31], $0x80  }
0x59: {  	[sflag:s31] =	ssyncset.done $0x0  }
0x5a: {  	[sflag:s31] =	ssyncadd.s32 $0xFFFFFF80  }
0x5b: {  	_ =	swait.ge [sflag:s31], $0x80  }
0x5c: {  	[sflag:s31] =	ssyncset.done $0x0  }
0x5d: {  	[sflag:s31] =	ssyncadd.s32 $0xFFFFFF80  }
0x5e: {  	_ =	swait.ge [sflag:s31], $0x80  }
0x5f: {  	[sflag:s31] =	ssyncset.done $0x0  }
0x60: {  	[sflag:s31] =	ssyncadd.s32 $0xFFFFFF80  }
0x61: {  	_ =	swait.ge [sflag:s31], $0x80  }
0x62: {  	[sflag:s31] =	ssyncset.done $0x0  }
0x63: {  	[sflag:s31] =	ssyncadd.s32 $0xFFFFFF80  }
0x64: {  	s25 =	simm.s32 $0x1E70;
	[bflag:$0x0] =	sbarrier.arrive $0xFFFF  }
0x65: {  	[tilespmem:s25], [sflag:$0x4] =	stream.indirect.gather [spmem:s3], $0x1, s17, s19, $0xb8;
	[tilespmem:$0x1BFF0] =	vst v63  }
0x66: {  	s25 =	simm.s32 $0x1EF0  }
0x67: {  	[tilespmem:s25], [sflag:$0x4] =	stream.indirect.gather [spmem:s3], $0x1, s6, s19, $0xb8;
	[tilespmem:$0x1BFF0] =	vst v63  }
0x68: {  	s25 =	simm.s32 $0x1F70  }
0x69: {  	[tilespmem:s25], [sflag:$0x4] =	stream.indirect.gather [spmem:s3], $0x1, s7, s19, $0xb8;
	[tilespmem:$0x1BFF0] =	vst v63  }
0x6a: {  	s8 =	simm.s32 $0x0;
	s25 =	simm.s32 $0x1FF0  }
0x6b: {  	v10 =	vmov s8;
	[tilespmem:s25], [sflag:$0x4] =	stream.indirect.gather [spmem:s3], $0x1, s23, s19, $0xb8;
	[tilespmem:$0x1BFF0] =	vst v63  }
0x6c: {  	v11 =	vshll.u32 v10, $0x7;
	_ =	swait.ge [sflag:s26], $0x4000  }
0x6d: {  	v13 =	vor.u32 v7, v11;
	[sflag:s26] =	ssyncset.done $0x0  }
0x6e: {  	v14 =	vor.u32 v6, v11;
	[sflag:s26] =	ssyncadd.s32 $0xFFFFC000  }
0x6f: {  	v15 =	vor.u32 v5, v11;
	_ =	swait.ge [sflag:s28], $0x4000  }
0x70: {  	v17 =	vor.u32 v3, v11;
	[sflag:s28] =	ssyncset.done $0x0  }
0x71: {  	v19 =	vor.u32 v1, v11;
	[sflag:s28] =	ssyncadd.s32 $0xFFFFC000  }
0x72: {  	v20 =	vld.idx.msk [tilespmem:v13+s14+$0x0], $0xffff  }
0x73: {  	v21 =	vld.idx.msk [tilespmem:v14+s14+$0x0], $0xffff  }
0x74: {  	v16 =	vor.u32 v4, v11;
	v22 =	vld.idx.msk [tilespmem:v15+s14+$0x0], $0xffff  }
0x75: {  	v24 =	vld.idx.msk [tilespmem:v17+s14+$0x0], $0xffff  }
0x76: {  	v25 =	vld.idx.msk [tilespmem:v19+s14+$0x0], $0xffff  }
0x77: {  	s8 =	simm.s32 $0x3;
	v12 =	vor.u32 v9, v11;
	v19 =	vld.idx.msk [tilespmem:v19+s20+$0x0], $0xffff  }
0x78: {  	v26 =	vor.u32 v8, v11;
	v11 =	vmov s8;
	v17 =	vld.idx.msk [tilespmem:v17+s20+$0x0], $0xffff  }
0x79: {  	v32 =	vshll.u32 v11, $0x7;
	v23 =	vld.idx.msk [tilespmem:v16+s14+$0x0], $0xffff  }
0x7a: {  	v35 =	vor.u32 v8, v32;
	v16 =	vld.idx.msk [tilespmem:v16+s20+$0x0], $0xffff;
	v27 =	vmul.f32 v20, v20  }
0x7b: {  	v38 =	vor.u32 v7, v32;
	v15 =	vld.idx.msk [tilespmem:v15+s20+$0x0], $0xffff;
	v29 =	vmul.f32 v22, v22;
	v30 =	vmul.f32 v21, v21  }
0x7c: {  	v39 =	vor.u32 v6, v32;
	v18 =	vld.idx.msk [tilespmem:v12+s14+$0x0], $0xffff;
	v31 =	vmul.f32 v25, v25;
	v34 =	vmul.f32 v19, v19  }
0x7d: {  	v59 =	vor.u32 v4, v32;
	v14 =	vld.idx.msk [tilespmem:v14+s20+$0x0], $0xffff;
	v36 =	vmul.f32 v24, v24;
	v37 =	vmul.f32 v17, v17  }
0x7e: {  	v58 =	vor.u32 v5, v32;
	v12 =	vld.idx.msk [tilespmem:v12+s20+$0x0], $0xffff;
	v33 =	vmul.f32 v23, v23;
	v19 =	vmul.f32 v19, v25  }
0x7f: {  	v40 =	vld.idx.msk [tilespmem:v26+s14+$0x0], $0xffff;
	v25 =	vmul.f32 v16, v16;
	v31 =	vadd.f32 v36, v31;
	v34 =	vadd.f32 v37, v34  }
0x80: {  	v13 =	vld.idx.msk [tilespmem:v13+s20+$0x0], $0xffff;
	v17 =	vmul.f32 v17, v24;
	v24 =	vmul.f32 v15, v15;
	v19 =	vadd.f32 $0.0e+00, v19  }
0x81: {  	v26 =	vld.idx.msk [tilespmem:v26+s20+$0x0], $0xffff;
	v16 =	vmul.f32 v16, v23;
	v31 =	vadd.f32 v33, v31;
	v25 =	vadd.f32 v25, v34  }
0x82: {  	v17 =	vadd.f32 v17, v19;
	v19 =	vmul.f32 v14, v14;
	v14 =	vmul.f32 v14, v21;
	v21 =	vld.idx.msk [tilespmem:v59+s14+$0x0], $0xffff  }
0x83: {  	v60 =	vld.idx.msk [tilespmem:v35+s14+$0x0], $0xffff;
	v28 =	vmul.f32 v18, v18;
	v23 =	vadd.f32 v29, v31;
	v24 =	vadd.f32 v24, v25  }
0x84: {  	v61 =	vld.idx.msk [tilespmem:v38+s14+$0x0], $0xffff;
	v15 =	vmul.f32 v15, v22;
	v25 =	vor.u32 v3, v32;
	v16 =	vadd.f32 v16, v17  }
0x85: {  	v22 =	vld.idx.msk [tilespmem:v58+s14+$0x0], $0xffff;
	v17 =	vor.u32 v1, v32;
	v23 =	vadd.f32 v30, v23;
	v19 =	vadd.f32 v19, v24  }
0x86: {  	v24 =	vmul.f32 v13, v13;
	v30 =	vld.idx.msk [tilespmem:v58+s20+$0x0], $0xffff;
	v15 =	vadd.f32 v15, v16;
	v16 =	vmul.f32 v40, v40  }
0x87: {  	v29 =	vld.idx.msk [tilespmem:v39+s14+$0x0], $0xffff;
	v13 =	vmul.f32 v13, v20;
	v63 =	vmul.f32 v21, v21;
	v23 =	vadd.f32 v27, v23  }
0x88: {  	v19 =	vadd.f32 v24, v19;
	v24 =	vmul.f32 v26, v26;
	v27 =	vld.idx.msk [tilespmem:v59+s20+$0x0], $0xffff;
	v14 =	vadd.f32 v14, v15  }
0x89: {  	v15 =	vmul.f32 v12, v18;
	v12 =	vmul.f32 v12, v12;
	v18 =	vld.idx.msk [tilespmem:v25+s14+$0x0], $0xffff;
	v16 =	vadd.f32 v16, v23  }
0x8a: {  	v20 =	vld.idx.msk [tilespmem:v17+s14+$0x0], $0xffff;
	v19 =	vadd.f32 v24, v19;
	v13 =	vadd.f32 v13, v14;
	v14 =	vmul.f32 v26, v40  }
0x8b: {  	v17 =	vld.idx.msk [tilespmem:v17+s20+$0x0], $0xffff;
	v23 =	vor.u32 v9, v32;
	v26 =	vmul.f32 v22, v22;
	v31 =	vmul.f32 v30, v30  }
0x8c: {  	s23 =	simm.s32 $0x2;
	v16 =	vadd.f32 v28, v16;
	v24 =	vadd.f32 v12, v19;
	v28 =	vmul.f32 v60, v60  }
0x8d: {  	v19 =	vld.idx.msk [tilespmem:v25+s20+$0x0], $0xffff;
	v13 =	vadd.f32 v14, v13;
	v14 =	vmul.f32 v29, v29;
	v12 =	vmov s23  }
0x8e: {  	v35 =	vld.idx.msk [tilespmem:v35+s20+$0x0], $0xffff;
	v25 =	vmul.f32 v61, v61;
	v62 =	vshll.u32 v12, $0x7;
	v48 =	vmul.f32 v27, v27  }
0x8f: {  	v52 =	vld.idx.msk [tilespmem:v38+s20+$0x0], $0xffff;
	v41 =	vmul.f32 v20, v20;
	v42 =	vmul.f32 v18, v18;
	v46 =	vor.u32 v4, v62  }
0x90: {  	v39 =	vld.idx.msk [tilespmem:v39+s20+$0x0], $0xffff;
	v49 =	vor.u32 v9, v62;
	v13 =	vadd.f32 v15, v13;
	v15 =	vmul.f32 v17, v20  }
0x91: {  	v17 =	vmul.f32 v17, v17;
	v45 =	vor.u32 v8, v62;
	v43 =	vld.idx.msk [tilespmem:v23+s14+$0x0], $0xffff;
	v20 =	vadd.f32 v42, v41  }
0x92: {  	v44 =	vld.idx.msk [tilespmem:v23+s20+$0x0], $0xffff;
	v15 =	vadd.f32 $0.0e+00, v15;
	v23 =	vmul.f32 v19, v19;
	v18 =	vmul.f32 v19, v18  }
0x93: {  	(xrf2) =	vadd.scan.msk.f32 $0xffff, v16;
	v50 =	vor.u32 v7, v62;
	v53 =	vor.u32 v5, v62;
	v20 =	vadd.f32 v63, v20  }
0x94: {  	v19 =	vadd.f32 v23, v17;
	v15 =	vadd.f32 v18, v15;
	v18 =	vmul.f32 v27, v21;
	v47 =	vld.idx.msk [tilespmem:v46+s14+$0x0], $0xffff  }
0x95: {  	v51 =	vor.u32 v6, v62;
	v27 =	vor.u32 v1, v62;
	v57 =	vld.idx.msk [tilespmem:v46+s20+$0x0], $0xffff;
	v23 =	vadd.f32 v26, v20  }
0x96: {  	(xrf2) =	vadd.scan.msk.f32 $0xffff, v24;
	v21 =	vadd.f32 v48, v19;
	v15 =	vadd.f32 v18, v15;
	v18 =	vmul.f32 v30, v22  }
0x97: {  	(xrf2) =	vadd.scan.msk.f32 $0xffff, v13;
	v22 =	vmul.f32 v39, v39;
	v30 =	vor.u32 v3, v62;
	v14 =	vadd.f32 v14, v23  }
0x98: {  	v20 =	vld.idx.msk [tilespmem:v50+s14+$0x0], $0xffff;
	v21 =	vadd.f32 v31, v21;
	v15 =	vadd.f32 v18, v15;
	v18 =	vmul.f32 v39, v29  }
0x99: {  	v26 =	vld.idx.msk [tilespmem:v53+s14+$0x0], $0xffff;
	v14 =	vadd.f32 v25, v14;
	v25 =	vmul.f32 v43, v43;
	v58 =	vmul.f32 v47, v47  }
0x9a: {  	v19 =	vld.idx.msk [tilespmem:v45+s14+$0x0], $0xffff;
	v41 =	vmul.f32 v57, v57;
	v21 =	vadd.f32 v22, v21;
	v22 =	vmul.f32 v52, v52  }
0x9b: {  	v23 =	vld.idx.msk [tilespmem:v51+s14+$0x0], $0xffff;
	v15 =	vadd.f32 v18, v15;
	v18 =	vmul.f32 v52, v61;
	v14 =	vadd.f32 v28, v14  }
0x9c: {  	v54 =	vld.idx.msk [tilespmem:v27+s20+$0x0], $0xffff;
	v42 =	vmul.f32 v57, v47;
	v21 =	vadd.f32 v22, v21;
	v22 =	vmul.f32 v35, v35  }
0x9d: {  	v31 =	vld.idx.msk [tilespmem:v27+s14+$0x0], $0xffff;
	v27 =	vmul.f32 v20, v20;
	v15 =	vadd.f32 v18, v15;
	v14 =	vadd.f32 v25, v14  }
0x9e: {  	v55 =	vld.idx.msk [tilespmem:v30+s14+$0x0], $0xffff;
	v18 =	vmul.f32 v35, v60;
	v25 =	vmul.f32 v44, v44;
	v13 =	vadd.f32 v22, v21  }
0x9f: {  	v32 =	vmul.f32 v26, v26;
	v30 =	vld.idx.msk [tilespmem:v30+s20+$0x0], $0xffff;
	v24 =	vmul.f32 v19, v19;
	(xrf2) =	vadd.scan.msk.f32 $0xffff, v14  }
0xa0: {  	s25 =	simm.s32 $0x1;
	v15 =	vadd.f32 v18, v15;
	v18 =	vmul.f32 v44, v43;
	v56 =	vadd.f32 v25, v13  }
0xa1: {  	v16 =	vld.idx.msk [tilespmem:v49+s14+$0x0], $0xffff;
	v29 =	vmul.f32 v23, v23;
	v59 =	vmul.f32 v54, v54;
	v13 =	vmov s25  }
0xa2: {  	v17 =	vld.idx.msk [tilespmem:v49+s20+$0x0], $0xffff;
	v60 =	vmul.f32 v54, v31;
	v15 =	vadd.f32 v18, v15;
	v28 =	vshll.u32 v13, $0x7;
	(xrf2) =	vadd.scan.msk.f32 $0xffff, v56  }
0xa3: {  	v35 =	vld.idx.msk [tilespmem:v53+s20+$0x0], $0xffff;
	v18 =	vmul.f32 v31, v31;
	v61 =	vmul.f32 v55, v55;
	v25 =	vor.u32 v6, v28  }
0xa4: {  	v34 =	vmul.f32 v30, v55;
	v62 =	vmul.f32 v30, v30;
	v31 =	vor.u32 v3, v28  }
0xa5: {  	v36 =	vld.idx.msk [tilespmem:v51+s20+$0x0], $0xffff;
	v38 =	vadd.f32 $0.0e+00, v60;
	v14, _, _ =	vpop (xrf2);
	v33 =	vor.u32 v1, v28;
	v63 =	vadd.f32 v61, v18;
	(xrf2) =	vadd.scan.msk.f32 $0xffff, v15  }
0xa6: {  	v37 =	vld.idx.msk [tilespmem:v50+s20+$0x0], $0xffff;
	v22 =	vmul.f32 v16, v16;
	v30 =	vor.u32 v4, v28;
	v40 =	vadd.f32 v62, v59;
	v15, _, _ =	vpop (xrf2)  }
0xa7: {  	s23 =	simm.s32 $0x4;
	v21 =	vmul.f32 v17, v17;
	v39 =	vadd.f32 v34, v38;
	v34 =	vld.idx.msk [tilespmem:v45+s20+$0x0], $0xffff;
	v38 =	vadd.f32 v58, v63;
	v18, _, _ =	vpop (xrf2)  }
.LBB2_4:
0xa8: {  	p0 =	slt.u32 s23, $0x7C;
	v43 =	vld.idx.msk [tilespmem:v25+s14+$0x0], $0xffff;
	v40 =	vadd.f32 v41, v40;
	v41 =	vmul.f32 v35, v26;
	v35 =	vmul.f32 v35, v35  }
0xa9: {  	v45 =	vor.u32 v5, v28;
	v44 =	vld.idx.msk [tilespmem:v31+s14+$0x0], $0xffff;
	v39 =	vadd.f32 v42, v39;
	v32 =	vadd.f32 v32, v38;
	v26, _, _ =	vpop (xrf2)  }
0xaa: {  	v23 =	vmul.f32 v36, v23;
	v36 =	vmul.f32 v36, v36;
	v38 =	vld.idx.msk [tilespmem:v33+s14+$0x0], $0xffff;
	v35 =	vadd.f32 v35, v40  }
0xab: {  	v42 =	vor.u32 v7, v28;
	v40 =	vld.idx.msk [tilespmem:v30+s14+$0x0], $0xffff;
	v39 =	vadd.f32 v41, v39;
	v29 =	vadd.f32 v29, v32  }
0xac: {  	v31 =	vld.idx.msk [tilespmem:v31+s20+$0x0], $0xffff;
	v32 =	vadd.f32 v36, v35;
	v35 =	vmul.f32 v37, v20;
	v36 =	vmul.f32 v37, v37;
	v20, _, _ =	vpop (xrf2)  }
0xad: {  	v37 =	vor.u32 v8, v28;
	v33 =	vld.idx.msk [tilespmem:v33+s20+$0x0], $0xffff;
	v23 =	vadd.f32 v23, v39;
	v39 =	vadd.f32 v27, v29  }
0xae: {  	v19 =	vmul.f32 v34, v19;
	v34 =	vmul.f32 v34, v34;
	v29 =	vld.idx.msk [tilespmem:v45+s14+$0x0], $0xffff;
	v32 =	vadd.f32 v36, v32  }
0xaf: {  	v28 =	vor.u32 v9, v28;
	v30 =	vld.idx.msk [tilespmem:v30+s20+$0x0], $0xffff;
	v23 =	vadd.f32 v35, v23;
	v24 =	vadd.f32 v24, v39;
	v27, _, _ =	vpop (xrf2)  }
0xb0: {  	v36 =	vmul.f32 v44, v44;
	v35 =	vmul.f32 v38, v38;
	v39 =	vld.idx.msk [tilespmem:v42+s14+$0x0], $0xffff;
	v32 =	vadd.f32 v34, v32  }
0xb1: {  	v16 =	vmul.f32 v17, v16;
	v34 =	vld.idx.msk [tilespmem:v45+s20+$0x0], $0xffff;
	v19 =	vadd.f32 v19, v23;
	v22 =	vadd.f32 v22, v24  }
0xb2: {  	v17 =	vadd.f32 v36, v35;
	v23 =	vmul.f32 v40, v40;
	v24 =	vld.idx.msk [tilespmem:v37+s14+$0x0], $0xffff;
	v21 =	vadd.f32 v21, v32  }
0xb3: {  	v35 =	vmul.f32 v31, v31;
	v32 =	vmul.f32 v33, v33;
	v25 =	vld.idx.msk [tilespmem:v25+s20+$0x0], $0xffff;
	v16 =	vadd.f32 v16, v19  }
0xb4: {  	v19 =	vmul.f32 v33, v38;
	v17 =	vadd.f32 v23, v17;
	v23 =	vmul.f32 v29, v29;
	v33 =	vld.idx.msk [tilespmem:v28+s14+$0x0], $0xffff  }
0xb5: {  	v36 =	vmul.f32 v43, v43;
	v32 =	vadd.f32 v35, v32;
	v35 =	vmul.f32 v30, v30;
	v38 =	vld.idx.msk [tilespmem:v42+s20+$0x0], $0xffff  }
0xb6: {  	v31 =	vmul.f32 v31, v44;
	v19 =	vadd.f32 $0.0e+00, v19;
	v17 =	vadd.f32 v23, v17;
	(xrf2) =	vadd.scan.msk.f32 $0xffff, v22  }
0xb7: {  	v22 =	vadd.f32 v35, v32;
	v23 =	vmul.f32 v34, v34;
	v32 =	vmul.f32 v39, v39;
	v35 =	vld.idx.msk [tilespmem:v37+s20+$0x0], $0xffff  }
0xb8: {  	v30 =	vmul.f32 v30, v40;
	v19 =	vadd.f32 v31, v19;
	v17 =	vadd.f32 v36, v17  }
0xb9: {  	v31 =	vmul.f32 v24, v24;
	v22 =	vadd.f32 v23, v22;
	v23 =	vmul.f32 v25, v25;
	v28 =	vld.idx.msk [tilespmem:v28+s20+$0x0], $0xffff  }
0xba: {  	v29 =	vmul.f32 v34, v29;
	v19 =	vadd.f32 v30, v19;
	v17 =	vadd.f32 v32, v17;
	(xrf2) =	vadd.scan.msk.f32 $0xffff, v21  }
0xbb: {  	v21 =	vadd.f32 v23, v22;
	v22 =	vmul.f32 v38, v38;
	v23 =	vmul.f32 v33, v33  }
0xbc: {  	v25 =	vmul.f32 v25, v43;
	v19 =	vadd.f32 v29, v19;
	v17 =	vadd.f32 v31, v17  }
0xbd: {  	v29 =	vmov s23;
	v21 =	vadd.f32 v22, v21;
	v22 =	vmul.f32 v35, v35;
	(xrf2) =	vadd.scan.msk.f32 $0xffff, v16  }
0xbe: {  	v16 =	vadd.f32 v25, v19;
	v19 =	vmul.f32 v38, v39;
	v30 =	vadd.f32 v23, v17  }
0xbf: {  	v23 =	vshll.u32 v29, $0x7;
	v21 =	vadd.f32 v22, v21;
	v22 =	vmul.f32 v28, v28  }
0xc0: {  	v25 =	vor.u32 v9, v23;
	v16 =	vadd.f32 v19, v16;
	v19 =	vmul.f32 v35, v24;
	(xrf2) =	vadd.scan.msk.f32 $0xffff, v30;
	v17, _, _ =	vpop (xrf2)  }
0xc1: {  	v24 =	vor.u32 v7, v23;
	v21 =	vadd.f32 v22, v21  }
0xc2: {  	v22 =	vor.u32 v6, v23;
	v30 =	vmul.f32 v28, v33;
	v16 =	vadd.f32 v19, v16  }
0xc3: {  	v28 =	vor.u32 v5, v23;
	(xrf2) =	vadd.scan.msk.f32 $0xffff, v21  }
0xc4: {  	v21 =	vor.u32 v4, v23;
	v16 =	vadd.f32 v30, v16;
	v19, _, _ =	vpop (xrf2)  }
0xc5: {  	v30 =	vor.u32 v3, v23;
	v31 =	vld.idx.msk [tilespmem:v25+s14+$0x0], $0xffff  }
0xc6: {  	v32 =	vor.u32 v1, v23;
	v33 =	vld.idx.msk [tilespmem:v24+s14+$0x0], $0xffff;
	(xrf2) =	vadd.scan.msk.f32 $0xffff, v16  }
0xc7: {  	v16 =	vld.idx.msk [tilespmem:v22+s14+$0x0], $0xffff;
	[tilespmem:v10+s0+$0x0] =	vst.idx.msk vm0, v14;
	v14, _, _ =	vpop (xrf2)  }
0xc8: {  	v34 =	vld.idx.msk [tilespmem:v28+s14+$0x0], $0xffff;
	[tilespmem:v10+s2+$0x0] =	vst.idx.msk vm0, v18  }
0xc9: {  	v18 =	vld.idx.msk [tilespmem:v21+s14+$0x0], $0xffff;
	[tilespmem:v10+s22+$0x0] =	vst.idx.msk vm0, v15;
	v10 =	vmov v29  }
0xca: {  	v15 =	vld.idx.msk [tilespmem:v30+s14+$0x0], $0xffff;
	[tilespmem:v11+s0+$0x0] =	vst.idx.msk vm0, v26;
	v26, _, _ =	vpop (xrf2)  }
0xcb: {  	v29 =	vld.idx.msk [tilespmem:v32+s14+$0x0], $0xffff;
	[tilespmem:v11+s2+$0x0] =	vst.idx.msk vm0, v27  }
0xcc: {  	v27 =	vld.idx.msk [tilespmem:v32+s20+$0x0], $0xffff;
	[tilespmem:v11+s22+$0x0] =	vst.idx.msk vm0, v20  }
0xcd: {  	v20 =	vld.idx.msk [tilespmem:v30+s20+$0x0], $0xffff;
	[tilespmem:v12+s0+$0x0] =	vst.idx.msk vm0, v17;
	v17, _, _ =	vpop (xrf2)  }
0xce: {  	v23 =	vor.u32 v8, v23;
	v21 =	vld.idx.msk [tilespmem:v21+s20+$0x0], $0xffff;
	[tilespmem:v12+s2+$0x0] =	vst.idx.msk vm0, v14  }
0xcf: {  	s6 =	sadd.s32 $0x3, s23;
	v30 =	vmul.f32 v31, v31;
	v14 =	vmul.f32 v33, v33;
	[tilespmem:v12+s22+$0x0] =	vst.idx.msk vm0, v19  }
0xd0: {  	v11 =	vmov s6;
	v19 =	vmul.f32 v34, v34;
	v12 =	vld.idx.msk [tilespmem:v28+s20+$0x0], $0xffff;
	v28 =	vmul.f32 v16, v16;
	[tilespmem:v13+s0+$0x0] =	vst.idx.msk vm0, v26;
	v26, _, _ =	vpop (xrf2)  }
0xd1: {  	v36 =	vshll.u32 v11, $0x7;
	v35 =	vmul.f32 v18, v18;
	v32 =	vmul.f32 v29, v29;
	[tilespmem:v13+s2+$0x0] =	vst.idx.msk vm0, v26  }
0xd2: {  	v37 =	vor.u32 v8, v36;
	v26 =	vmul.f32 v27, v27;
	v22 =	vld.idx.msk [tilespmem:v22+s20+$0x0], $0xffff;
	[tilespmem:v13+s22+$0x0] =	vst.idx.msk vm0, v17  }
0xd3: {  	v38 =	vor.u32 v7, v36;
	v13 =	vmul.f32 v15, v15;
	v17 =	vmul.f32 v20, v20;
	v25 =	vld.idx.msk [tilespmem:v25+s20+$0x0], $0xffff  }
0xd4: {  	v40 =	vor.u32 v6, v36;
	v27 =	vmul.f32 v27, v29;
	v29 =	vmul.f32 v21, v21;
	v39 =	vld.idx.msk [tilespmem:v23+s14+$0x0], $0xffff  }
0xd5: {  	v13 =	vadd.f32 v13, v32;
	v17 =	vadd.f32 v17, v26;
	v26 =	vor.u32 v5, v36;
	v24 =	vld.idx.msk [tilespmem:v24+s20+$0x0], $0xffff  }
0xd6: {  	v15 =	vmul.f32 v20, v15;
	v27 =	vadd.f32 $0.0e+00, v27;
	v20 =	vmul.f32 v12, v12;
	v23 =	vld.idx.msk [tilespmem:v23+s20+$0x0], $0xffff  }
0xd7: {  	v32 =	vadd.f32 v35, v13;
	v17 =	vadd.f32 v29, v17;
	v29 =	vor.u32 v4, v36;
	v13 =	vld.idx.msk [tilespmem:v37+s14+$0x0], $0xffff  }
0xd8: {  	v18 =	vmul.f32 v21, v18;
	v15 =	vadd.f32 v15, v27;
	v21 =	vmul.f32 v22, v22;
	v27 =	vld.idx.msk [tilespmem:v38+s14+$0x0], $0xffff  }
0xd9: {  	v19 =	vadd.f32 v19, v32;
	v17 =	vadd.f32 v20, v17;
	v20 =	vor.u32 v3, v36;
	v32 =	vld.idx.msk [tilespmem:v40+s14+$0x0], $0xffff  }
0xda: {  	v12 =	vmul.f32 v12, v34;
	v15 =	vadd.f32 v18, v15;
	v18 =	vor.u32 v1, v36;
	v34 =	vld.idx.msk [tilespmem:v26+s14+$0x0], $0xffff  }
0xdb: {  	v19 =	vadd.f32 v28, v19;
	v17 =	vadd.f32 v21, v17;
	v21 =	vmul.f32 v24, v24;
	v26 =	vld.idx.msk [tilespmem:v26+s20+$0x0], $0xffff  }
0xdc: {  	v12 =	vadd.f32 v12, v15;
	v15 =	vmul.f32 v22, v16;
	v16 =	vmul.f32 v39, v39;
	v22 =	vld.idx.msk [tilespmem:v29+s14+$0x0], $0xffff  }
0xdd: {  	v14 =	vadd.f32 v14, v19;
	v17 =	vadd.f32 v21, v17;
	v19 =	vmul.f32 v23, v23;
	v21 =	vld.idx.msk [tilespmem:v29+s20+$0x0], $0xffff  }
0xde: {  	v12 =	vadd.f32 v15, v12;
	v15 =	vmul.f32 v24, v33;
	v24 =	vmul.f32 v25, v31;
	v28 =	vld.idx.msk [tilespmem:v20+s14+$0x0], $0xffff  }
0xdf: {  	v14 =	vadd.f32 v16, v14;
	v16 =	vadd.f32 v19, v17;
	v17 =	vmul.f32 v25, v25;
	v19 =	vld.idx.msk [tilespmem:v18+s14+$0x0], $0xffff  }
0xe0: {  	v12 =	vadd.f32 v15, v12;
	v15 =	vmul.f32 v23, v39;
	v23 =	vor.u32 v9, v36;
	v18 =	vld.idx.msk [tilespmem:v18+s20+$0x0], $0xffff  }
0xe1: {  	v25 =	vmul.f32 v13, v13;
	v14 =	vadd.f32 v30, v14;
	v16 =	vadd.f32 v17, v16;
	v17 =	vld.idx.msk [tilespmem:v20+s20+$0x0], $0xffff  }
0xe2: {  	s6 =	sadd.s32 $0x2, s23;
	v29 =	vmul.f32 v32, v32;
	v15 =	vadd.f32 v15, v12;
	v30 =	vmul.f32 v27, v27  }
0xe3: {  	v12 =	vmov s6;
	v31 =	vmul.f32 v26, v26;
	v20 =	vmul.f32 v34, v34  }
0xe4: {  	v33 =	vshll.u32 v12, $0x7;
	v35 =	vmul.f32 v22, v22;
	v36 =	vmul.f32 v21, v21;
	(xrf2) =	vadd.scan.msk.f32 $0xffff, v14  }
0xe5: {  	v41 =	vmul.f32 v28, v28;
	v14 =	vor.u32 v9, v33;
	v39 =	vmul.f32 v19, v19;
	v42 =	vld.idx.msk [tilespmem:v23+s14+$0x0], $0xffff  }
0xe6: {  	v15 =	vadd.f32 v24, v15;
	v19 =	vmul.f32 v18, v19;
	v18 =	vmul.f32 v18, v18;
	v24 =	vld.idx.msk [tilespmem:v23+s20+$0x0], $0xffff  }
0xe7: {  	v43 =	vor.u32 v8, v33;
	v23 =	vadd.f32 v41, v39;
	v39 =	vmul.f32 v17, v17;
	v40 =	vld.idx.msk [tilespmem:v40+s20+$0x0], $0xffff  }
0xe8: {  	v44 =	vor.u32 v7, v33;
	v17 =	vmul.f32 v17, v28;
	v19 =	vadd.f32 $0.0e+00, v19;
	v28 =	vld.idx.msk [tilespmem:v37+s20+$0x0], $0xffff;
	(xrf2) =	vadd.scan.msk.f32 $0xffff, v16  }
0xe9: {  	v37 =	vor.u32 v6, v33;
	v18 =	vadd.f32 v39, v18;
	v23 =	vadd.f32 v35, v23;
	v35 =	vld.idx.msk [tilespmem:v38+s20+$0x0], $0xffff  }
0xea: {  	v21 =	vmul.f32 v21, v22;
	v38 =	vor.u32 v5, v33;
	v39 =	vadd.f32 v17, v19;
	v16 =	vld.idx.msk [tilespmem:v14+s14+$0x0], $0xffff  }
0xeb: {  	v41 =	vor.u32 v4, v33;
	v36 =	vadd.f32 v36, v18;
	v18 =	vadd.f32 v20, v23;
	v17 =	vld.idx.msk [tilespmem:v14+s20+$0x0], $0xffff  }
0xec: {  	v26 =	vmul.f32 v26, v34;
	v22 =	vor.u32 v1, v33;
	v21 =	vadd.f32 v21, v39;
	v19 =	vld.idx.msk [tilespmem:v43+s14+$0x0], $0xffff  }
0xed: {  	v31 =	vadd.f32 v31, v36;
	v18 =	vadd.f32 v29, v18;
	v29 =	vmul.f32 v40, v40;
	v20 =	vld.idx.msk [tilespmem:v44+s14+$0x0], $0xffff  }
0xee: {  	v33 =	vor.u32 v3, v33;
	v32 =	vmul.f32 v40, v32;
	v21 =	vadd.f32 v26, v21;
	v23 =	vld.idx.msk [tilespmem:v37+s14+$0x0], $0xffff;
	v14, _, _ =	vpop (xrf2)  }
0xef: {  	v29 =	vadd.f32 v29, v31;
	v18 =	vadd.f32 v30, v18;
	v30 =	vmul.f32 v35, v35;
	v26 =	vld.idx.msk [tilespmem:v38+s14+$0x0], $0xffff  }
0xf0: {  	v27 =	vmul.f32 v35, v27;
	v31 =	vmul.f32 v42, v42;
	v21 =	vadd.f32 v32, v21;
	v34 =	vld.idx.msk [tilespmem:v41+s14+$0x0], $0xffff  }
0xf1: {  	v29 =	vadd.f32 v30, v29;
	v18 =	vadd.f32 v25, v18;
	v25 =	vmul.f32 v28, v28;
	v36 =	vld.idx.msk [tilespmem:v22+s14+$0x0], $0xffff  }
0xf2: {  	v13 =	vmul.f32 v28, v13;
	v21 =	vadd.f32 v27, v21;
	v30 =	vld.idx.msk [tilespmem:v22+s20+$0x0], $0xffff;
	(xrf2) =	vadd.scan.msk.f32 $0xffff, v15;
	v15, _, _ =	vpop (xrf2)  }
0xf3: {  	v27 =	vmul.f32 v24, v24;
	v25 =	vadd.f32 v25, v29;
	v18 =	vadd.f32 v31, v18;
	v39 =	vld.idx.msk [tilespmem:v33+s14+$0x0], $0xffff  }
0xf4: {  	v28 =	vmul.f32 v24, v42;
	v22 =	vmul.f32 v16, v16;
	v13 =	vadd.f32 v13, v21;
	v33 =	vld.idx.msk [tilespmem:v33+s20+$0x0], $0xffff  }
0xf5: {  	v24 =	vmul.f32 v19, v19;
	v21 =	vmul.f32 v17, v17;
	v25 =	vadd.f32 v27, v25;
	(xrf2) =	vadd.scan.msk.f32 $0xffff, v18  }
0xf6: {  	s6 =	sadd.s32 $0x1, s23;
	v29 =	vmul.f32 v23, v23;
	v27 =	vmul.f32 v20, v20;
	v18 =	vadd.f32 v28, v13;
	v42 =	vld.idx.msk [tilespmem:v41+s20+$0x0], $0xffff  }
0xf7: {  	v32 =	vmul.f32 v26, v26;
	v13 =	vmov s6;
	v45 =	vmul.f32 v34, v34  }
0xf8: {  	v28 =	vshll.u32 v13, $0x7;
	v40 =	vmul.f32 v36, v36;
	v41 =	vmul.f32 v30, v30;
	v35 =	vld.idx.msk [tilespmem:v38+s20+$0x0], $0xffff;
	(xrf2) =	vadd.scan.msk.f32 $0xffff, v25  }
.Ltmp1:
0xf9: {  	v30 =	vmul.f32 v30, v36;
	v25 =	vor.u32 v6, v28;
	v38 =	vmul.f32 v39, v39;
	(pc) =	sbr.rel @p0 .LBB2_4-.Ltmp1, $4  }
0xfa: {  	v31 =	vor.u32 v3, v28;
	v39 =	vmul.f32 v33, v39;
	v46 =	vmul.f32 v33, v33;
	v36 =	vld.idx.msk [tilespmem:v37+s20+$0x0], $0xffff  }
0xfb: {  	v33 =	vor.u32 v1, v28;
	v47 =	vadd.f32 $0.0e+00, v30;
	v38 =	vadd.f32 v38, v40;
	(xrf2) =	vadd.scan.msk.f32 $0xffff, v18  }
0xfc: {  	v30 =	vor.u32 v4, v28;
	v40 =	vadd.f32 v46, v41;
	v41 =	vmul.f32 v42, v42;
	v37 =	vld.idx.msk [tilespmem:v44+s20+$0x0], $0xffff;
	v18, _, _ =	vpop (xrf2)  }
0xfd: {  	s23 =	sadd.s32 $0x4, s23;
	v39 =	vadd.f32 v39, v47;
	v42 =	vmul.f32 v42, v34;
	v38 =	vadd.f32 v45, v38;
	v34 =	vld.idx.msk [tilespmem:v43+s20+$0x0], $0xffff  }
0xfe: {  	_ =	sdelay $0x3  }
0xff: {  	v40 =	vadd.f32 v41, v40;
	v59 =	vmul.f32 v35, v35;
	v63 =	vld.idx.msk [tilespmem:v33+s14+$0x0], $0xffff  }
0x100: {  	v26 =	vmul.f32 v35, v26;
	v60 =	vor.u32 v5, v28;
	v44 =	vld.idx.msk [tilespmem:v33+s20+$0x0], $0xffff;
	v45 =	vor.u32 v8, v28  }
0x101: {  	v46 =	vld.idx.msk [tilespmem:v31+s20+$0x0], $0xffff;
	v49 =	vor.u32 v9, v28;
	v16 =	vmul.f32 v17, v16;
	v39 =	vadd.f32 v42, v39  }
0x102: {  	v50 =	vld.idx.msk [tilespmem:v30+s20+$0x0], $0xffff;
	v32 =	vadd.f32 v32, v38;
	v62 =	vmul.f32 v36, v36;
	v23 =	vmul.f32 v36, v23  }
0x103: {  	v42 =	vld.idx.msk [tilespmem:v31+s14+$0x0], $0xffff;
	v36 =	vor.u32 v7, v28;
	v61 =	vadd.f32 v59, v40;
	v26 =	vadd.f32 v26, v39  }
0x104: {  	v29 =	vadd.f32 v29, v32;
	v43 =	vmul.f32 v37, v37;
	v20 =	vmul.f32 v37, v20  }
0x105: {  	v31 =	vld.idx.msk [tilespmem:v25+s14+$0x0], $0xffff;
	v40 =	vadd.f32 v62, v61;
	v19 =	vmul.f32 v34, v19;
	v48 =	vmul.f32 v34, v34  }
0x106: {  	v39 =	vld.idx.msk [tilespmem:v30+s14+$0x0], $0xffff;
	v23 =	vadd.f32 v23, v26;
	v51 =	vmul.f32 v63, v63;
	v56 =	vmul.f32 v44, v63  }
0x107: {  	v27 =	vadd.f32 v27, v29;
	v58 =	vmul.f32 v44, v44;
	v59 =	vmul.f32 v46, v46  }
0x108: {  	v53 =	vld.idx.msk [tilespmem:v60+s14+$0x0], $0xffff;
	v63 =	vmul.f32 v50, v50;
	v52 =	vmul.f32 v42, v42;
	v20 =	vadd.f32 v20, v23  }
0x109: {  	v54 =	vld.idx.msk [tilespmem:v60+s20+$0x0], $0xffff;
	v47 =	vadd.f32 v43, v40;
	v26 =	vmul.f32 v46, v42;
	v24 =	vadd.f32 v24, v27  }
0x10a: {  	v60 =	vld.idx.msk [tilespmem:v25+s20+$0x0], $0xffff;
	v43 =	vmul.f32 v31, v31;
	v27 =	vadd.f32 v52, v51;
	v19 =	vadd.f32 v19, v20  }
0x10b: {  	v61 =	vld.idx.msk [tilespmem:v45+s14+$0x0], $0xffff;
	v55 =	vmul.f32 v39, v39;
	v20 =	vadd.f32 v22, v24;
	v24 =	vadd.f32 $0.0e+00, v56  }
0x10c: {  	v57 =	vld.idx.msk [tilespmem:v36+s14+$0x0], $0xffff;
	v62 =	vadd.f32 v59, v58;
	v29 =	vadd.f32 v48, v47;
	v23 =	vmul.f32 v50, v39  }
0x10d: {  	v41 =	vld.idx.msk [tilespmem:v36+s20+$0x0], $0xffff;
	v22 =	vadd.f32 v55, v27;
	v40 =	vmul.f32 v53, v53;
	v24 =	vadd.f32 v26, v24  }
0x10e: {  	v21 =	vadd.f32 v21, v29;
	v27 =	vadd.f32 v63, v62;
	v44 =	vmul.f32 v54, v54  }
0x10f: {  	v45 =	vld.idx.msk [tilespmem:v45+s20+$0x0], $0xffff;
	v17 =	vmul.f32 v54, v53;
	v22 =	vadd.f32 v40, v22;
	v23 =	vadd.f32 v23, v24  }
0x110: {  	v42 =	vld.idx.msk [tilespmem:v49+s14+$0x0], $0xffff;
	v47 =	vmul.f32 v60, v60;
	v48 =	vmul.f32 v60, v31;
	v27 =	vadd.f32 v44, v27  }
0x111: {  	v28 =	vld.idx.msk [tilespmem:v49+s20+$0x0], $0xffff;
	v46 =	vmul.f32 v57, v57;
	v22 =	vadd.f32 v43, v22;
	v17 =	vadd.f32 v17, v23  }
0x112: {  	v49 =	vmul.f32 v61, v61;
	v50 =	vmul.f32 v41, v41;
	v27 =	vadd.f32 v47, v27  }
0x113: {  	v51 =	vmul.f32 v41, v57;
	v22 =	vadd.f32 v46, v22;
	v17 =	vadd.f32 v48, v17  }
0x114: {  	v53 =	vmul.f32 v45, v45;
	v54 =	vmul.f32 v45, v61;
	v27 =	vadd.f32 v50, v27  }
0x115: {  	v52 =	vmul.f32 v42, v42;
	v22 =	vadd.f32 v49, v22;
	v17 =	vadd.f32 v51, v17  }
0x116: {  	v56 =	vmul.f32 v28, v28;
	v16 =	vadd.f32 v16, v19;
	(xrf2) =	vadd.scan.msk.f32 $0xffff, v20;
	v55 =	vadd.f32 v53, v27  }
0x117: {  	v58 =	vmul.f32 v28, v42;
	(xrf2) =	vadd.scan.msk.f32 $0xffff, v21;
	v57 =	vadd.f32 v52, v22;
	v17 =	vadd.f32 v54, v17  }
0x118: {  	(xrf2) =	vadd.scan.msk.f32 $0xffff, v16;
	v59 =	vadd.f32 v56, v55  }
0x119: {  	(xrf2) =	vadd.scan.msk.f32 $0xffff, v57;
	v17 =	vadd.f32 v58, v17  }
0x11a: {  	(xrf2) =	vadd.scan.msk.f32 $0xffff, v59  }
0x11b: {  	(xrf2) =	vadd.scan.msk.f32 $0xffff, v17  }
0x11c: {  	[tilespmem:v10+s0+$0x0] =	vst.idx.msk vm0, v14  }
0x11d: {  	[tilespmem:v10+s2+$0x0] =	vst.idx.msk vm0, v18;
	v60, _, _ =	vpop (xrf2)  }
0x11e: {  	[tilespmem:v10+s22+$0x0] =	vst.idx.msk vm0, v15;
	v61, _, _ =	vpop (xrf2)  }
0x11f: {  	[tilespmem:v11+s0+$0x0] =	vst.idx.msk vm0, v60;
	v10, _, _ =	vpop (xrf2)  }
0x120: {  	[tilespmem:v11+s2+$0x0] =	vst.idx.msk vm0, v10;
	v62, _, _ =	vpop (xrf2)  }
0x121: {  	[tilespmem:v11+s22+$0x0] =	vst.idx.msk vm0, v61;
	v10, _, _ =	vpop (xrf2)  }
0x122: {  	[tilespmem:v12+s0+$0x0] =	vst.idx.msk vm0, v62;
	v11, _, _ =	vpop (xrf2)  }
0x123: {  	[tilespmem:v12+s2+$0x0] =	vst.idx.msk vm0, v11;
	v63, _, _ =	vpop (xrf2)  }
0x124: {  	[tilespmem:v12+s22+$0x0] =	vst.idx.msk vm0, v10;
	v11, _, _ =	vpop (xrf2)  }
0x125: {  	[tilespmem:v13+s0+$0x0] =	vst.idx.msk vm0, v63;
	v10, _, _ =	vpop (xrf2)  }
0x126: {  	[tilespmem:v13+s2+$0x0] =	vst.idx.msk vm0, v10  }
0x127: {  	s23 =	simm.s32 $0x0;
	[tilespmem:v13+s22+$0x0] =	vst.idx.msk vm0, v11  }
0x128: {  	[tilespmem:s14], [sflag:$0x5] =	stream.linear.gather [hbm4b:s10+s23], $0x4000, $0x38;
	[tilespmem:$0x1BFF0] =	vst v63  }
0x129: {  	_ =	swait.ge [sflag:s24], $0x4000  }
0x12a: {  	[sflag:s24] =	ssyncset.done $0x0  }
0x12b: {  	[sflag:s24] =	ssyncadd.s32 $0xFFFFC000  }
0x12c: {  	_ =	swait.ge [sflag:s28], $0x4000  }
0x12d: {  	[sflag:s28] =	ssyncset.done $0x0  }
0x12e: {  	[sflag:s28] =	ssyncadd.s32 $0xFFFFC000  }
.LBB2_6:
0x12f: {  	s25 =	sshll.u32 s23, $0x7  }
0x130: {  	v11 =	vor.u32 s25, v1  }
0x131: {  	v14 =	vor.u32 s25, v3  }
0x132: {  	v16 =	vor.u32 s25, v4  }
0x133: {  	v18 =	vor.u32 s25, v5  }
0x134: {  	s6 =	sadd.s32 $0x80, s23;
	v21 =	vor.u32 s25, v6  }
0x135: {  	v10 =	vmov s6;
	v24 =	vor.u32 s25, v8;
	s7 =	sadd.s32 $0x80, s25;
	v11 =	vld.idx.msk [tilespmem:v11+s15+$0x0], $0xffff  }
0x136: {  	v12 =	vshll.u32 v10, $0x7;
	v25 =	vor.u32 s7, v1;
	v14 =	vld.idx.msk [tilespmem:v14+s15+$0x0], $0xffff  }
0x137: {  	v13 =	vor.u32 v1, v12;
	v16 =	vld.idx.msk [tilespmem:v16+s15+$0x0], $0xffff  }
0x138: {  	v15 =	vor.u32 v3, v12;
	v18 =	vld.idx.msk [tilespmem:v18+s15+$0x0], $0xffff  }
0x139: {  	v17 =	vor.u32 v4, v12;
	v53 =	vld.idx.msk [tilespmem:v21+s15+$0x0], $0xffff  }
0x13a: {  	v19 =	vor.u32 v5, v12;
	v24 =	vld.idx.msk [tilespmem:v24+s15+$0x0], $0xffff  }
0x13b: {  	v23 =	vor.u32 v6, v12;
	v25 =	vld.idx.msk [tilespmem:v25+s15+$0x0], $0xffff  }
0x13c: {  	v54 =	vor.u32 v7, v12;
	v57 =	vor.u32 v8, v12;
	v12 =	vor.u32 v9, v12;
	v13 =	vld.idx.msk [tilespmem:v13+s20+$0x0], $0xffff  }
0x13d: {  	v32 =	vor.u32 s7, v4;
	v15 =	vld.idx.msk [tilespmem:v15+s20+$0x0], $0xffff  }
0x13e: {  	v51 =	vor.u32 s25, v7;
	v59 =	vor.u32 s25, v9;
	v17 =	vld.idx.msk [tilespmem:v17+s20+$0x0], $0xffff  }
0x13f: {  	v63 =	vor.u32 s7, v3;
	v19 =	vld.idx.msk [tilespmem:v19+s20+$0x0], $0xffff;
	v20 =	vmul.f32 v11, v11;
	v22 =	vmul.f32 v14, v14  }
0x140: {  	v37 =	vor.u32 s7, v5;
	v23 =	vld.idx.msk [tilespmem:v23+s20+$0x0], $0xffff;
	v50 =	vmul.f32 v16, v16;
	v55 =	vmul.f32 v18, v18  }
0x141: {  	v42 =	vor.u32 s7, v6;
	v27 =	vld.idx.msk [tilespmem:v12+s20+$0x0], $0xffff;
	v60 =	vmul.f32 v53, v53;
	v33 =	vmul.f32 v24, v24  }
0x142: {  	v46 =	vor.u32 s7, v7;
	v12 =	vld.idx.msk [tilespmem:v32+s15+$0x0], $0xffff;
	v11 =	vmul.f32 v13, v11;
	v13 =	vmul.f32 v13, v13  }
0x143: {  	v21 =	vld.idx.msk [tilespmem:v54+s20+$0x0], $0xffff;
	v54 =	vor.u32 s7, v9;
	v14 =	vmul.f32 v15, v14;
	v15 =	vmul.f32 v15, v15  }
0x144: {  	v56 =	vmul.f32 v19, v18;
	v58 =	vmul.f32 v19, v19;
	v19 =	vld.idx.msk [tilespmem:v59+s15+$0x0], $0xffff;
	v11 =	vadd.f32 $0.0e+00, v11  }
0x145: {  	v40 =	vmul.f32 v25, v25;
	v20 =	vadd.f32 v22, v20;
	v16 =	vmul.f32 v17, v16  }
0x146: {  	v17 =	vmul.f32 v17, v17;
	v13 =	vadd.f32 v15, v13;
	v11 =	vadd.f32 v14, v11  }
0x147: {  	v61 =	vmul.f32 v23, v23;
	v45 =	vmul.f32 v12, v12;
	v52 =	vadd.f32 v50, v20  }
0x148: {  	v20 =	vmul.f32 v23, v53;
	v13 =	vadd.f32 v17, v13;
	v11 =	vadd.f32 v16, v11  }
0x149: {  	s8 =	sadd.s32 $0x81, s23;
	v15 =	vadd.f32 v55, v52;
	v14 =	vld.idx.msk [tilespmem:v51+s15+$0x0], $0xffff;
	v51 =	vor.u32 s7, v8;
	v38 =	vmul.f32 v19, v19  }
0x14a: {  	v23 =	vld.idx.msk [tilespmem:v37+s15+$0x0], $0xffff;
	s7 =	sadd.s32 $0x100, s25;
	v39 =	vmul.f32 v27, v19;
	v16 =	vadd.f32 v56, v11;
	v11 =	vmov s8  }
0x14b: {  	v17 =	vld.idx.msk [tilespmem:v57+s20+$0x0], $0xffff;
	v57 =	vor.u32 s7, v1;
	v13 =	vadd.f32 v58, v13;
	v26 =	vshll.u32 v11, $0x7  }
0x14c: {  	v27 =	vmul.f32 v27, v27;
	v15 =	vadd.f32 v60, v15;
	v62 =	vor.u32 v1, v26  }
0x14d: {  	v58 =	vor.u32 s7, v3;
	v13 =	vadd.f32 v61, v13;
	v31 =	vor.u32 v3, v26  }
0x14e: {  	v47 =	vld.idx.msk [tilespmem:v42+s15+$0x0], $0xffff;
	v30 =	vmul.f32 v14, v14;
	v14 =	vmul.f32 v21, v14;
	v35 =	vor.u32 v4, v26  }
0x14f: {  	v21 =	vmul.f32 v21, v21;
	v16 =	vadd.f32 v20, v16;
	v20 =	vld.idx.msk [tilespmem:v63+s15+$0x0], $0xffff;
	v28 =	vor.u32 v5, v26  }
0x150: {  	v59 =	vld.idx.msk [tilespmem:v54+s15+$0x0], $0xffff;
	v49 =	vmul.f32 v23, v23;
	v29 =	vor.u32 v6, v26;
	v15 =	vadd.f32 v30, v15  }
0x151: {  	v36 =	vmul.f32 v17, v24;
	v17 =	vmul.f32 v17, v17;
	v13 =	vadd.f32 v21, v13;
	v34 =	vld.idx.msk [tilespmem:v62+s20+$0x0], $0xffff  }
0x152: {  	v48 =	vor.u32 v7, v26;
	v14 =	vadd.f32 v14, v16;
	v15 =	vadd.f32 v33, v15;
	v22 =	vld.idx.msk [tilespmem:v31+s20+$0x0], $0xffff  }
0x153: {  	v53 =	vor.u32 v8, v26;
	v55 =	vor.u32 v9, v26;
	v17 =	vadd.f32 v17, v13;
	v21 =	vld.idx.msk [tilespmem:v35+s20+$0x0], $0xffff  }
0x154: {  	v14 =	vadd.f32 v36, v14;
	v13 =	vadd.f32 v38, v15;
	v43 =	vmul.f32 v20, v20;
	v28 =	vld.idx.msk [tilespmem:v28+s20+$0x0], $0xffff  }
0x155: {  	v50 =	vld.idx.msk [tilespmem:v29+s20+$0x0], $0xffff;
	v31 =	vmul.f32 v47, v47;
	v62 =	vor.u32 s7, v4;
	v17 =	vadd.f32 v27, v17  }
0x156: {  	v44 =	vadd.f32 v43, v40;
	v40 =	vmul.f32 v59, v59;
	v41 =	vmul.f32 v34, v25  }
0x157: {  	v37 =	vld.idx.msk [tilespmem:v58+s15+$0x0], $0xffff;
	v14 =	vadd.f32 v39, v14;
	v16 =	vmul.f32 v34, v34;
	v20 =	vmul.f32 v22, v20  }
0x158: {  	v29 =	vld.idx.msk [tilespmem:v51+s15+$0x0], $0xffff;
	v15 =	vadd.f32 v45, v44;
	v22 =	vmul.f32 v22, v22;
	v12 =	vmul.f32 v21, v12  }
0x159: {  	v21 =	vmul.f32 v21, v21;
	v52 =	vmul.f32 v28, v23;
	v23 =	vld.idx.msk [tilespmem:v53+s20+$0x0], $0xffff;
	v19 =	vadd.f32 $0.0e+00, v41  }
0x15a: {  	v39 =	vor.u32 s7, v5;
	v56 =	vmul.f32 v28, v28;
	v18 =	vmul.f32 v50, v47  }
0x15b: {  	v28 =	vld.idx.msk [tilespmem:v57+s15+$0x0], $0xffff;
	v47 =	vor.u32 s7, v6;
	v15 =	vadd.f32 v49, v15;
	v19 =	vadd.f32 v20, v19  }
0x15c: {  	v25 =	vmul.f32 v50, v50;
	v50 =	vor.u32 s7, v7;
	v16 =	vadd.f32 v22, v16;
	v22 =	vld.idx.msk [tilespmem:v48+s20+$0x0], $0xffff  }
0x15d: {  	v63 =	vmul.f32 v29, v29;
	v41 =	vld.idx.msk [tilespmem:v62+s15+$0x0], $0xffff;
	v15 =	vadd.f32 v31, v15;
	v12 =	vadd.f32 v12, v19  }
0x15e: {  	s8 =	sadd.s32 $0x82, s23;
	v16 =	vadd.f32 v21, v16;
	v20 =	vld.idx.msk [tilespmem:v46+s15+$0x0], $0xffff;
	v46 =	vmul.f32 v37, v37;
	v36 =	vmul.f32 v23, v29  }
0x15f: {  	v24 =	vld.idx.msk [tilespmem:v55+s20+$0x0], $0xffff;
	v38 =	vmul.f32 v23, v23;
	v19 =	vadd.f32 v52, v12;
	v12 =	vmov s8  }
0x160: {  	s25 =	sadd.s32 $0x180, s25;
	v45 =	vmul.f32 v28, v28;
	v53 =	vld.idx.msk [tilespmem:v47+s15+$0x0], $0xffff;
	v16 =	vadd.f32 v56, v16;
	v30 =	vshll.u32 v12, $0x7  }
0x161: {  	v57 =	vld.idx.msk [tilespmem:v50+s15+$0x0], $0xffff;
	v47 =	vor.u32 s25, v5;
	v50 =	vor.u32 s25, v6;
	v32 =	vor.u32 v1, v30  }
0x162: {  	v23 =	vld.idx.msk [tilespmem:v39+s15+$0x0], $0xffff;
	v56 =	vor.u32 s7, v8;
	v51 =	vmul.f32 v41, v41;
	v16 =	vadd.f32 v25, v16  }
0x163: {  	v60 =	vmul.f32 v20, v20;
	v20 =	vmul.f32 v22, v20;
	v61 =	vor.u32 v3, v30  }
0x164: {  	v22 =	vmul.f32 v22, v22;
	v18 =	vadd.f32 v18, v19;
	v33 =	vor.u32 v4, v30  }
0x165: {  	v19 =	vmul.f32 v24, v59;
	v42 =	vor.u32 v5, v30;
	v15 =	vadd.f32 v60, v15  }
0x166: {  	v49 =	vor.u32 v6, v30;
	v34 =	vor.u32 v7, v30;
	v24 =	vmul.f32 v24, v24;
	v32 =	vld.idx.msk [tilespmem:v32+s20+$0x0], $0xffff  }
0x167: {  	v54 =	vmul.f32 v23, v23;
	v16 =	vadd.f32 v22, v16;
	v15 =	vadd.f32 v63, v15;
	v63 =	vld.idx.msk [tilespmem:v56+s15+$0x0], $0xffff  }
0x168: {  	v58 =	vor.u32 v8, v30;
	v59 =	vor.u32 s7, v9;
	v18 =	vadd.f32 v20, v18;
	v25 =	vld.idx.msk [tilespmem:v61+s20+$0x0], $0xffff  }
0x169: {  	v62 =	vmul.f32 v53, v53;
	v30 =	vor.u32 v9, v30;
	v21 =	vadd.f32 v38, v16  }
0x16a: {  	v20 =	vadd.f32 v36, v18;
	v18 =	vadd.f32 v40, v15;
	v44 =	vld.idx.msk [tilespmem:v33+s20+$0x0], $0xffff;
	v61 =	vor.u32 s25, v1  }
0x16b: {  	v27 =	vld.idx.msk [tilespmem:v42+s20+$0x0], $0xffff;
	v40 =	vmul.f32 v57, v57;
	v21 =	vadd.f32 v24, v21;
	v43 =	vmul.f32 v32, v28  }
0x16c: {  	v16 =	vadd.f32 v19, v20;
	v20 =	vadd.f32 v46, v45;
	v46 =	vmul.f32 v63, v63  }
0x16d: {  	v55 =	vld.idx.msk [tilespmem:v49+s20+$0x0], $0xffff;
	v22 =	vmul.f32 v25, v37;
	v37 =	vor.u32 s25, v3;
	v15 =	vadd.f32 $0.0e+00, v43  }
0x16e: {  	v20 =	vadd.f32 v51, v20;
	v48 =	vmul.f32 v32, v32;
	v25 =	vmul.f32 v25, v25  }
0x16f: {  	v60 =	vld.idx.msk [tilespmem:v34+s20+$0x0], $0xffff;
	v52 =	vmul.f32 v44, v41;
	v19 =	vmul.f32 v44, v44;
	v15 =	vadd.f32 v22, v15  }
0x170: {  	s8 =	sadd.s32 $0x83, s23;
	v20 =	vadd.f32 v54, v20;
	v23 =	vmul.f32 v27, v23;
	v27 =	vmul.f32 v27, v27  }
0x171: {  	v42 =	vld.idx.msk [tilespmem:v61+s15+$0x0], $0xffff;
	v25 =	vadd.f32 v25, v48;
	v22 =	vadd.f32 v52, v15;
	v15 =	vmov s8  }
0x172: {  	v26 =	vmul.f32 v55, v53;
	v43 =	vor.u32 s25, v4;
	v31 =	vld.idx.msk [tilespmem:v37+s15+$0x0], $0xffff;
	v35 =	vshll.u32 v15, $0x7  }
0x173: {  	v38 =	vmul.f32 v55, v55;
	v32 =	vld.idx.msk [tilespmem:v59+s15+$0x0], $0xffff;
	v19 =	vadd.f32 v19, v25;
	v36 =	vor.u32 v1, v35  }
0x174: {  	v28 =	vld.idx.msk [tilespmem:v58+s20+$0x0], $0xffff;
	v41 =	vmul.f32 v60, v60;
	v54 =	vor.u32 s25, v8;
	v20 =	vadd.f32 v62, v20  }
0x175: {  	v59 =	vor.u32 s25, v9;
	v19 =	vadd.f32 v27, v19;
	v39 =	vor.u32 v3, v35  }
0x176: {  	v30 =	vld.idx.msk [tilespmem:v30+s20+$0x0], $0xffff;
	v25 =	vmul.f32 v60, v57;
	v20 =	vadd.f32 v40, v20;
	v45 =	vor.u32 v4, v35  }
0x177: {  	v33 =	vmul.f32 v42, v42;
	v49 =	vld.idx.msk [tilespmem:v43+s15+$0x0], $0xffff;
	v19 =	vadd.f32 v38, v19;
	v38 =	vmul.f32 v31, v31  }
0x178: {  	v51 =	vmul.f32 v32, v32;
	v22 =	vadd.f32 v23, v22;
	v48 =	vor.u32 v5, v35;
	v44 =	vld.idx.msk [tilespmem:v36+s20+$0x0], $0xffff  }
0x179: {  	v27 =	vmul.f32 v28, v63;
	v37 =	vor.u32 v6, v35;
	v33 =	vadd.f32 v38, v33;
	v38 =	vld.idx.msk [tilespmem:v54+s15+$0x0], $0xffff  }
0x17a: {  	v28 =	vmul.f32 v28, v28;
	v20 =	vadd.f32 v46, v20;
	v22 =	vadd.f32 v26, v22;
	v29 =	vld.idx.msk [tilespmem:v39+s20+$0x0], $0xffff  }
0x17b: {  	v40 =	vor.u32 v7, v35;
	v56 =	vor.u32 v8, v35;
	v19 =	vadd.f32 v41, v19;
	v26 =	vld.idx.msk [tilespmem:v45+s20+$0x0], $0xffff  }
0x17c: {  	v35 =	vor.u32 v9, v35;
	v22 =	vadd.f32 v25, v22;
	v39 =	vor.u32 s25, v7;
	v36 =	vld.idx.msk [tilespmem:v47+s15+$0x0], $0xffff  }
0x17d: {  	v20 =	vadd.f32 v51, v20;
	v19 =	vadd.f32 v28, v19;
	v23 =	vld.idx.msk [tilespmem:v48+s20+$0x0], $0xffff;
	v52 =	vmul.f32 v44, v42  }
0x17e: {  	v53 =	vmul.f32 v49, v49;
	v55 =	vld.idx.msk [tilespmem:v37+s20+$0x0], $0xffff;
	v22 =	vadd.f32 v27, v22;
	v51 =	vmul.f32 v38, v38  }
0x17f: {  	v27 =	vld.idx.msk [tilespmem:v50+s15+$0x0], $0xffff;
	v31 =	vmul.f32 v29, v31;
	v25 =	vmul.f32 v44, v44;
	v34 =	vadd.f32 $0.0e+00, v52  }
0x180: {  	v61 =	vld.idx.msk [tilespmem:v40+s20+$0x0], $0xffff;
	v57 =	vadd.f32 v53, v33;
	v29 =	vmul.f32 v29, v29;
	v24 =	vmul.f32 v26, v49  }
0x181: {  	v26 =	vmul.f32 v26, v26;
	v58 =	vld.idx.msk [tilespmem:v39+s15+$0x0], $0xffff;
	v60 =	vmul.f32 v36, v36;
	v31 =	vadd.f32 v31, v34  }
0x182: {  	v41 =	vld.idx.msk [tilespmem:v56+s20+$0x0], $0xffff;
	v63 =	vmul.f32 v23, v36;
	v23 =	vmul.f32 v23, v23;
	v25 =	vadd.f32 v29, v25  }
0x183: {  	(xrf2) =	vadd.scan.msk.f32 $0xffff, v13;
	v42 =	vmul.f32 v30, v32;
	v43 =	vmul.f32 v55, v55;
	v24 =	vadd.f32 v24, v31  }
0x184: {  	(xrf2) =	vadd.scan.msk.f32 $0xffff, v14;
	v36 =	vmul.f32 v27, v27;
	v13 =	vadd.f32 v60, v57;
	v62 =	vadd.f32 v26, v25  }
0x185: {  	v44 =	vld.idx.msk [tilespmem:v59+s15+$0x0], $0xffff;
	v49 =	vmul.f32 v61, v61;
	v40 =	vmul.f32 v55, v27;
	v24 =	vadd.f32 v63, v24  }
0x186: {  	v47 =	vld.idx.msk [tilespmem:v35+s20+$0x0], $0xffff;
	v13 =	vadd.f32 v36, v13;
	v45 =	vmul.f32 v58, v58;
	v14 =	vadd.f32 v23, v62  }
0x187: {  	(xrf2) =	vadd.scan.msk.f32 $0xffff, v17;
	v53 =	vmul.f32 v41, v38;
	v46 =	vmul.f32 v61, v58;
	v23 =	vadd.f32 v40, v24  }
0x188: {  	(xrf2) =	vadd.scan.msk.f32 $0xffff, v18;
	v54 =	vmul.f32 v41, v41;
	v13 =	vadd.f32 v45, v13;
	v14 =	vadd.f32 v43, v14  }
0x189: {  	(xrf2) =	vadd.scan.msk.f32 $0xffff, v16;
	v48 =	vadd.f32 v42, v22;
	v52 =	vmul.f32 v30, v30;
	v50 =	vadd.f32 v46, v23  }
0x18a: {  	(xrf2) =	vadd.scan.msk.f32 $0xffff, v21;
	v55 =	vmul.f32 v44, v44;
	v13 =	vadd.f32 v51, v13;
	v14 =	vadd.f32 v49, v14  }
0x18b: {  	(xrf2) =	vadd.scan.msk.f32 $0xffff, v20;
	v16 =	vadd.f32 v52, v19;
	v56 =	vmul.f32 v47, v44;
	v18 =	vadd.f32 v53, v50  }
0x18c: {  	v57 =	vmul.f32 v47, v47;
	(xrf2) =	vadd.scan.msk.f32 $0xffff, v48;
	v13 =	vadd.f32 v55, v13;
	v14 =	vadd.f32 v54, v14  }
0x18d: {  	(xrf2) =	vadd.scan.msk.f32 $0xffff, v16;
	v58 =	vadd.f32 v56, v18  }
0x18e: {  	(xrf2) =	vadd.scan.msk.f32 $0xffff, v13;
	v14 =	vadd.f32 v57, v14  }
0x18f: {  	v59, _, _ =	vpop (xrf2);
	(xrf2) =	vadd.scan.msk.f32 $0xffff, v58  }
0x190: {  	[tilespmem:v10+s0+$0x0] =	vst.idx.msk vm0, v59;
	v60, _, _ =	vpop (xrf2);
	(xrf2) =	vadd.scan.msk.f32 $0xffff, v14  }
0x191: {  	v61, _, _ =	vpop (xrf2);
	[tilespmem:v10+s2+$0x0] =	vst.idx.msk vm0, v60  }
0x192: {  	[tilespmem:v10+s22+$0x0] =	vst.idx.msk vm0, v61;
	v62, _, _ =	vpop (xrf2)  }
0x193: {  	v10, _, _ =	vpop (xrf2);
	[tilespmem:v11+s0+$0x0] =	vst.idx.msk vm0, v62  }
0x194: {  	v63, _, _ =	vpop (xrf2);
	[tilespmem:v11+s2+$0x0] =	vst.idx.msk vm0, v10  }
0x195: {  	v10, _, _ =	vpop (xrf2);
	[tilespmem:v11+s22+$0x0] =	vst.idx.msk vm0, v63  }
0x196: {  	p0 =	slt.u32 s23, $0x7C;
	[tilespmem:v12+s0+$0x0] =	vst.idx.msk vm0, v10;
	v11, _, _ =	vpop (xrf2)  }
.Ltmp2:
0x197: {  	[tilespmem:v12+s2+$0x0] =	vst.idx.msk vm0, v11;
	v10, _, _ =	vpop (xrf2);
	(pc) =	sbr.rel @p0 .LBB2_6-.Ltmp2, $4  }
0x198: {  	[tilespmem:v12+s22+$0x0] =	vst.idx.msk vm0, v10;
	v11, _, _ =	vpop (xrf2)  }
0x199: {  	[tilespmem:v15+s0+$0x0] =	vst.idx.msk vm0, v11;
	v10, _, _ =	vpop (xrf2)  }
0x19a: {  	[tilespmem:v15+s2+$0x0] =	vst.idx.msk vm0, v10;
	v10, _, _ =	vpop (xrf2)  }
0x19b: {  	s23 =	sadd.s32 $0x4, s23;
	[tilespmem:v15+s22+$0x0] =	vst.idx.msk vm0, v10  }
0x19c: {  	s23 =	simm.s32 $0x0  }
0x19d: {  	[tilespmem:s15], [sflag:$0x6] =	stream.linear.gather [hbm4b:s11+s23], $0x4000, $0x38;
	[tilespmem:$0x1BFF0] =	vst v63  }
0x19e: {  	_ =	swait.ge [sflag:s26], $0x4000  }
0x19f: {  	[sflag:s26] =	ssyncset.done $0x0  }
0x1a0: {  	[sflag:s26] =	ssyncadd.s32 $0xFFFFC000  }
0x1a1: {  	_ =	swait.ge [sflag:s28], $0x4000  }
0x1a2: {  	[sflag:s28] =	ssyncset.done $0x0  }
0x1a3: {  	[sflag:s28] =	ssyncadd.s32 $0xFFFFC000  }
.LBB2_8:
0x1a4: {  	s25 =	sshll.u32 s23, $0x7  }
0x1a5: {  	v11 =	vor.u32 s25, v1  }
0x1a6: {  	v14 =	vor.u32 s25, v3  }
0x1a7: {  	v16 =	vor.u32 s25, v4  }
0x1a8: {  	v18 =	vor.u32 s25, v5  }
0x1a9: {  	s6 =	sadd.s32 $0x100, s23;
	v21 =	vor.u32 s25, v6  }
0x1aa: {  	v10 =	vmov s6;
	v24 =	vor.u32 s25, v8;
	s7 =	sadd.s32 $0x80, s25;
	v11 =	vld.idx.msk [tilespmem:v11+s14+$0x0], $0xffff  }
0x1ab: {  	v12 =	vshll.u32 v10, $0x7;
	v25 =	vor.u32 s7, v1;
	v14 =	vld.idx.msk [tilespmem:v14+s14+$0x0], $0xffff  }
0x1ac: {  	v13 =	vor.u32 v1, v12;
	v16 =	vld.idx.msk [tilespmem:v16+s14+$0x0], $0xffff  }
0x1ad: {  	v15 =	vor.u32 v3, v12;
	v18 =	vld.idx.msk [tilespmem:v18+s14+$0x0], $0xffff  }
0x1ae: {  	v17 =	vor.u32 v4, v12;
	v53 =	vld.idx.msk [tilespmem:v21+s14+$0x0], $0xffff  }
0x1af: {  	v19 =	vor.u32 v5, v12;
	v24 =	vld.idx.msk [tilespmem:v24+s14+$0x0], $0xffff  }
0x1b0: {  	v23 =	vor.u32 v6, v12;
	v25 =	vld.idx.msk [tilespmem:v25+s14+$0x0], $0xffff  }
0x1b1: {  	v54 =	vor.u32 v7, v12;
	v57 =	vor.u32 v8, v12;
	v12 =	vor.u32 v9, v12;
	v13 =	vld.idx.msk [tilespmem:v13+s20+$0x0], $0xffff  }
0x1b2: {  	v32 =	vor.u32 s7, v4;
	v15 =	vld.idx.msk [tilespmem:v15+s20+$0x0], $0xffff  }
0x1b3: {  	v51 =	vor.u32 s25, v7;
	v59 =	vor.u32 s25, v9;
	v17 =	vld.idx.msk [tilespmem:v17+s20+$0x0], $0xffff  }
0x1b4: {  	v63 =	vor.u32 s7, v3;
	v19 =	vld.idx.msk [tilespmem:v19+s20+$0x0], $0xffff;
	v20 =	vmul.f32 v11, v11;
	v22 =	vmul.f32 v14, v14  }
0x1b5: {  	v37 =	vor.u32 s7, v5;
	v23 =	vld.idx.msk [tilespmem:v23+s20+$0x0], $0xffff;
	v50 =	vmul.f32 v16, v16;
	v55 =	vmul.f32 v18, v18  }
0x1b6: {  	v42 =	vor.u32 s7, v6;
	v27 =	vld.idx.msk [tilespmem:v12+s20+$0x0], $0xffff;
	v60 =	vmul.f32 v53, v53;
	v33 =	vmul.f32 v24, v24  }
0x1b7: {  	v46 =	vor.u32 s7, v7;
	v12 =	vld.idx.msk [tilespmem:v32+s14+$0x0], $0xffff;
	v11 =	vmul.f32 v13, v11;
	v13 =	vmul.f32 v13, v13  }
0x1b8: {  	v21 =	vld.idx.msk [tilespmem:v54+s20+$0x0], $0xffff;
	v54 =	vor.u32 s7, v9;
	v14 =	vmul.f32 v15, v14;
	v15 =	vmul.f32 v15, v15  }
0x1b9: {  	v56 =	vmul.f32 v19, v18;
	v58 =	vmul.f32 v19, v19;
	v19 =	vld.idx.msk [tilespmem:v59+s14+$0x0], $0xffff;
	v11 =	vadd.f32 $0.0e+00, v11  }
0x1ba: {  	v40 =	vmul.f32 v25, v25;
	v20 =	vadd.f32 v22, v20;
	v16 =	vmul.f32 v17, v16  }
0x1bb: {  	v17 =	vmul.f32 v17, v17;
	v13 =	vadd.f32 v15, v13;
	v11 =	vadd.f32 v14, v11  }
0x1bc: {  	v61 =	vmul.f32 v23, v23;
	v45 =	vmul.f32 v12, v12;
	v52 =	vadd.f32 v50, v20  }
0x1bd: {  	v20 =	vmul.f32 v23, v53;
	v13 =	vadd.f32 v17, v13;
	v11 =	vadd.f32 v16, v11  }
0x1be: {  	s8 =	sadd.s32 $0x101, s23;
	v15 =	vadd.f32 v55, v52;
	v14 =	vld.idx.msk [tilespmem:v51+s14+$0x0], $0xffff;
	v51 =	vor.u32 s7, v8;
	v38 =	vmul.f32 v19, v19  }
0x1bf: {  	v23 =	vld.idx.msk [tilespmem:v37+s14+$0x0], $0xffff;
	s7 =	sadd.s32 $0x100, s25;
	v39 =	vmul.f32 v27, v19;
	v16 =	vadd.f32 v56, v11;
	v11 =	vmov s8  }
0x1c0: {  	v17 =	vld.idx.msk [tilespmem:v57+s20+$0x0], $0xffff;
	v57 =	vor.u32 s7, v1;
	v13 =	vadd.f32 v58, v13;
	v26 =	vshll.u32 v11, $0x7  }
0x1c1: {  	v27 =	vmul.f32 v27, v27;
	v15 =	vadd.f32 v60, v15;
	v62 =	vor.u32 v1, v26  }
0x1c2: {  	v58 =	vor.u32 s7, v3;
	v13 =	vadd.f32 v61, v13;
	v31 =	vor.u32 v3, v26  }
0x1c3: {  	v47 =	vld.idx.msk [tilespmem:v42+s14+$0x0], $0xffff;
	v30 =	vmul.f32 v14, v14;
	v14 =	vmul.f32 v21, v14;
	v35 =	vor.u32 v4, v26  }
0x1c4: {  	v21 =	vmul.f32 v21, v21;
	v16 =	vadd.f32 v20, v16;
	v20 =	vld.idx.msk [tilespmem:v63+s14+$0x0], $0xffff;
	v28 =	vor.u32 v5, v26  }
0x1c5: {  	v59 =	vld.idx.msk [tilespmem:v54+s14+$0x0], $0xffff;
	v49 =	vmul.f32 v23, v23;
	v29 =	vor.u32 v6, v26;
	v15 =	vadd.f32 v30, v15  }
0x1c6: {  	v36 =	vmul.f32 v17, v24;
	v17 =	vmul.f32 v17, v17;
	v13 =	vadd.f32 v21, v13;
	v34 =	vld.idx.msk [tilespmem:v62+s20+$0x0], $0xffff  }
0x1c7: {  	v48 =	vor.u32 v7, v26;
	v14 =	vadd.f32 v14, v16;
	v15 =	vadd.f32 v33, v15;
	v22 =	vld.idx.msk [tilespmem:v31+s20+$0x0], $0xffff  }
0x1c8: {  	v53 =	vor.u32 v8, v26;
	v55 =	vor.u32 v9, v26;
	v17 =	vadd.f32 v17, v13;
	v21 =	vld.idx.msk [tilespmem:v35+s20+$0x0], $0xffff  }
0x1c9: {  	v14 =	vadd.f32 v36, v14;
	v13 =	vadd.f32 v38, v15;
	v43 =	vmul.f32 v20, v20;
	v28 =	vld.idx.msk [tilespmem:v28+s20+$0x0], $0xffff  }
0x1ca: {  	v50 =	vld.idx.msk [tilespmem:v29+s20+$0x0], $0xffff;
	v31 =	vmul.f32 v47, v47;
	v62 =	vor.u32 s7, v4;
	v17 =	vadd.f32 v27, v17  }
0x1cb: {  	v44 =	vadd.f32 v43, v40;
	v40 =	vmul.f32 v59, v59;
	v41 =	vmul.f32 v34, v25  }
0x1cc: {  	v37 =	vld.idx.msk [tilespmem:v58+s14+$0x0], $0xffff;
	v14 =	vadd.f32 v39, v14;
	v16 =	vmul.f32 v34, v34;
	v20 =	vmul.f32 v22, v20  }
0x1cd: {  	v29 =	vld.idx.msk [tilespmem:v51+s14+$0x0], $0xffff;
	v15 =	vadd.f32 v45, v44;
	v22 =	vmul.f32 v22, v22;
	v12 =	vmul.f32 v21, v12  }
0x1ce: {  	v21 =	vmul.f32 v21, v21;
	v52 =	vmul.f32 v28, v23;
	v23 =	vld.idx.msk [tilespmem:v53+s20+$0x0], $0xffff;
	v19 =	vadd.f32 $0.0e+00, v41  }
0x1cf: {  	v39 =	vor.u32 s7, v5;
	v56 =	vmul.f32 v28, v28;
	v18 =	vmul.f32 v50, v47  }
0x1d0: {  	v28 =	vld.idx.msk [tilespmem:v57+s14+$0x0], $0xffff;
	v47 =	vor.u32 s7, v6;
	v15 =	vadd.f32 v49, v15;
	v19 =	vadd.f32 v20, v19  }
0x1d1: {  	v25 =	vmul.f32 v50, v50;
	v50 =	vor.u32 s7, v7;
	v16 =	vadd.f32 v22, v16;
	v22 =	vld.idx.msk [tilespmem:v48+s20+$0x0], $0xffff  }
0x1d2: {  	v63 =	vmul.f32 v29, v29;
	v41 =	vld.idx.msk [tilespmem:v62+s14+$0x0], $0xffff;
	v15 =	vadd.f32 v31, v15;
	v12 =	vadd.f32 v12, v19  }
0x1d3: {  	s8 =	sadd.s32 $0x102, s23;
	v16 =	vadd.f32 v21, v16;
	v20 =	vld.idx.msk [tilespmem:v46+s14+$0x0], $0xffff;
	v46 =	vmul.f32 v37, v37;
	v36 =	vmul.f32 v23, v29  }
0x1d4: {  	v24 =	vld.idx.msk [tilespmem:v55+s20+$0x0], $0xffff;
	v38 =	vmul.f32 v23, v23;
	v19 =	vadd.f32 v52, v12;
	v12 =	vmov s8  }
0x1d5: {  	s25 =	sadd.s32 $0x180, s25;
	v45 =	vmul.f32 v28, v28;
	v53 =	vld.idx.msk [tilespmem:v47+s14+$0x0], $0xffff;
	v16 =	vadd.f32 v56, v16;
	v30 =	vshll.u32 v12, $0x7  }
0x1d6: {  	v57 =	vld.idx.msk [tilespmem:v50+s14+$0x0], $0xffff;
	v47 =	vor.u32 s25, v5;
	v50 =	vor.u32 s25, v6;
	v32 =	vor.u32 v1, v30  }
0x1d7: {  	v23 =	vld.idx.msk [tilespmem:v39+s14+$0x0], $0xffff;
	v56 =	vor.u32 s7, v8;
	v51 =	vmul.f32 v41, v41;
	v16 =	vadd.f32 v25, v16  }
0x1d8: {  	v60 =	vmul.f32 v20, v20;
	v20 =	vmul.f32 v22, v20;
	v61 =	vor.u32 v3, v30  }
0x1d9: {  	v22 =	vmul.f32 v22, v22;
	v18 =	vadd.f32 v18, v19;
	v33 =	vor.u32 v4, v30  }
0x1da: {  	v19 =	vmul.f32 v24, v59;
	v42 =	vor.u32 v5, v30;
	v15 =	vadd.f32 v60, v15  }
0x1db: {  	v49 =	vor.u32 v6, v30;
	v34 =	vor.u32 v7, v30;
	v24 =	vmul.f32 v24, v24;
	v32 =	vld.idx.msk [tilespmem:v32+s20+$0x0], $0xffff  }
0x1dc: {  	v54 =	vmul.f32 v23, v23;
	v16 =	vadd.f32 v22, v16;
	v15 =	vadd.f32 v63, v15;
	v63 =	vld.idx.msk [tilespmem:v56+s14+$0x0], $0xffff  }
0x1dd: {  	v58 =	vor.u32 v8, v30;
	v59 =	vor.u32 s7, v9;
	v18 =	vadd.f32 v20, v18;
	v25 =	vld.idx.msk [tilespmem:v61+s20+$0x0], $0xffff  }
0x1de: {  	v62 =	vmul.f32 v53, v53;
	v30 =	vor.u32 v9, v30;
	v21 =	vadd.f32 v38, v16  }
0x1df: {  	v20 =	vadd.f32 v36, v18;
	v18 =	vadd.f32 v40, v15;
	v44 =	vld.idx.msk [tilespmem:v33+s20+$0x0], $0xffff;
	v61 =	vor.u32 s25, v1  }
0x1e0: {  	v27 =	vld.idx.msk [tilespmem:v42+s20+$0x0], $0xffff;
	v40 =	vmul.f32 v57, v57;
	v21 =	vadd.f32 v24, v21;
	v43 =	vmul.f32 v32, v28  }
0x1e1: {  	v16 =	vadd.f32 v19, v20;
	v20 =	vadd.f32 v46, v45;
	v46 =	vmul.f32 v63, v63  }
0x1e2: {  	v55 =	vld.idx.msk [tilespmem:v49+s20+$0x0], $0xffff;
	v22 =	vmul.f32 v25, v37;
	v37 =	vor.u32 s25, v3;
	v15 =	vadd.f32 $0.0e+00, v43  }
0x1e3: {  	v20 =	vadd.f32 v51, v20;
	v48 =	vmul.f32 v32, v32;
	v25 =	vmul.f32 v25, v25  }
0x1e4: {  	v60 =	vld.idx.msk [tilespmem:v34+s20+$0x0], $0xffff;
	v52 =	vmul.f32 v44, v41;
	v19 =	vmul.f32 v44, v44;
	v15 =	vadd.f32 v22, v15  }
0x1e5: {  	s8 =	sadd.s32 $0x103, s23;
	v20 =	vadd.f32 v54, v20;
	v23 =	vmul.f32 v27, v23;
	v27 =	vmul.f32 v27, v27  }
0x1e6: {  	v42 =	vld.idx.msk [tilespmem:v61+s14+$0x0], $0xffff;
	v25 =	vadd.f32 v25, v48;
	v22 =	vadd.f32 v52, v15;
	v15 =	vmov s8  }
0x1e7: {  	v26 =	vmul.f32 v55, v53;
	v43 =	vor.u32 s25, v4;
	v31 =	vld.idx.msk [tilespmem:v37+s14+$0x0], $0xffff;
	v35 =	vshll.u32 v15, $0x7  }
0x1e8: {  	v38 =	vmul.f32 v55, v55;
	v32 =	vld.idx.msk [tilespmem:v59+s14+$0x0], $0xffff;
	v19 =	vadd.f32 v19, v25;
	v36 =	vor.u32 v1, v35  }
0x1e9: {  	v28 =	vld.idx.msk [tilespmem:v58+s20+$0x0], $0xffff;
	v41 =	vmul.f32 v60, v60;
	v54 =	vor.u32 s25, v8;
	v20 =	vadd.f32 v62, v20  }
0x1ea: {  	v59 =	vor.u32 s25, v9;
	v19 =	vadd.f32 v27, v19;
	v39 =	vor.u32 v3, v35  }
0x1eb: {  	v30 =	vld.idx.msk [tilespmem:v30+s20+$0x0], $0xffff;
	v25 =	vmul.f32 v60, v57;
	v20 =	vadd.f32 v40, v20;
	v45 =	vor.u32 v4, v35  }
0x1ec: {  	v33 =	vmul.f32 v42, v42;
	v49 =	vld.idx.msk [tilespmem:v43+s14+$0x0], $0xffff;
	v19 =	vadd.f32 v38, v19;
	v38 =	vmul.f32 v31, v31  }
0x1ed: {  	v51 =	vmul.f32 v32, v32;
	v22 =	vadd.f32 v23, v22;
	v48 =	vor.u32 v5, v35;
	v44 =	vld.idx.msk [tilespmem:v36+s20+$0x0], $0xffff  }
0x1ee: {  	v27 =	vmul.f32 v28, v63;
	v37 =	vor.u32 v6, v35;
	v33 =	vadd.f32 v38, v33;
	v38 =	vld.idx.msk [tilespmem:v54+s14+$0x0], $0xffff  }
0x1ef: {  	v28 =	vmul.f32 v28, v28;
	v20 =	vadd.f32 v46, v20;
	v22 =	vadd.f32 v26, v22;
	v29 =	vld.idx.msk [tilespmem:v39+s20+$0x0], $0xffff  }
0x1f0: {  	v40 =	vor.u32 v7, v35;
	v56 =	vor.u32 v8, v35;
	v19 =	vadd.f32 v41, v19;
	v26 =	vld.idx.msk [tilespmem:v45+s20+$0x0], $0xffff  }
0x1f1: {  	v35 =	vor.u32 v9, v35;
	v22 =	vadd.f32 v25, v22;
	v39 =	vor.u32 s25, v7;
	v36 =	vld.idx.msk [tilespmem:v47+s14+$0x0], $0xffff  }
0x1f2: {  	v20 =	vadd.f32 v51, v20;
	v19 =	vadd.f32 v28, v19;
	v23 =	vld.idx.msk [tilespmem:v48+s20+$0x0], $0xffff;
	v52 =	vmul.f32 v44, v42  }
0x1f3: {  	v53 =	vmul.f32 v49, v49;
	v55 =	vld.idx.msk [tilespmem:v37+s20+$0x0], $0xffff;
	v22 =	vadd.f32 v27, v22;
	v51 =	vmul.f32 v38, v38  }
0x1f4: {  	v27 =	vld.idx.msk [tilespmem:v50+s14+$0x0], $0xffff;
	v31 =	vmul.f32 v29, v31;
	v25 =	vmul.f32 v44, v44;
	v34 =	vadd.f32 $0.0e+00, v52  }
0x1f5: {  	v61 =	vld.idx.msk [tilespmem:v40+s20+$0x0], $0xffff;
	v57 =	vadd.f32 v53, v33;
	v29 =	vmul.f32 v29, v29;
	v24 =	vmul.f32 v26, v49  }
0x1f6: {  	v26 =	vmul.f32 v26, v26;
	v58 =	vld.idx.msk [tilespmem:v39+s14+$0x0], $0xffff;
	v60 =	vmul.f32 v36, v36;
	v31 =	vadd.f32 v31, v34  }
0x1f7: {  	v41 =	vld.idx.msk [tilespmem:v56+s20+$0x0], $0xffff;
	v63 =	vmul.f32 v23, v36;
	v23 =	vmul.f32 v23, v23;
	v25 =	vadd.f32 v29, v25  }
0x1f8: {  	(xrf2) =	vadd.scan.msk.f32 $0xffff, v13;
	v42 =	vmul.f32 v30, v32;
	v43 =	vmul.f32 v55, v55;
	v24 =	vadd.f32 v24, v31  }
0x1f9: {  	(xrf2) =	vadd.scan.msk.f32 $0xffff, v14;
	v36 =	vmul.f32 v27, v27;
	v13 =	vadd.f32 v60, v57;
	v62 =	vadd.f32 v26, v25  }
0x1fa: {  	v44 =	vld.idx.msk [tilespmem:v59+s14+$0x0], $0xffff;
	v49 =	vmul.f32 v61, v61;
	v40 =	vmul.f32 v55, v27;
	v24 =	vadd.f32 v63, v24  }
0x1fb: {  	v47 =	vld.idx.msk [tilespmem:v35+s20+$0x0], $0xffff;
	v13 =	vadd.f32 v36, v13;
	v45 =	vmul.f32 v58, v58;
	v14 =	vadd.f32 v23, v62  }
0x1fc: {  	(xrf2) =	vadd.scan.msk.f32 $0xffff, v17;
	v53 =	vmul.f32 v41, v38;
	v46 =	vmul.f32 v61, v58;
	v23 =	vadd.f32 v40, v24  }
0x1fd: {  	(xrf2) =	vadd.scan.msk.f32 $0xffff, v18;
	v54 =	vmul.f32 v41, v41;
	v13 =	vadd.f32 v45, v13;
	v14 =	vadd.f32 v43, v14  }
0x1fe: {  	(xrf2) =	vadd.scan.msk.f32 $0xffff, v16;
	v48 =	vadd.f32 v42, v22;
	v52 =	vmul.f32 v30, v30;
	v50 =	vadd.f32 v46, v23  }
0x1ff: {  	(xrf2) =	vadd.scan.msk.f32 $0xffff, v21;
	v55 =	vmul.f32 v44, v44;
	v13 =	vadd.f32 v51, v13;
	v14 =	vadd.f32 v49, v14  }
0x200: {  	(xrf2) =	vadd.scan.msk.f32 $0xffff, v20;
	v16 =	vadd.f32 v52, v19;
	v56 =	vmul.f32 v47, v44;
	v18 =	vadd.f32 v53, v50  }
0x201: {  	v57 =	vmul.f32 v47, v47;
	(xrf2) =	vadd.scan.msk.f32 $0xffff, v48;
	v13 =	vadd.f32 v55, v13;
	v14 =	vadd.f32 v54, v14  }
0x202: {  	(xrf2) =	vadd.scan.msk.f32 $0xffff, v16;
	v58 =	vadd.f32 v56, v18  }
0x203: {  	(xrf2) =	vadd.scan.msk.f32 $0xffff, v13;
	v14 =	vadd.f32 v57, v14  }
0x204: {  	v59, _, _ =	vpop (xrf2);
	(xrf2) =	vadd.scan.msk.f32 $0xffff, v58  }
0x205: {  	[tilespmem:v10+s0+$0x0] =	vst.idx.msk vm0, v59;
	v60, _, _ =	vpop (xrf2);
	(xrf2) =	vadd.scan.msk.f32 $0xffff, v14  }
0x206: {  	v61, _, _ =	vpop (xrf2);
	[tilespmem:v10+s2+$0x0] =	vst.idx.msk vm0, v60  }
0x207: {  	[tilespmem:v10+s22+$0x0] =	vst.idx.msk vm0, v61;
	v62, _, _ =	vpop (xrf2)  }
0x208: {  	v10, _, _ =	vpop (xrf2);
	[tilespmem:v11+s0+$0x0] =	vst.idx.msk vm0, v62  }
0x209: {  	v63, _, _ =	vpop (xrf2);
	[tilespmem:v11+s2+$0x0] =	vst.idx.msk vm0, v10  }
0x20a: {  	v10, _, _ =	vpop (xrf2);
	[tilespmem:v11+s22+$0x0] =	vst.idx.msk vm0, v63  }
0x20b: {  	p0 =	slt.u32 s23, $0x7C;
	[tilespmem:v12+s0+$0x0] =	vst.idx.msk vm0, v10;
	v11, _, _ =	vpop (xrf2)  }
.Ltmp3:
0x20c: {  	[tilespmem:v12+s2+$0x0] =	vst.idx.msk vm0, v11;
	v10, _, _ =	vpop (xrf2);
	(pc) =	sbr.rel @p0 .LBB2_8-.Ltmp3, $4  }
0x20d: {  	[tilespmem:v12+s22+$0x0] =	vst.idx.msk vm0, v10;
	v11, _, _ =	vpop (xrf2)  }
0x20e: {  	[tilespmem:v15+s0+$0x0] =	vst.idx.msk vm0, v11;
	v10, _, _ =	vpop (xrf2)  }
0x20f: {  	[tilespmem:v15+s2+$0x0] =	vst.idx.msk vm0, v10;
	v10, _, _ =	vpop (xrf2)  }
0x210: {  	s23 =	sadd.s32 $0x4, s23;
	[tilespmem:v15+s22+$0x0] =	vst.idx.msk vm0, v10  }
0x211: {  	_ =	swait.ge [sflag:s24], $0x4000  }
0x212: {  	[sflag:s24] =	ssyncset.done $0x0  }
0x213: {  	[sflag:s24] =	ssyncadd.s32 $0xFFFFC000  }
0x214: {  	_ =	swait.ge [sflag:s28], $0x4000  }
0x215: {  	[sflag:s28] =	ssyncset.done $0x0  }
0x216: {  	s23 =	simm.s32 $0x0;
	[sflag:s28] =	ssyncadd.s32 $0xFFFFC000  }
.LBB2_10:
0x217: {  	s25 =	sshll.u32 s23, $0x7  }
0x218: {  	v11 =	vor.u32 s25, v1  }
0x219: {  	v14 =	vor.u32 s25, v3  }
0x21a: {  	v16 =	vor.u32 s25, v4  }
0x21b: {  	v18 =	vor.u32 s25, v5  }
0x21c: {  	s6 =	sadd.s32 $0x180, s23;
	v21 =	vor.u32 s25, v6  }
0x21d: {  	v10 =	vmov s6;
	v24 =	vor.u32 s25, v8;
	s7 =	sadd.s32 $0x80, s25;
	v11 =	vld.idx.msk [tilespmem:v11+s15+$0x0], $0xffff  }
0x21e: {  	v12 =	vshll.u32 v10, $0x7;
	v25 =	vor.u32 s7, v1;
	v14 =	vld.idx.msk [tilespmem:v14+s15+$0x0], $0xffff  }
0x21f: {  	v13 =	vor.u32 v1, v12;
	v16 =	vld.idx.msk [tilespmem:v16+s15+$0x0], $0xffff  }
0x220: {  	v15 =	vor.u32 v3, v12;
	v18 =	vld.idx.msk [tilespmem:v18+s15+$0x0], $0xffff  }
0x221: {  	v17 =	vor.u32 v4, v12;
	v53 =	vld.idx.msk [tilespmem:v21+s15+$0x0], $0xffff  }
0x222: {  	v19 =	vor.u32 v5, v12;
	v24 =	vld.idx.msk [tilespmem:v24+s15+$0x0], $0xffff  }
0x223: {  	v23 =	vor.u32 v6, v12;
	v25 =	vld.idx.msk [tilespmem:v25+s15+$0x0], $0xffff  }
0x224: {  	v54 =	vor.u32 v7, v12;
	v57 =	vor.u32 v8, v12;
	v12 =	vor.u32 v9, v12;
	v13 =	vld.idx.msk [tilespmem:v13+s20+$0x0], $0xffff  }
0x225: {  	v32 =	vor.u32 s7, v4;
	v15 =	vld.idx.msk [tilespmem:v15+s20+$0x0], $0xffff  }
0x226: {  	v51 =	vor.u32 s25, v7;
	v59 =	vor.u32 s25, v9;
	v17 =	vld.idx.msk [tilespmem:v17+s20+$0x0], $0xffff  }
0x227: {  	v63 =	vor.u32 s7, v3;
	v19 =	vld.idx.msk [tilespmem:v19+s20+$0x0], $0xffff;
	v20 =	vmul.f32 v11, v11;
	v22 =	vmul.f32 v14, v14  }
0x228: {  	v37 =	vor.u32 s7, v5;
	v23 =	vld.idx.msk [tilespmem:v23+s20+$0x0], $0xffff;
	v50 =	vmul.f32 v16, v16;
	v55 =	vmul.f32 v18, v18  }
0x229: {  	v42 =	vor.u32 s7, v6;
	v27 =	vld.idx.msk [tilespmem:v12+s20+$0x0], $0xffff;
	v60 =	vmul.f32 v53, v53;
	v33 =	vmul.f32 v24, v24  }
0x22a: {  	v46 =	vor.u32 s7, v7;
	v12 =	vld.idx.msk [tilespmem:v32+s15+$0x0], $0xffff;
	v11 =	vmul.f32 v13, v11;
	v13 =	vmul.f32 v13, v13  }
0x22b: {  	v21 =	vld.idx.msk [tilespmem:v54+s20+$0x0], $0xffff;
	v54 =	vor.u32 s7, v9;
	v14 =	vmul.f32 v15, v14;
	v15 =	vmul.f32 v15, v15  }
0x22c: {  	v56 =	vmul.f32 v19, v18;
	v58 =	vmul.f32 v19, v19;
	v19 =	vld.idx.msk [tilespmem:v59+s15+$0x0], $0xffff;
	v11 =	vadd.f32 $0.0e+00, v11  }
0x22d: {  	v40 =	vmul.f32 v25, v25;
	v20 =	vadd.f32 v22, v20;
	v16 =	vmul.f32 v17, v16  }
0x22e: {  	v17 =	vmul.f32 v17, v17;
	v13 =	vadd.f32 v15, v13;
	v11 =	vadd.f32 v14, v11  }
0x22f: {  	v61 =	vmul.f32 v23, v23;
	v45 =	vmul.f32 v12, v12;
	v52 =	vadd.f32 v50, v20  }
0x230: {  	v20 =	vmul.f32 v23, v53;
	v13 =	vadd.f32 v17, v13;
	v11 =	vadd.f32 v16, v11  }
0x231: {  	s8 =	sadd.s32 $0x181, s23;
	v15 =	vadd.f32 v55, v52;
	v14 =	vld.idx.msk [tilespmem:v51+s15+$0x0], $0xffff;
	v51 =	vor.u32 s7, v8;
	v38 =	vmul.f32 v19, v19  }
0x232: {  	v23 =	vld.idx.msk [tilespmem:v37+s15+$0x0], $0xffff;
	s7 =	sadd.s32 $0x100, s25;
	v39 =	vmul.f32 v27, v19;
	v16 =	vadd.f32 v56, v11;
	v11 =	vmov s8  }
0x233: {  	v17 =	vld.idx.msk [tilespmem:v57+s20+$0x0], $0xffff;
	v57 =	vor.u32 s7, v1;
	v13 =	vadd.f32 v58, v13;
	v26 =	vshll.u32 v11, $0x7  }
0x234: {  	v27 =	vmul.f32 v27, v27;
	v15 =	vadd.f32 v60, v15;
	v62 =	vor.u32 v1, v26  }
0x235: {  	v58 =	vor.u32 s7, v3;
	v13 =	vadd.f32 v61, v13;
	v31 =	vor.u32 v3, v26  }
0x236: {  	v47 =	vld.idx.msk [tilespmem:v42+s15+$0x0], $0xffff;
	v30 =	vmul.f32 v14, v14;
	v14 =	vmul.f32 v21, v14;
	v35 =	vor.u32 v4, v26  }
0x237: {  	v21 =	vmul.f32 v21, v21;
	v16 =	vadd.f32 v20, v16;
	v20 =	vld.idx.msk [tilespmem:v63+s15+$0x0], $0xffff;
	v28 =	vor.u32 v5, v26  }
0x238: {  	v59 =	vld.idx.msk [tilespmem:v54+s15+$0x0], $0xffff;
	v49 =	vmul.f32 v23, v23;
	v29 =	vor.u32 v6, v26;
	v15 =	vadd.f32 v30, v15  }
0x239: {  	v36 =	vmul.f32 v17, v24;
	v17 =	vmul.f32 v17, v17;
	v13 =	vadd.f32 v21, v13;
	v34 =	vld.idx.msk [tilespmem:v62+s20+$0x0], $0xffff  }
0x23a: {  	v48 =	vor.u32 v7, v26;
	v14 =	vadd.f32 v14, v16;
	v15 =	vadd.f32 v33, v15;
	v22 =	vld.idx.msk [tilespmem:v31+s20+$0x0], $0xffff  }
0x23b: {  	v53 =	vor.u32 v8, v26;
	v55 =	vor.u32 v9, v26;
	v17 =	vadd.f32 v17, v13;
	v21 =	vld.idx.msk [tilespmem:v35+s20+$0x0], $0xffff  }
0x23c: {  	v14 =	vadd.f32 v36, v14;
	v13 =	vadd.f32 v38, v15;
	v43 =	vmul.f32 v20, v20;
	v28 =	vld.idx.msk [tilespmem:v28+s20+$0x0], $0xffff  }
0x23d: {  	v50 =	vld.idx.msk [tilespmem:v29+s20+$0x0], $0xffff;
	v31 =	vmul.f32 v47, v47;
	v62 =	vor.u32 s7, v4;
	v17 =	vadd.f32 v27, v17  }
0x23e: {  	v44 =	vadd.f32 v43, v40;
	v40 =	vmul.f32 v59, v59;
	v41 =	vmul.f32 v34, v25  }
0x23f: {  	v37 =	vld.idx.msk [tilespmem:v58+s15+$0x0], $0xffff;
	v14 =	vadd.f32 v39, v14;
	v16 =	vmul.f32 v34, v34;
	v20 =	vmul.f32 v22, v20  }
0x240: {  	v29 =	vld.idx.msk [tilespmem:v51+s15+$0x0], $0xffff;
	v15 =	vadd.f32 v45, v44;
	v22 =	vmul.f32 v22, v22;
	v12 =	vmul.f32 v21, v12  }
0x241: {  	v21 =	vmul.f32 v21, v21;
	v52 =	vmul.f32 v28, v23;
	v23 =	vld.idx.msk [tilespmem:v53+s20+$0x0], $0xffff;
	v19 =	vadd.f32 $0.0e+00, v41  }
0x242: {  	v39 =	vor.u32 s7, v5;
	v56 =	vmul.f32 v28, v28;
	v18 =	vmul.f32 v50, v47  }
0x243: {  	v28 =	vld.idx.msk [tilespmem:v57+s15+$0x0], $0xffff;
	v47 =	vor.u32 s7, v6;
	v15 =	vadd.f32 v49, v15;
	v19 =	vadd.f32 v20, v19  }
0x244: {  	v25 =	vmul.f32 v50, v50;
	v50 =	vor.u32 s7, v7;
	v16 =	vadd.f32 v22, v16;
	v22 =	vld.idx.msk [tilespmem:v48+s20+$0x0], $0xffff  }
0x245: {  	v63 =	vmul.f32 v29, v29;
	v41 =	vld.idx.msk [tilespmem:v62+s15+$0x0], $0xffff;
	v15 =	vadd.f32 v31, v15;
	v12 =	vadd.f32 v12, v19  }
0x246: {  	s8 =	sadd.s32 $0x182, s23;
	v16 =	vadd.f32 v21, v16;
	v20 =	vld.idx.msk [tilespmem:v46+s15+$0x0], $0xffff;
	v46 =	vmul.f32 v37, v37;
	v36 =	vmul.f32 v23, v29  }
0x247: {  	v24 =	vld.idx.msk [tilespmem:v55+s20+$0x0], $0xffff;
	v38 =	vmul.f32 v23, v23;
	v19 =	vadd.f32 v52, v12;
	v12 =	vmov s8  }
0x248: {  	s25 =	sadd.s32 $0x180, s25;
	v45 =	vmul.f32 v28, v28;
	v53 =	vld.idx.msk [tilespmem:v47+s15+$0x0], $0xffff;
	v16 =	vadd.f32 v56, v16;
	v30 =	vshll.u32 v12, $0x7  }
0x249: {  	v57 =	vld.idx.msk [tilespmem:v50+s15+$0x0], $0xffff;
	v47 =	vor.u32 s25, v5;
	v50 =	vor.u32 s25, v6;
	v32 =	vor.u32 v1, v30  }
0x24a: {  	v23 =	vld.idx.msk [tilespmem:v39+s15+$0x0], $0xffff;
	v56 =	vor.u32 s7, v8;
	v51 =	vmul.f32 v41, v41;
	v16 =	vadd.f32 v25, v16  }
0x24b: {  	v60 =	vmul.f32 v20, v20;
	v20 =	vmul.f32 v22, v20;
	v61 =	vor.u32 v3, v30  }
0x24c: {  	v22 =	vmul.f32 v22, v22;
	v18 =	vadd.f32 v18, v19;
	v33 =	vor.u32 v4, v30  }
0x24d: {  	v19 =	vmul.f32 v24, v59;
	v42 =	vor.u32 v5, v30;
	v15 =	vadd.f32 v60, v15  }
0x24e: {  	v49 =	vor.u32 v6, v30;
	v34 =	vor.u32 v7, v30;
	v24 =	vmul.f32 v24, v24;
	v32 =	vld.idx.msk [tilespmem:v32+s20+$0x0], $0xffff  }
0x24f: {  	v54 =	vmul.f32 v23, v23;
	v16 =	vadd.f32 v22, v16;
	v15 =	vadd.f32 v63, v15;
	v63 =	vld.idx.msk [tilespmem:v56+s15+$0x0], $0xffff  }
0x250: {  	v58 =	vor.u32 v8, v30;
	v59 =	vor.u32 s7, v9;
	v18 =	vadd.f32 v20, v18;
	v25 =	vld.idx.msk [tilespmem:v61+s20+$0x0], $0xffff  }
0x251: {  	v62 =	vmul.f32 v53, v53;
	v30 =	vor.u32 v9, v30;
	v21 =	vadd.f32 v38, v16  }
0x252: {  	v20 =	vadd.f32 v36, v18;
	v18 =	vadd.f32 v40, v15;
	v44 =	vld.idx.msk [tilespmem:v33+s20+$0x0], $0xffff;
	v61 =	vor.u32 s25, v1  }
0x253: {  	v27 =	vld.idx.msk [tilespmem:v42+s20+$0x0], $0xffff;
	v40 =	vmul.f32 v57, v57;
	v21 =	vadd.f32 v24, v21;
	v43 =	vmul.f32 v32, v28  }
0x254: {  	v16 =	vadd.f32 v19, v20;
	v20 =	vadd.f32 v46, v45;
	v46 =	vmul.f32 v63, v63  }
0x255: {  	v55 =	vld.idx.msk [tilespmem:v49+s20+$0x0], $0xffff;
	v22 =	vmul.f32 v25, v37;
	v37 =	vor.u32 s25, v3;
	v15 =	vadd.f32 $0.0e+00, v43  }
0x256: {  	v20 =	vadd.f32 v51, v20;
	v48 =	vmul.f32 v32, v32;
	v25 =	vmul.f32 v25, v25  }
0x257: {  	v60 =	vld.idx.msk [tilespmem:v34+s20+$0x0], $0xffff;
	v52 =	vmul.f32 v44, v41;
	v19 =	vmul.f32 v44, v44;
	v15 =	vadd.f32 v22, v15  }
0x258: {  	s8 =	sadd.s32 $0x183, s23;
	v20 =	vadd.f32 v54, v20;
	v23 =	vmul.f32 v27, v23;
	v27 =	vmul.f32 v27, v27  }
0x259: {  	v42 =	vld.idx.msk [tilespmem:v61+s15+$0x0], $0xffff;
	v25 =	vadd.f32 v25, v48;
	v22 =	vadd.f32 v52, v15;
	v15 =	vmov s8  }
0x25a: {  	v26 =	vmul.f32 v55, v53;
	v43 =	vor.u32 s25, v4;
	v31 =	vld.idx.msk [tilespmem:v37+s15+$0x0], $0xffff;
	v35 =	vshll.u32 v15, $0x7  }
0x25b: {  	v38 =	vmul.f32 v55, v55;
	v32 =	vld.idx.msk [tilespmem:v59+s15+$0x0], $0xffff;
	v19 =	vadd.f32 v19, v25;
	v36 =	vor.u32 v1, v35  }
0x25c: {  	v28 =	vld.idx.msk [tilespmem:v58+s20+$0x0], $0xffff;
	v41 =	vmul.f32 v60, v60;
	v54 =	vor.u32 s25, v8;
	v20 =	vadd.f32 v62, v20  }
0x25d: {  	v59 =	vor.u32 s25, v9;
	v19 =	vadd.f32 v27, v19;
	v39 =	vor.u32 v3, v35  }
0x25e: {  	v30 =	vld.idx.msk [tilespmem:v30+s20+$0x0], $0xffff;
	v25 =	vmul.f32 v60, v57;
	v20 =	vadd.f32 v40, v20;
	v45 =	vor.u32 v4, v35  }
0x25f: {  	v33 =	vmul.f32 v42, v42;
	v49 =	vld.idx.msk [tilespmem:v43+s15+$0x0], $0xffff;
	v19 =	vadd.f32 v38, v19;
	v38 =	vmul.f32 v31, v31  }
0x260: {  	v51 =	vmul.f32 v32, v32;
	v22 =	vadd.f32 v23, v22;
	v48 =	vor.u32 v5, v35;
	v44 =	vld.idx.msk [tilespmem:v36+s20+$0x0], $0xffff  }
0x261: {  	v27 =	vmul.f32 v28, v63;
	v37 =	vor.u32 v6, v35;
	v33 =	vadd.f32 v38, v33;
	v38 =	vld.idx.msk [tilespmem:v54+s15+$0x0], $0xffff  }
0x262: {  	v28 =	vmul.f32 v28, v28;
	v20 =	vadd.f32 v46, v20;
	v22 =	vadd.f32 v26, v22;
	v29 =	vld.idx.msk [tilespmem:v39+s20+$0x0], $0xffff  }
0x263: {  	v40 =	vor.u32 v7, v35;
	v56 =	vor.u32 v8, v35;
	v19 =	vadd.f32 v41, v19;
	v26 =	vld.idx.msk [tilespmem:v45+s20+$0x0], $0xffff  }
0x264: {  	v35 =	vor.u32 v9, v35;
	v22 =	vadd.f32 v25, v22;
	v39 =	vor.u32 s25, v7;
	v36 =	vld.idx.msk [tilespmem:v47+s15+$0x0], $0xffff  }
0x265: {  	v20 =	vadd.f32 v51, v20;
	v19 =	vadd.f32 v28, v19;
	v23 =	vld.idx.msk [tilespmem:v48+s20+$0x0], $0xffff;
	v52 =	vmul.f32 v44, v42  }
0x266: {  	v53 =	vmul.f32 v49, v49;
	v55 =	vld.idx.msk [tilespmem:v37+s20+$0x0], $0xffff;
	v22 =	vadd.f32 v27, v22;
	v51 =	vmul.f32 v38, v38  }
0x267: {  	v27 =	vld.idx.msk [tilespmem:v50+s15+$0x0], $0xffff;
	v31 =	vmul.f32 v29, v31;
	v25 =	vmul.f32 v44, v44;
	v34 =	vadd.f32 $0.0e+00, v52  }
0x268: {  	v61 =	vld.idx.msk [tilespmem:v40+s20+$0x0], $0xffff;
	v57 =	vadd.f32 v53, v33;
	v29 =	vmul.f32 v29, v29;
	v24 =	vmul.f32 v26, v49  }
0x269: {  	v26 =	vmul.f32 v26, v26;
	v58 =	vld.idx.msk [tilespmem:v39+s15+$0x0], $0xffff;
	v60 =	vmul.f32 v36, v36;
	v31 =	vadd.f32 v31, v34  }
0x26a: {  	v41 =	vld.idx.msk [tilespmem:v56+s20+$0x0], $0xffff;
	v63 =	vmul.f32 v23, v36;
	v23 =	vmul.f32 v23, v23;
	v25 =	vadd.f32 v29, v25  }
0x26b: {  	(xrf2) =	vadd.scan.msk.f32 $0xffff, v13;
	v42 =	vmul.f32 v30, v32;
	v43 =	vmul.f32 v55, v55;
	v24 =	vadd.f32 v24, v31  }
0x26c: {  	(xrf2) =	vadd.scan.msk.f32 $0xffff, v14;
	v36 =	vmul.f32 v27, v27;
	v13 =	vadd.f32 v60, v57;
	v62 =	vadd.f32 v26, v25  }
0x26d: {  	v44 =	vld.idx.msk [tilespmem:v59+s15+$0x0], $0xffff;
	v49 =	vmul.f32 v61, v61;
	v40 =	vmul.f32 v55, v27;
	v24 =	vadd.f32 v63, v24  }
0x26e: {  	v47 =	vld.idx.msk [tilespmem:v35+s20+$0x0], $0xffff;
	v13 =	vadd.f32 v36, v13;
	v45 =	vmul.f32 v58, v58;
	v14 =	vadd.f32 v23, v62  }
0x26f: {  	(xrf2) =	vadd.scan.msk.f32 $0xffff, v17;
	v53 =	vmul.f32 v41, v38;
	v46 =	vmul.f32 v61, v58;
	v23 =	vadd.f32 v40, v24  }
0x270: {  	(xrf2) =	vadd.scan.msk.f32 $0xffff, v18;
	v54 =	vmul.f32 v41, v41;
	v13 =	vadd.f32 v45, v13;
	v14 =	vadd.f32 v43, v14  }
0x271: {  	(xrf2) =	vadd.scan.msk.f32 $0xffff, v16;
	v48 =	vadd.f32 v42, v22;
	v52 =	vmul.f32 v30, v30;
	v50 =	vadd.f32 v46, v23  }
0x272: {  	(xrf2) =	vadd.scan.msk.f32 $0xffff, v21;
	v55 =	vmul.f32 v44, v44;
	v13 =	vadd.f32 v51, v13;
	v14 =	vadd.f32 v49, v14  }
0x273: {  	(xrf2) =	vadd.scan.msk.f32 $0xffff, v20;
	v16 =	vadd.f32 v52, v19;
	v56 =	vmul.f32 v47, v44;
	v18 =	vadd.f32 v53, v50  }
0x274: {  	v57 =	vmul.f32 v47, v47;
	(xrf2) =	vadd.scan.msk.f32 $0xffff, v48;
	v13 =	vadd.f32 v55, v13;
	v14 =	vadd.f32 v54, v14  }
0x275: {  	(xrf2) =	vadd.scan.msk.f32 $0xffff, v16;
	v58 =	vadd.f32 v56, v18  }
0x276: {  	(xrf2) =	vadd.scan.msk.f32 $0xffff, v13;
	v14 =	vadd.f32 v57, v14  }
0x277: {  	v59, _, _ =	vpop (xrf2);
	(xrf2) =	vadd.scan.msk.f32 $0xffff, v58  }
0x278: {  	[tilespmem:v10+s0+$0x0] =	vst.idx.msk vm0, v59;
	v60, _, _ =	vpop (xrf2);
	(xrf2) =	vadd.scan.msk.f32 $0xffff, v14  }
0x279: {  	v61, _, _ =	vpop (xrf2);
	[tilespmem:v10+s2+$0x0] =	vst.idx.msk vm0, v60  }
0x27a: {  	[tilespmem:v10+s22+$0x0] =	vst.idx.msk vm0, v61;
	v62, _, _ =	vpop (xrf2)  }
0x27b: {  	v10, _, _ =	vpop (xrf2);
	[tilespmem:v11+s0+$0x0] =	vst.idx.msk vm0, v62  }
0x27c: {  	v63, _, _ =	vpop (xrf2);
	[tilespmem:v11+s2+$0x0] =	vst.idx.msk vm0, v10  }
0x27d: {  	v10, _, _ =	vpop (xrf2);
	[tilespmem:v11+s22+$0x0] =	vst.idx.msk vm0, v63  }
0x27e: {  	p0 =	slt.u32 s23, $0x7C;
	[tilespmem:v12+s0+$0x0] =	vst.idx.msk vm0, v10;
	v11, _, _ =	vpop (xrf2)  }
.Ltmp4:
0x27f: {  	[tilespmem:v12+s2+$0x0] =	vst.idx.msk vm0, v11;
	v10, _, _ =	vpop (xrf2);
	(pc) =	sbr.rel @p0 .LBB2_10-.Ltmp4, $4  }
0x280: {  	[tilespmem:v12+s22+$0x0] =	vst.idx.msk vm0, v10;
	v11, _, _ =	vpop (xrf2)  }
0x281: {  	[tilespmem:v15+s0+$0x0] =	vst.idx.msk vm0, v11;
	v10, _, _ =	vpop (xrf2)  }
0x282: {  	[tilespmem:v15+s2+$0x0] =	vst.idx.msk vm0, v10;
	v10, _, _ =	vpop (xrf2)  }
0x283: {  	s23 =	sadd.s32 $0x4, s23;
	[tilespmem:v15+s22+$0x0] =	vst.idx.msk vm0, v10  }
0x284: {  	_ =	swait.ge [sflag:s16], $0x80  }
0x285: {  	[sflag:s16] =	ssyncset.done $0x0  }
0x286: {  	[sflag:s16] =	ssyncadd.s32 $0xFFFFFF80  }
0x287: {  	_ =	swait.ge [sflag:s16], $0x80  }
0x288: {  	[sflag:s16] =	ssyncset.done $0x0  }
0x289: {  	[sflag:s16] =	ssyncadd.s32 $0xFFFFFF80  }
0x28a: {  	_ =	swait.ge [sflag:s16], $0x80  }
0x28b: {  	[sflag:s16] =	ssyncset.done $0x0  }
0x28c: {  	[sflag:s16] =	ssyncadd.s32 $0xFFFFFF80  }
0x28d: {  	_ =	swait.ge [sflag:s16], $0x80  }
0x28e: {  	[sflag:s16] =	ssyncset.done $0x0  }
0x28f: {  	s6 =	simm.s32 $0x1B980;
	[sflag:s16] =	ssyncadd.s32 $0xFFFFFF80  }
0x290: {  	v10 =	vld [tilespmem:s6+$0xFFFFFFF0];
	_ =	sdelay $0x2  }
0x291: {  	v11 =	vld [tilespmem:s6+$0x0];
	_ =	sdelay $0x1  }
0x292: {  	v12 =	vmax.f32 v10, $1.000000020e-24  }
0x293: {  	v13 =	vshra.s32 v12, $0x1;
	v12 =	vmul.f32 $5.000000000e-01, v12  }
0x294: {  	v13 =	vsub.s32 $0x5F3759DF, v13  }
0x295: {  	s25 =	simm.s32 $0x1E80;
	v14 =	vmax.f32 v11, $1.000000020e-24;
	v15 =	vmul.f32 v13, v12  }
0x296: {  	s7 =	simm.s32 $0x1B9A0;
	v18 =	vld [tilespmem:s25+$0xFFFFFFF0];
	v16 =	vshra.s32 v14, $0x1;
	v14 =	vmul.f32 $5.000000000e-01, v14  }
0x297: {  	v19 =	vld [tilespmem:s7+$0xFFFFFFF0];
	v16 =	vsub.s32 $0x5F3759DF, v16;
	v15 =	vmul.f32 v13, v15  }
0x298: {  	v17 =	vmul.f32 v16, v14  }
0x299: {  	v15 =	vsub.f32 $1.500000000e+00, v15  }
0x29a: {  	v17 =	vmul.f32 v16, v17  }
0x29b: {  	v27 =	vld [tilespmem:s7+$0x0];
	v13 =	vmul.f32 v13, v15  }
0x29c: {  	v15 =	vsub.f32 $1.500000000e+00, v17;
	v17 =	vcvt.s32.f32 v18;
	v18 =	vmax.f32 v19, $1.000000020e-24  }
0x29d: {  	v21 =	vshra.s32 v18, $0x1;
	v18 =	vmul.f32 $5.000000000e-01, v18  }
0x29e: {  	s7 =	simm.s32 $0x1BB80;
	v12 =	vmul.f32 v13, v12;
	v15 =	vmul.f32 v16, v15;
	v16 =	vld [tilespmem:s25+$0x0];
	v21 =	vsub.s32 $0x5F3759DF, v21  }
0x29f: {  	v20 =	vld [tilespmem:s7+$0xFFFFFFF0];
	v24 =	vmul.f32 v21, v18  }
0x2a0: {  	v22 =	vmax.f32 v27, $1.000000020e-24;
	v12 =	vmul.f32 v12, v13  }
0x2a1: {  	v23 =	vshra.s32 v22, $0x1;
	v14 =	vmul.f32 v15, v14;
	v24 =	vmul.f32 v21, v24  }
0x2a2: {  	v22 =	vmul.f32 $5.000000000e-01, v22;
	v23 =	vsub.s32 $0x5F3759DF, v23;
	v12 =	vsub.f32 $1.500000000e+00, v12  }
0x2a3: {  	v14 =	vmul.f32 v14, v15;
	v16 =	vcvt.s32.f32 v16;
	v24 =	vsub.f32 $1.500000000e+00, v24  }
0x2a4: {  	s8 =	simm.s32 $0x1EA0;
	v25 =	vld [tilespmem:s7+$0x0];
	v20 =	vadd.f32 v20, v20;
	v12 =	vmul.f32 v12, v13;
	v13 =	vmul.f32 v23, v22  }
0x2a5: {  	s23 =	simm.s32 $0x1BBA0;
	v26 =	vld [tilespmem:s8+$0xFFFFFFF0];
	v14 =	vsub.f32 $1.500000000e+00, v14;
	(erf) = vrcp.f32 v16;
	v21 =	vmul.f32 v21, v24  }
0x2a6: {  	v16 =	vld [tilespmem:s23+$0x0];
	v10 =	vmul.f32 v12, v10;
	v13 =	vmul.f32 v23, v13  }
0x2a7: {  	v29 =	vld [tilespmem:s23+$0xFFFFFFF0];
	v14 =	vmul.f32 v14, v15;
	v15 =	vmul.f32 v12, v20  }
0x2a8: {  	s25 =	simm.s32 $0x1B9C0;
	v20 =	vld [tilespmem:s8+$0x0];
	(erf) = vrcp.f32 v17;
	v17 =	vmul.f32 v21, v18;
	v13 =	vsub.f32 $1.500000000e+00, v13  }
0x2a9: {  	v25 =	vadd.f32 v25, v25;
	v28 =	vmul.f32 v10, v12;
	v24 =	vmul.f32 v14, v11;
	v11 =	vld [tilespmem:s25+$0xFFFFFFF0]  }
0x2aa: {  	v30 =	vimm.f32 $0.0e+00;
	v12 =	vcvt.s32.f32 v26;
	v10 =	vld [tilespmem:s25+$0x0];
	v23 =	vmul.f32 v23, v13  }
0x2ab: {  	v13 =	vadd.f32 v16, v16;
	v16 =	vmul.f32 v24, v14;
	v14 =	vmul.f32 v14, v25  }
0x2ac: {  	s23 =	simm.s32 $0x1BD80;
	v17 =	vmul.f32 v17, v21;
	v24 =	vadd.f32 v29, v29;
	v18 =	vmul.f32 v23, v22  }
0x2ad: {  	v25 =	vld [tilespmem:s23+$0xFFFFFFF0];
	v20 =	vcvt.s32.f32 v20;
	v22 =	vsub.f32 v28, v15;
	v26 =	vsub.f32 v16, v14  }
0x2ae: {  	v16 =	vsub.f32 $1.500000000e+00, v17;
	v14 =	vmax.f32 v11, $1.000000020e-24;
	v18 =	vmul.f32 v18, v23  }
0x2af: {  	v28 =	vld [tilespmem:s23+$0x0];
	v17 =	vshra.s32 v14, $0x1;
	v15 =	vmul.f32 $5.000000000e-01, v14;
	v14 =	vmax.f32 v10, $1.000000020e-24  }
0x2b0: {  	v32 =	vmul.f32 v16, v21;
	v33 =	vpop (erf);
	(erf) = vrcp.f32 v20;
	v29 =	vsub.s32 $0x5F3759DF, v17  }
0x2b1: {  	v17 =	vshra.s32 v14, $0x1;
	v14 =	vmul.f32 $5.000000000e-01, v14;
	v31 =	vmul.f32 v29, v15  }
0x2b2: {  	s25 =	simm.s32 $0x1EC0;
	v22 =	vadd.f32 v22, v25;
	v17 =	vsub.s32 $0x5F3759DF, v17;
	v16 =	vmul.f32 v32, v24  }
0x2b3: {  	s6 =	simm.s32 $0x1BBC0;
	v20 =	vld [tilespmem:s25+$0xFFFFFFF0];
	v25 =	vpop (erf);
	v24 =	vsub.f32 $1.500000000e+00, v18;
	v21 =	vmul.f32 v17, v14;
	v31 =	vmul.f32 v29, v31  }
0x2b4: {  	v19 =	vmul.f32 v32, v19;
	v18 =	vld [tilespmem:s6+$0x0];
	v25 =	vmul.f32 v22, v25;
	v28 =	vadd.f32 v26, v28  }
0x2b5: {  	v34 =	vmul.f32 v17, v21;
	v21 =	vmul.f32 v24, v23;
	v31 =	vsub.f32 $1.500000000e+00, v31  }
0x2b6: {  	v26 =	vld [tilespmem:s25+$0x0];
	v22 =	vmul.f32 v19, v32;
	v23 =	vadd.f32 v25, v30;
	v24 =	vmul.f32 v28, v33  }
0x2b7: {  	s7 =	simm.s32 $0x4;
	s8 =	simm.s32 $0x1B9E0;
	v25 =	vld [tilespmem:s6+$0xFFFFFFF0];
	v28 =	vsub.f32 $1.500000000e+00, v34;
	v27 =	vmul.f32 v21, v27;
	v19 =	vmul.f32 v29, v31  }
.LBB2_12:
0x2b8: {  	v29 =	vld [tilespmem:s8+$0xFFFFFFF0];
	s7 =	sadd.s32 $0x2, s7;
	(erf) = vrcp.f32 v12;
	v12 =	vcvt.s32.f32 v20;
	v23 =	vadd.f32 v24, v23;
	s23 =	sadd.s32 $0x20, s23  }
0x2b9: {  	v30 =	vld [tilespmem:s8+$0x0];
	p0 =	slt.u32 s7, $0x1E;
	v15 =	vmul.f32 v19, v15;
	v24 =	vmul.f32 v17, v28;
	v17 =	vadd.f32 v18, v18  }
0x2ba: {  	v18 =	vmul.f32 v27, v21;
	v28 =	vmul.f32 v21, v13  }
0x2bb: {  	v16 =	vsub.f32 v22, v16;
	v15 =	vmul.f32 v15, v19;
	v14 =	vmul.f32 v24, v14;
	v27 =	vpop (erf)  }
0x2bc: {  	v20 =	vcvt.s32.f32 v26;
	v13 =	vmovc v17;
	v21 =	vadd.f32 v25, v25;
	v22 =	vld [tilespmem:s23+$0xFFFFFFF0];
	v25 =	vsub.f32 v18, v28  }
0x2bd: {  	v17 =	vmax.f32 v29, $1.000000020e-24;
	v18 =	vsub.f32 $1.500000000e+00, v15;
	v26 =	vmul.f32 v14, v24  }
0x2be: {  	v14 =	vshra.s32 v17, $0x1;
	v15 =	vmul.f32 $5.000000000e-01, v17;
	v17 =	vmax.f32 v30, $1.000000020e-24;
	v28 =	vld [tilespmem:s23+$0x0]  }
0x2bf: {  	v31 =	vsub.s32 $0x5F3759DF, v14;
	v32 =	vshra.s32 v17, $0x1;
	v14 =	vmul.f32 $5.000000000e-01, v17  }
0x2c0: {  	v19 =	vmul.f32 v18, v19;
	v33 =	vmul.f32 v31, v15;
	v17 =	vsub.s32 $0x5F3759DF, v32  }
0x2c1: {  	s25 =	sadd.s32 $0x20, s25;
	v32 =	vmul.f32 v17, v14;
	(erf) = vrcp.f32 v20;
	v22 =	vadd.f32 v16, v22;
	v34 =	vpop (erf)  }
.Ltmp5:
0x2c2: {  	s6 =	sadd.s32 $0x20, s6;
	v16 =	vmul.f32 v19, v21;
	v21 =	vsub.f32 $1.500000000e+00, v26;
	v33 =	vmul.f32 v31, v33;
	v20 =	vld [tilespmem:s25+$0xFFFFFFF0];
	(pc) =	sbr.rel @p0 .LBB2_12-.Ltmp5, $4  }
0x2c3: {  	v35 =	vmul.f32 v19, v11;
	v11 =	vmovc v29;
	v18 =	vld [tilespmem:s6+$0x0];
	v34 =	vmul.f32 v22, v34;
	v25 =	vadd.f32 v25, v28  }
0x2c4: {  	v29 =	vmul.f32 v17, v32;
	v21 =	vmul.f32 v21, v24;
	v28 =	vsub.f32 $1.500000000e+00, v33  }
0x2c5: {  	v22 =	vmul.f32 v35, v19;
	v26 =	vld [tilespmem:s25+$0x0];
	v23 =	vadd.f32 v34, v23;
	v24 =	vmul.f32 v25, v27  }
0x2c6: {  	s8 =	sadd.s32 $0x20, s8;
	v27 =	vmul.f32 v21, v10;
	v10 =	vmovc v30;
	v25 =	vld [tilespmem:s6+$0xFFFFFFF0];
	v19 =	vmul.f32 v31, v28;
	v28 =	vsub.f32 $1.500000000e+00, v29  }
0x2c7: {  	_ = 	snop  }
0x2c8: {  	v15 =	vmul.f32 v19, v15;
	v17 =	vmul.f32 v17, v28  }
0x2c9: {  	(erf) = vrcp.f32 v12  }
0x2ca: {  	v52 =	vmul.f32 v15, v19;
	v14 =	vmul.f32 v17, v14  }
0x2cb: {  	s6 =	sadd.s32 $0x20, s23;
	v53 =	vcvt.s32.f32 v26  }
0x2cc: {  	v20 =	vcvt.s32.f32 v20;
	v54 =	vld [tilespmem:s6+$0xFFFFFFF0];
	v12 =	vsub.f32 $1.500000000e+00, v52;
	v14 =	vmul.f32 v14, v17  }
0x2cd: {  	v13 =	vmul.f32 v21, v13;
	(erf) = vrcp.f32 v53  }
0x2ce: {  	v55 =	vld [tilespmem:s6+$0x0];
	(erf) = vrcp.f32 v20;
	v12 =	vmul.f32 v12, v19;
	v14 =	vsub.f32 $1.500000000e+00, v14  }
0x2cf: {  	v16 =	vsub.f32 v22, v16;
	v27 =	vmul.f32 v27, v21;
	v56 =	vadd.f32 v25, v25  }
0x2d0: {  	s6 =	sadd.s32 $0x20, s6;
	v11 =	vmul.f32 v12, v11;
	v14 =	vmul.f32 v14, v17  }
0x2d1: {  	v58 =	vld [tilespmem:s6+$0xFFFFFFF0];
	v57 =	vpop (erf);
	v13 =	vsub.f32 v27, v13;
	v16 =	vadd.f32 v16, v54;
	v19 =	vmul.f32 v12, v56  }
0x2d2: {  	v18 =	vadd.f32 v18, v18;
	v59 =	vpop (erf);
	v11 =	vmul.f32 v11, v12;
	v10 =	vmul.f32 v14, v10  }
0x2d3: {  	v60 =	vadd.f32 v24, v23;
	v61 =	vld [tilespmem:s6+$0x0];
	v13 =	vadd.f32 v13, v55;
	v16 =	vmul.f32 v16, v59  }
0x2d4: {  	v10 =	vmul.f32 v10, v14;
	v14 =	vmul.f32 v14, v18;
	v11 =	vsub.f32 v11, v19  }
0x2d5: {  	v12 =	vadd.f32 v16, v60  }
0x2d6: {  	v13 =	vmul.f32 v13, v57;
	v62 =	vpop (erf);
	v10 =	vsub.f32 v10, v14;
	v11 =	vadd.f32 v11, v58  }
0x2d7: {  	v63 =	vpop (erf)  }
0x2d8: {  	v12 =	vadd.f32 v13, v12;
	v11 =	vmul.f32 v11, v63;
	v10 =	vadd.f32 v10, v61;
	_ =	sdelay $0x1  }
0x2d9: {  	v11 =	vadd.f32 v11, v12;
	v10 =	vmul.f32 v10, v62;
	_ =	sdelay $0x1  }
0x2da: {  	v10 =	vadd.f32 v10, v11;
	_ =	sdelay $0x1  }
0x2db: {  	s21 =	sadd.s32 $0x1, s21;
	v10 =	vmul.f32 $5.000000000e-01, v10  }
0x2dc: {  	p0 =	sne.s32 s21, s13  }
.Ltmp6:
0x2dd: {  	s25 =	simm.s32 $0x1BF70;
	[tilespmem:$0x1BF70] =	vst v10;
	(pc) =	sbr.rel @p0 .LBB2_1-.Ltmp6, $4  }
0x2de: {  	[hbm4b:s12+s4] =	stream.linear.scatter [tilespmem:s25], [sflag:$0x7], $0x80, $0x38;
	[tilespmem:$0x1BFF0] =	vst v63  }
0x2df: {  	_ =	swait.ge [sflag:s29], $0x80  }
0x2e0: {  	[sflag:s29] =	ssyncset.done $0x0  }
0x2e1: {  	s8 =	simm.s32 $0x1870;
	[sflag:s29] =	ssyncadd.s32 $0xFFFFFF80  }
0x2e2: {  	_ =	sfence.sel $0x180000  }
0x2e3: {  	[bflag:$0x0] =	sbarrier.arrive $0xFFFF  }
0x2e4: {  	_ =	strace $0x90000047  }
0x2e5: {  	s0 =	stileid.u32;
	[bflag:$0x2] =	sbarrier.arrive $0xFFFF  }
0x2e6: {  	p0 =	sne.s32 s0, $0x0;
	s0 =	rddreg [dreg:$0x5]  }
0x2e7: {  	s0 =	sadd.s32 @!p0 $0x100000, s0  }
0x2e8: {  	[sflag:s0] =	ssyncadd.tile.s32 @!p0 $0x1;
	_ =	shalt  }
.Lfunc_end2:
_tile_overlayer_lowered:
.L_overlay_start_2:
0x2e9: {  	(tag) =	ssettag $0x2  }
0x2ea: {  	s0 =	rddreg [dreg:$0x0];
	s2 =	stileid.u32  }
0x2eb: {  	s1 =	rddreg [dreg:$0x1];
	p0 =	sne.s32 s2, $0x0  }
0x2ec: {  	s3 =	rddreg [dreg:$0x2];
	[bflag:$0x3] =	sbarrier.arrive $0xFFFF;
	s2 =	simm.s32 @!p0 $0x1C07  }
0x2ed: {  	[timem:s3], [sflag:s2] =	dma.local @!p0 [hbm:s0], s1  }
0x2ee: {  	s0 =	simm.s32 @!p0 $0x7  }
0x2ef: {  	_ =	swait.ge @!p0 [sflag:s0], s1  }
0x2f0: {  	s1 =	ssub.s32 @!p0 $0x0, s1;
	[sflag:s0] =	ssyncset.done @!p0 $0x0  }
0x2f1: {  	[sflag:s0] =	ssyncadd.s32 @!p0 s1  }
0x2f2: {  	[bflag:$0x3] =	sbarrier.arrive $0xFFFF  }
0x2f3: {  	_ =	shalt  }

</sc_bundles>
